<compile_context>
chip_gen: v7x
topology: tpu7x:2x2x1
jax: 0.10.2.dev20260603
libtpu: 0.0.44.dev20260713+nightly
codegen_flags: <defaults>
</compile_context>

<pallas_src>
import functools

import jax
import jax.numpy as jnp
from jax import lax
from jax.experimental import pallas as pl
from jax.experimental.pallas import tpu as pltpu
from jax.experimental.pallas import tpu_sc as plsc

N_ROWS = 100000
DIM = 64
BATCH = 4096

_L = 16
_NC = 2
_NS = 16
_NW = _NC * _NS
_BPW = BATCH // _NW
_VPR = DIM // _L


def _lane_shuffle(x, idx):
    return lax.gather(
        x,
        idx.reshape(_L, 1),
        lax.GatherDimensionNumbers(
            offset_dims=(), collapsed_slice_dims=(0,), start_index_map=(0,)),
        slice_sizes=(1,),
        mode=lax.GatherScatterMode.PROMISE_IN_BOUNDS,
    )


def _score_kernel(tab_hbm, uidx_hbm, iidx_hbm, uid_hbm, iid_hbm,
                  out_hbm, uidx_v, iidx_v, uid_v, iid_v, urows_v, irows_v,
                  out_v, sem_u, sem_i):
    wid = lax.axis_index("s") * _NC + lax.axis_index("c")
    base = wid * _BPW

    pltpu.sync_copy(uidx_hbm.at[pl.ds(base, _BPW)], uidx_v)
    pltpu.sync_copy(iidx_hbm.at[pl.ds(base, _BPW)], iidx_v)
    pltpu.sync_copy(uid_hbm.at[pl.ds(base, _BPW)], uid_v)
    pltpu.sync_copy(iid_hbm.at[pl.ds(base, _BPW)], iid_v)

    cp_u = pltpu.async_copy(tab_hbm.at[uidx_v], urows_v, sem_u)
    cp_i = pltpu.async_copy(tab_hbm.at[iidx_v], irows_v, sem_i)
    cp_u.wait()
    cp_i.wait()

    lane = lax.iota(jnp.int32, _L)
    perms = [lane ^ k for k in (1, 2, 4, 8)]

    def group_body(g, carry):
        out_vec = jnp.zeros((_L,), jnp.float32)
        upv = uid_v[pl.ds(g * _L, _L)] & 1
        ipv = iid_v[pl.ds(g * _L, _L)] & 1
        for r in range(_L):
            row = g * _L + r
            hu = upv[r]
            hi = ipv[r]
            acc = jnp.zeros((_L,), jnp.float32)
            for j in range(_VPR):
                u = jnp.where(hu == 1,
                              urows_v[row, pl.ds(DIM + j * _L, _L)],
                              urows_v[row, pl.ds(j * _L, _L)])
                v = jnp.where(hi == 1,
                              irows_v[row, pl.ds(DIM + j * _L, _L)],
                              irows_v[row, pl.ds(j * _L, _L)])
                acc = acc + u * v
            for p in perms:
                acc = acc + _lane_shuffle(acc, p)
            out_vec = jnp.where(lane == r, acc, out_vec)
        out_v[pl.ds(g * _L, _L)] = out_vec
        return carry

    lax.fori_loop(0, _BPW // _L, group_body, 0)

    pltpu.sync_copy(out_v, out_hbm.at[pl.ds(base, _BPW)])


@jax.jit
def kernel(user_table, item_table, user_ids, item_ids):
    mesh = plsc.VectorSubcoreMesh(core_axis_name="c", subcore_axis_name="s")

    score = functools.partial(
        pl.kernel,
        mesh=mesh,
        out_type=jax.ShapeDtypeStruct((BATCH,), jnp.float32),
        scratch_types=[
            pltpu.VMEM((_BPW,), jnp.int32),
            pltpu.VMEM((_BPW,), jnp.int32),
            pltpu.VMEM((_BPW,), jnp.int32),
            pltpu.VMEM((_BPW,), jnp.int32),
            pltpu.VMEM((_BPW, 2 * DIM), jnp.float32),
            pltpu.VMEM((_BPW, 2 * DIM), jnp.float32),
            pltpu.VMEM((_BPW,), jnp.float32),
            pltpu.SemaphoreType.DMA,
            pltpu.SemaphoreType.DMA,
        ],
    )(_score_kernel)

    uids = user_ids.astype(jnp.int32)
    iids = item_ids.astype(jnp.int32)
    tab = jnp.concatenate([user_table.reshape(N_ROWS // 2, 2 * DIM),
                           item_table.reshape(N_ROWS // 2, 2 * DIM)], axis=0)
    return score(tab, uids >> 1, (iids >> 1) + N_ROWS // 2, uids, iids)

# --- scband reference (transcript-rebuilt; emitter-appended) ---
"""Pipeline reference for scband-basic-model-42923903156389 (READ-ONLY COPY).

The authoritative reference and input builder live on the scoring server;
editing this copy changes nothing except your own understanding.
"""

import jax, jax.numpy as jnp
import numpy as np

N_USER = 100000
M_ITEM = 100000
DIM = 64
BATCH = 4096

def setup_inputs(seed: int = 0) -> dict:
    key = jax.random.key(seed)
    k1, k2, k3, k4 = jax.random.split(key, 4)
    # Xavier-normal init for embedding tables: std = sqrt(2 / (fan_in + fan_out))
    std_u = float(np.sqrt(2.0 / (N_USER + DIM)))
    std_i = float(np.sqrt(2.0 / (M_ITEM + DIM)))
    user_table = jax.random.normal(k1, (N_USER, DIM), dtype=jnp.float32) * std_u
    item_table = jax.random.normal(k2, (M_ITEM, DIM), dtype=jnp.float32) * std_i
    user_ids = jax.random.randint(k3, (BATCH,), 0, N_USER, dtype=jnp.int64 if jax.config.jax_enable_x64 else jnp.int32)
    item_ids = jax.random.randint(k4, (BATCH,), 0, M_ITEM, dtype=jnp.int64 if jax.config.jax_enable_x64 else jnp.int32)
    return {"user_table": user_table, "item_table": item_table, "user_ids": user_ids, "item_ids": item_ids}

def reference(user_table, item_table, user_ids, item_ids):
    # Embedding lookup (gather) for users and items, then inner-product scoring
    u = jnp.take(user_table, user_ids, axis=0)  # [B, D]
    v = jnp.take(item_table, item_ids, axis=0)  # [B, D]
    scores = jnp.sum(u * v, axis=-1)            # [B]
    return scores

if __name__ == "__main__":
    import jax
    _d = setup_inputs()
    print(jax.jit(kernel)(*tuple(_d.values())))

</pallas_src>

<mosaic_0001>
#map = affine_map<(d0, d1) -> (0, 0)>
#map1 = affine_map<(d0, d1) -> (0)>
module attributes {stable_mosaic.version = 14 : i64} {
  func.func @_score_kernel(%arg0: i32, %arg1: i32, %arg2: memref<100000x128xf32, #tpu.memory_space<hbm>>, %arg3: memref<4096xi32, #tpu.memory_space<hbm>>, %arg4: memref<4096xi32, #tpu.memory_space<hbm>>, %arg5: memref<4096xi32, #tpu.memory_space<hbm>>, %arg6: memref<4096xi32, #tpu.memory_space<hbm>>, %arg7: memref<4096xf32, #tpu.memory_space<hbm>>, %arg8: memref<128xi32, #tpu.memory_space<vmem>>, %arg9: memref<128xi32, #tpu.memory_space<vmem>>, %arg10: memref<128xi32, #tpu.memory_space<vmem>>, %arg11: memref<128xi32, #tpu.memory_space<vmem>>, %arg12: memref<128x128xf32, #tpu.memory_space<vmem>>, %arg13: memref<128x128xf32, #tpu.memory_space<vmem>>, %arg14: memref<128xf32, #tpu.memory_space<vmem>>, %arg15: memref<!tpu.dma_semaphore, #tpu.memory_space<semaphore_mem>>, %arg16: memref<!tpu.dma_semaphore, #tpu.memory_space<semaphore_mem>>) attributes {dimension_semantics = [#tpu.dimension_semantics<core_parallel>, #tpu.dimension_semantics<subcore_parallel>], iteration_bounds = array<i64: 2, 16>, scalar_prefetch = 0 : i64, scratch_operands = 9 : i64, tpu.core_type = #tpu.core_type<sc_vector_subcore>, window_params = [{transform_indices = #map}, {transform_indices = #map1}, {transform_indices = #map1}, {transform_indices = #map1}, {transform_indices = #map1}, {transform_indices = #map1}]} {
    %mul3A = arith.constant 2 : i32
    %mul3A_0 = arith.muli %arg1, %mul3A : i32
    %add3A = arith.addi %mul3A_0, %arg0 : i32
    %mul3A_1 = arith.constant 128 : i32
    %mul3A_2 = arith.muli %add3A, %mul3A_1 : i32
    "tpu.region"() ({
      %run_scoped3A = tpu.sem_alloc : memref<!tpu.dma_semaphore, #tpu.memory_space<semaphore_mem>>
      %dma_start3A_29 = tpu.memref_slice %arg3[%mul3A_2] : memref<4096xi32, #tpu.memory_space<hbm>> -> memref<128xi32, #tpu.memory_space<hbm>>
      %dma_start3A_30 = tpu.memref_slice %arg3[%mul3A_2] : memref<4096xi32, #tpu.memory_space<hbm>> -> memref<128xi32, #tpu.memory_space<hbm>>
      tpu.enqueue_dma source(%dma_start3A_30 : memref<128xi32, #tpu.memory_space<hbm>>) target(%arg8 : memref<128xi32, #tpu.memory_space<vmem>>) target_semaphore(%run_scoped3A : memref<!tpu.dma_semaphore, #tpu.memory_space<semaphore_mem>>)
      %dma_wait3A_31 = tpu.memref_slice %arg3[%mul3A_2] : memref<4096xi32, #tpu.memory_space<hbm>> -> memref<128xi32, #tpu.memory_space<hbm>>
      %dma_wait3A_32 = tpu.memref_slice %arg3[%mul3A_2] : memref<4096xi32, #tpu.memory_space<hbm>> -> memref<128xi32, #tpu.memory_space<hbm>>
      tpu.wait_dma2 semaphore(%run_scoped3A : memref<!tpu.dma_semaphore, #tpu.memory_space<semaphore_mem>>) src(%dma_wait3A_32 : memref<128xi32, #tpu.memory_space<hbm>>) dst(%arg8 : memref<128xi32, #tpu.memory_space<vmem>>)
      tpu.yield
    }) : () -> ()
    "tpu.region"() ({
      %run_scoped3A = tpu.sem_alloc : memref<!tpu.dma_semaphore, #tpu.memory_space<semaphore_mem>>
      %dma_start3A_29 = tpu.memref_slice %arg4[%mul3A_2] : memref<4096xi32, #tpu.memory_space<hbm>> -> memref<128xi32, #tpu.memory_space<hbm>>
      %dma_start3A_30 = tpu.memref_slice %arg4[%mul3A_2] : memref<4096xi32, #tpu.memory_space<hbm>> -> memref<128xi32, #tpu.memory_space<hbm>>
      tpu.enqueue_dma source(%dma_start3A_30 : memref<128xi32, #tpu.memory_space<hbm>>) target(%arg9 : memref<128xi32, #tpu.memory_space<vmem>>) target_semaphore(%run_scoped3A : memref<!tpu.dma_semaphore, #tpu.memory_space<semaphore_mem>>)
      %dma_wait3A_31 = tpu.memref_slice %arg4[%mul3A_2] : memref<4096xi32, #tpu.memory_space<hbm>> -> memref<128xi32, #tpu.memory_space<hbm>>
      %dma_wait3A_32 = tpu.memref_slice %arg4[%mul3A_2] : memref<4096xi32, #tpu.memory_space<hbm>> -> memref<128xi32, #tpu.memory_space<hbm>>
      tpu.wait_dma2 semaphore(%run_scoped3A : memref<!tpu.dma_semaphore, #tpu.memory_space<semaphore_mem>>) src(%dma_wait3A_32 : memref<128xi32, #tpu.memory_space<hbm>>) dst(%arg9 : memref<128xi32, #tpu.memory_space<vmem>>)
      tpu.yield
    }) : () -> ()
    "tpu.region"() ({
      %run_scoped3A = tpu.sem_alloc : memref<!tpu.dma_semaphore, #tpu.memory_space<semaphore_mem>>
      %dma_start3A_29 = tpu.memref_slice %arg5[%mul3A_2] : memref<4096xi32, #tpu.memory_space<hbm>> -> memref<128xi32, #tpu.memory_space<hbm>>
      %dma_start3A_30 = tpu.memref_slice %arg5[%mul3A_2] : memref<4096xi32, #tpu.memory_space<hbm>> -> memref<128xi32, #tpu.memory_space<hbm>>
      tpu.enqueue_dma source(%dma_start3A_30 : memref<128xi32, #tpu.memory_space<hbm>>) target(%arg10 : memref<128xi32, #tpu.memory_space<vmem>>) target_semaphore(%run_scoped3A : memref<!tpu.dma_semaphore, #tpu.memory_space<semaphore_mem>>)
      %dma_wait3A_31 = tpu.memref_slice %arg5[%mul3A_2] : memref<4096xi32, #tpu.memory_space<hbm>> -> memref<128xi32, #tpu.memory_space<hbm>>
      %dma_wait3A_32 = tpu.memref_slice %arg5[%mul3A_2] : memref<4096xi32, #tpu.memory_space<hbm>> -> memref<128xi32, #tpu.memory_space<hbm>>
      tpu.wait_dma2 semaphore(%run_scoped3A : memref<!tpu.dma_semaphore, #tpu.memory_space<semaphore_mem>>) src(%dma_wait3A_32 : memref<128xi32, #tpu.memory_space<hbm>>) dst(%arg10 : memref<128xi32, #tpu.memory_space<vmem>>)
      tpu.yield
    }) : () -> ()
    "tpu.region"() ({
      %run_scoped3A = tpu.sem_alloc : memref<!tpu.dma_semaphore, #tpu.memory_space<semaphore_mem>>
      %dma_start3A_29 = tpu.memref_slice %arg6[%mul3A_2] : memref<4096xi32, #tpu.memory_space<hbm>> -> memref<128xi32, #tpu.memory_space<hbm>>
      %dma_start3A_30 = tpu.memref_slice %arg6[%mul3A_2] : memref<4096xi32, #tpu.memory_space<hbm>> -> memref<128xi32, #tpu.memory_space<hbm>>
      tpu.enqueue_dma source(%dma_start3A_30 : memref<128xi32, #tpu.memory_space<hbm>>) target(%arg11 : memref<128xi32, #tpu.memory_space<vmem>>) target_semaphore(%run_scoped3A : memref<!tpu.dma_semaphore, #tpu.memory_space<semaphore_mem>>)
      %dma_wait3A_31 = tpu.memref_slice %arg6[%mul3A_2] : memref<4096xi32, #tpu.memory_space<hbm>> -> memref<128xi32, #tpu.memory_space<hbm>>
      %dma_wait3A_32 = tpu.memref_slice %arg6[%mul3A_2] : memref<4096xi32, #tpu.memory_space<hbm>> -> memref<128xi32, #tpu.memory_space<hbm>>
      tpu.wait_dma2 semaphore(%run_scoped3A : memref<!tpu.dma_semaphore, #tpu.memory_space<semaphore_mem>>) src(%dma_wait3A_32 : memref<128xi32, #tpu.memory_space<hbm>>) dst(%arg11 : memref<128xi32, #tpu.memory_space<vmem>>)
      tpu.yield
    }) : () -> ()
    %dma_start3A = arith.constant 0 : i32
    %dma_start3A_3 = arith.constant 0 : i32
    %dma_start3A_4 = tpu.memref_slice %arg2[%dma_start3A, %dma_start3A_3] : memref<100000x128xf32, #tpu.memory_space<hbm>> -> memref<100000x128xf32, #tpu.memory_space<hbm>>
    tpu.enqueue_indirect_dma source(%dma_start3A_4 : memref<100000x128xf32, #tpu.memory_space<hbm>>) target(%arg12 : memref<128x128xf32, #tpu.memory_space<vmem>>) offsets(%arg8 : memref<128xi32, #tpu.memory_space<vmem>>) semaphore(%arg15 : memref<!tpu.dma_semaphore, #tpu.memory_space<semaphore_mem>>)
    %dma_start3A_5 = arith.constant 0 : i32
    %dma_start3A_6 = arith.constant 0 : i32
    %dma_start3A_7 = tpu.memref_slice %arg2[%dma_start3A_5, %dma_start3A_6] : memref<100000x128xf32, #tpu.memory_space<hbm>> -> memref<100000x128xf32, #tpu.memory_space<hbm>>
    tpu.enqueue_indirect_dma source(%dma_start3A_7 : memref<100000x128xf32, #tpu.memory_space<hbm>>) target(%arg13 : memref<128x128xf32, #tpu.memory_space<vmem>>) offsets(%arg9 : memref<128xi32, #tpu.memory_space<vmem>>) semaphore(%arg16 : memref<!tpu.dma_semaphore, #tpu.memory_space<semaphore_mem>>)
    %dma_wait3A = arith.constant 0 : i32
    %dma_wait3A_8 = arith.constant 0 : i32
    %dma_wait3A_9 = tpu.memref_slice %arg2[%dma_wait3A, %dma_wait3A_8] : memref<100000x128xf32, #tpu.memory_space<hbm>> -> memref<100000x128xf32, #tpu.memory_space<hbm>>
    tpu.wait_indirect_dma semaphore(%arg15 : memref<!tpu.dma_semaphore, #tpu.memory_space<semaphore_mem>>) src(%dma_wait3A_9 : memref<100000x128xf32, #tpu.memory_space<hbm>>) dst(%arg12 : memref<128x128xf32, #tpu.memory_space<vmem>>)
    %dma_wait3A_10 = arith.constant 0 : i32
    %dma_wait3A_11 = arith.constant 0 : i32
    %dma_wait3A_12 = tpu.memref_slice %arg2[%dma_wait3A_10, %dma_wait3A_11] : memref<100000x128xf32, #tpu.memory_space<hbm>> -> memref<100000x128xf32, #tpu.memory_space<hbm>>
    tpu.wait_indirect_dma semaphore(%arg16 : memref<!tpu.dma_semaphore, #tpu.memory_space<semaphore_mem>>) src(%dma_wait3A_12 : memref<100000x128xf32, #tpu.memory_space<hbm>>) dst(%arg13 : memref<128x128xf32, #tpu.memory_space<vmem>>)
    %iota3A = tpu.iota {dimensions = array<i32: 0>} : vector<16xi32>
    %xor3A = arith.constant 1 : i32
    %xor3A_13 = vector.broadcast %xor3A : i32 to vector<16xi32>
    %xor3A_14 = arith.xori %iota3A, %xor3A_13 : vector<16xi32>
    %xor3A_15 = arith.constant 2 : i32
    %xor3A_16 = vector.broadcast %xor3A_15 : i32 to vector<16xi32>
    %xor3A_17 = arith.xori %iota3A, %xor3A_16 : vector<16xi32>
    %xor3A_18 = arith.constant 4 : i32
    %xor3A_19 = vector.broadcast %xor3A_18 : i32 to vector<16xi32>
    %xor3A_20 = arith.xori %iota3A, %xor3A_19 : vector<16xi32>
    %xor3A_21 = arith.constant 8 : i32
    %xor3A_22 = vector.broadcast %xor3A_21 : i32 to vector<16xi32>
    %xor3A_23 = arith.xori %iota3A, %xor3A_22 : vector<16xi32>
    %scan3A = arith.constant 0 : i32
    %scan3A_24 = arith.constant 0 : i32
    %scan3A_25 = arith.constant 8 : i32
    %scan3A_26 = arith.addi %scan3A_24, %scan3A_25 : i32
    %scan3A_27 = arith.constant 1 : i32
    scf.for %scan3A_29 = %scan3A_24 to %scan3A_26 step %scan3A_27  : i32 {
      %broadcast_in_dim3A = arith.constant 0.000000e+00 : f32
      %broadcast_in_dim3A_30 = vector.broadcast %broadcast_in_dim3A : f32 to vector<16xf32>
      %mul3A_31 = arith.constant 16 : i32
      %mul3A_32 = arith.muli %scan3A_29, %mul3A_31 : i32
      %get3A = arith.index_cast %mul3A_32 : i32 to index
      %get3A_33 = tpu.vector_load %arg10[%get3A] {strides = array<i32>} : memref<128xi32, #tpu.memory_space<vmem>>, vector<16xi32>,
      %get3A_34 = vector.shape_cast %get3A_33 : vector<16xi32> to vector<16xi32>
      %and3A = arith.constant 1 : i32
      %and3A_35 = vector.broadcast %and3A : i32 to vector<16xi32>
      %and3A_36 = arith.andi %get3A_34, %and3A_35 : vector<16xi32>
      %mul3A_37 = arith.constant 16 : i32
      %mul3A_38 = arith.muli %scan3A_29, %mul3A_37 : i32
      %get3A_39 = arith.index_cast %mul3A_38 : i32 to index
      %get3A_40 = tpu.vector_load %arg11[%get3A_39] {strides = array<i32>} : memref<128xi32, #tpu.memory_space<vmem>>, vector<16xi32>,
      %get3A_41 = vector.shape_cast %get3A_40 : vector<16xi32> to vector<16xi32>
      %and3A_42 = arith.constant 1 : i32
      %and3A_43 = vector.broadcast %and3A_42 : i32 to vector<16xi32>
      %and3A_44 = arith.andi %get3A_41, %and3A_43 : vector<16xi32>
      %mul3A_45 = arith.constant 16 : i32
      %mul3A_46 = arith.muli %scan3A_29, %mul3A_45 : i32
      %add3A_47 = arith.constant 0 : i32
      %add3A_48 = arith.addi %mul3A_46, %add3A_47 : i32
      %slice3A = vector.extract_strided_slice %and3A_36 {offsets = [0], sizes = [1], strides = [1]} : vector<16xi32> to vector<1xi32>
      %squeeze3A = vector.extract %slice3A[0] : i32 from vector<1xi32>
      %slice3A_49 = vector.extract_strided_slice %and3A_44 {offsets = [0], sizes = [1], strides = [1]} : vector<16xi32> to vector<1xi32>
      %squeeze3A_50 = vector.extract %slice3A_49[0] : i32 from vector<1xi32>
      %broadcast_in_dim3A_51 = arith.constant 0.000000e+00 : f32
      %broadcast_in_dim3A_52 = vector.broadcast %broadcast_in_dim3A_51 : f32 to vector<16xf32>
      %eq3A = arith.constant 1 : i32
      %eq3A_53 = arith.cmpi eq, %squeeze3A, %eq3A : i32
      %get3A_54 = arith.index_cast %add3A_48 : i32 to index
      %get3A_55 = arith.constant 64 : index
      %get3A_56 = tpu.vector_load %arg12[%get3A_54, %get3A_55] {strides = array<i32>} : memref<128x128xf32, #tpu.memory_space<vmem>>, vector<1x16xf32>,
      %get3A_57 = vector.shape_cast %get3A_56 : vector<1x16xf32> to vector<16xf32>
      %get3A_58 = arith.index_cast %add3A_48 : i32 to index
      %get3A_59 = arith.constant 0 : index
      %get3A_60 = tpu.vector_load %arg12[%get3A_58, %get3A_59] {strides = array<i32>} : memref<128x128xf32, #tpu.memory_space<vmem>>, vector<1x16xf32>,
      %get3A_61 = vector.shape_cast %get3A_60 : vector<1x16xf32> to vector<16xf32>
      %select_n3A = arith.select %eq3A_53, %get3A_57, %get3A_61 : vector<16xf32>
      %eq3A_62 = arith.constant 1 : i32
      %eq3A_63 = arith.cmpi eq, %squeeze3A_50, %eq3A_62 : i32
      %get3A_64 = arith.index_cast %add3A_48 : i32 to index
      %get3A_65 = arith.constant 64 : index
      %get3A_66 = tpu.vector_load %arg13[%get3A_64, %get3A_65] {strides = array<i32>} : memref<128x128xf32, #tpu.memory_space<vmem>>, vector<1x16xf32>,
      %get3A_67 = vector.shape_cast %get3A_66 : vector<1x16xf32> to vector<16xf32>
      %get3A_68 = arith.index_cast %add3A_48 : i32 to index
      %get3A_69 = arith.constant 0 : index
      %get3A_70 = tpu.vector_load %arg13[%get3A_68, %get3A_69] {strides = array<i32>} : memref<128x128xf32, #tpu.memory_space<vmem>>, vector<1x16xf32>,
      %get3A_71 = vector.shape_cast %get3A_70 : vector<1x16xf32> to vector<16xf32>
      %select_n3A_72 = arith.select %eq3A_63, %get3A_67, %get3A_71 : vector<16xf32>
      %mul3A_73 = arith.mulf %select_n3A, %select_n3A_72 : vector<16xf32>
      %add3A_74 = arith.addf %broadcast_in_dim3A_52, %mul3A_73 : vector<16xf32>
      %eq3A_75 = arith.constant 1 : i32
      %eq3A_76 = arith.cmpi eq, %squeeze3A, %eq3A_75 : i32
      %get3A_77 = arith.index_cast %add3A_48 : i32 to index
      %get3A_78 = arith.constant 80 : index
      %get3A_79 = tpu.vector_load %arg12[%get3A_77, %get3A_78] {strides = array<i32>} : memref<128x128xf32, #tpu.memory_space<vmem>>, vector<1x16xf32>,
      %get3A_80 = vector.shape_cast %get3A_79 : vector<1x16xf32> to vector<16xf32>
      %get3A_81 = arith.index_cast %add3A_48 : i32 to index
      %get3A_82 = arith.constant 16 : index
      %get3A_83 = tpu.vector_load %arg12[%get3A_81, %get3A_82] {strides = array<i32>} : memref<128x128xf32, #tpu.memory_space<vmem>>, vector<1x16xf32>,
      %get3A_84 = vector.shape_cast %get3A_83 : vector<1x16xf32> to vector<16xf32>
      %select_n3A_85 = arith.select %eq3A_76, %get3A_80, %get3A_84 : vector<16xf32>
      %eq3A_86 = arith.constant 1 : i32
      %eq3A_87 = arith.cmpi eq, %squeeze3A_50, %eq3A_86 : i32
      %get3A_88 = arith.index_cast %add3A_48 : i32 to index
      %get3A_89 = arith.constant 80 : index
      %get3A_90 = tpu.vector_load %arg13[%get3A_88, %get3A_89] {strides = array<i32>} : memref<128x128xf32, #tpu.memory_space<vmem>>, vector<1x16xf32>,
      %get3A_91 = vector.shape_cast %get3A_90 : vector<1x16xf32> to vector<16xf32>
      %get3A_92 = arith.index_cast %add3A_48 : i32 to index
      %get3A_93 = arith.constant 16 : index
      %get3A_94 = tpu.vector_load %arg13[%get3A_92, %get3A_93] {strides = array<i32>} : memref<128x128xf32, #tpu.memory_space<vmem>>, vector<1x16xf32>,
      %get3A_95 = vector.shape_cast %get3A_94 : vector<1x16xf32> to vector<16xf32>
      %select_n3A_96 = arith.select %eq3A_87, %get3A_91, %get3A_95 : vector<16xf32>
      %mul3A_97 = arith.mulf %select_n3A_85, %select_n3A_96 : vector<16xf32>
      %add3A_98 = arith.addf %add3A_74, %mul3A_97 : vector<16xf32>
      %eq3A_99 = arith.constant 1 : i32
      %eq3A_100 = arith.cmpi eq, %squeeze3A, %eq3A_99 : i32
      %get3A_101 = arith.index_cast %add3A_48 : i32 to index
      %get3A_102 = arith.constant 96 : index
      %get3A_103 = tpu.vector_load %arg12[%get3A_101, %get3A_102] {strides = array<i32>} : memref<128x128xf32, #tpu.memory_space<vmem>>, vector<1x16xf32>,
      %get3A_104 = vector.shape_cast %get3A_103 : vector<1x16xf32> to vector<16xf32>
      %get3A_105 = arith.index_cast %add3A_48 : i32 to index
      %get3A_106 = arith.constant 32 : index
      %get3A_107 = tpu.vector_load %arg12[%get3A_105, %get3A_106] {strides = array<i32>} : memref<128x128xf32, #tpu.memory_space<vmem>>, vector<1x16xf32>,
      %get3A_108 = vector.shape_cast %get3A_107 : vector<1x16xf32> to vector<16xf32>
      %select_n3A_109 = arith.select %eq3A_100, %get3A_104, %get3A_108 : vector<16xf32>
      %eq3A_110 = arith.constant 1 : i32
      %eq3A_111 = arith.cmpi eq, %squeeze3A_50, %eq3A_110 : i32
      %get3A_112 = arith.index_cast %add3A_48 : i32 to index
      %get3A_113 = arith.constant 96 : index
      %get3A_114 = tpu.vector_load %arg13[%get3A_112, %get3A_113] {strides = array<i32>} : memref<128x128xf32, #tpu.memory_space<vmem>>, vector<1x16xf32>,
      %get3A_115 = vector.shape_cast %get3A_114 : vector<1x16xf32> to vector<16xf32>
      %get3A_116 = arith.index_cast %add3A_48 : i32 to index
      %get3A_117 = arith.constant 32 : index
      %get3A_118 = tpu.vector_load %arg13[%get3A_116, %get3A_117] {strides = array<i32>} : memref<128x128xf32, #tpu.memory_space<vmem>>, vector<1x16xf32>,
      %get3A_119 = vector.shape_cast %get3A_118 : vector<1x16xf32> to vector<16xf32>
      %select_n3A_120 = arith.select %eq3A_111, %get3A_115, %get3A_119 : vector<16xf32>
      %mul3A_121 = arith.mulf %select_n3A_109, %select_n3A_120 : vector<16xf32>
      %add3A_122 = arith.addf %add3A_98, %mul3A_121 : vector<16xf32>
      %eq3A_123 = arith.constant 1 : i32
      %eq3A_124 = arith.cmpi eq, %squeeze3A, %eq3A_123 : i32
      %get3A_125 = arith.index_cast %add3A_48 : i32 to index
      %get3A_126 = arith.constant 112 : index
      %get3A_127 = tpu.vector_load %arg12[%get3A_125, %get3A_126] {strides = array<i32>} : memref<128x128xf32, #tpu.memory_space<vmem>>, vector<1x16xf32>,
      %get3A_128 = vector.shape_cast %get3A_127 : vector<1x16xf32> to vector<16xf32>
      %get3A_129 = arith.index_cast %add3A_48 : i32 to index
      %get3A_130 = arith.constant 48 : index
      %get3A_131 = tpu.vector_load %arg12[%get3A_129, %get3A_130] {strides = array<i32>} : memref<128x128xf32, #tpu.memory_space<vmem>>, vector<1x16xf32>,
      %get3A_132 = vector.shape_cast %get3A_131 : vector<1x16xf32> to vector<16xf32>
      %select_n3A_133 = arith.select %eq3A_124, %get3A_128, %get3A_132 : vector<16xf32>
      %eq3A_134 = arith.constant 1 : i32
      %eq3A_135 = arith.cmpi eq, %squeeze3A_50, %eq3A_134 : i32
      %get3A_136 = arith.index_cast %add3A_48 : i32 to index
      %get3A_137 = arith.constant 112 : index
      %get3A_138 = tpu.vector_load %arg13[%get3A_136, %get3A_137] {strides = array<i32>} : memref<128x128xf32, #tpu.memory_space<vmem>>, vector<1x16xf32>,
      %get3A_139 = vector.shape_cast %get3A_138 : vector<1x16xf32> to vector<16xf32>
      %get3A_140 = arith.index_cast %add3A_48 : i32 to index
      %get3A_141 = arith.constant 48 : index
      %get3A_142 = tpu.vector_load %arg13[%get3A_140, %get3A_141] {strides = array<i32>} : memref<128x128xf32, #tpu.memory_space<vmem>>, vector<1x16xf32>,
      %get3A_143 = vector.shape_cast %get3A_142 : vector<1x16xf32> to vector<16xf32>
      %select_n3A_144 = arith.select %eq3A_135, %get3A_139, %get3A_143 : vector<16xf32>
      %mul3A_145 = arith.mulf %select_n3A_133, %select_n3A_144 : vector<16xf32>
      %add3A_146 = arith.addf %add3A_122, %mul3A_145 : vector<16xf32>
      %reshape3A = vector.shape_cast %xor3A_14 : vector<16xi32> to vector<16x1xi32>
      %gather3A = vector.shape_cast %reshape3A : vector<16x1xi32> to vector<16xi32>
      %gather3A_147 = tpu.dynamic_gather %add3A_146[%gather3A] in [0] : vector<16xf32>, vector<16xi32> -> vector<16xf32>
      %add3A_148 = arith.addf %add3A_146, %gather3A_147 : vector<16xf32>
      %reshape3A_149 = vector.shape_cast %xor3A_17 : vector<16xi32> to vector<16x1xi32>
      %gather3A_150 = vector.shape_cast %reshape3A_149 : vector<16x1xi32> to vector<16xi32>
      %gather3A_151 = tpu.dynamic_gather %add3A_148[%gather3A_150] in [0] : vector<16xf32>, vector<16xi32> -> vector<16xf32>
      %add3A_152 = arith.addf %add3A_148, %gather3A_151 : vector<16xf32>
      %reshape3A_153 = vector.shape_cast %xor3A_20 : vector<16xi32> to vector<16x1xi32>
      %gather3A_154 = vector.shape_cast %reshape3A_153 : vector<16x1xi32> to vector<16xi32>
      %gather3A_155 = tpu.dynamic_gather %add3A_152[%gather3A_154] in [0] : vector<16xf32>, vector<16xi32> -> vector<16xf32>
      %add3A_156 = arith.addf %add3A_152, %gather3A_155 : vector<16xf32>
      %reshape3A_157 = vector.shape_cast %xor3A_23 : vector<16xi32> to vector<16x1xi32>
      %gather3A_158 = vector.shape_cast %reshape3A_157 : vector<16x1xi32> to vector<16xi32>
      %gather3A_159 = tpu.dynamic_gather %add3A_156[%gather3A_158] in [0] : vector<16xf32>, vector<16xi32> -> vector<16xf32>
      %add3A_160 = arith.addf %add3A_156, %gather3A_159 : vector<16xf32>
      %eq3A_161 = arith.constant 0 : i32
      %eq3A_162 = vector.broadcast %eq3A_161 : i32 to vector<16xi32>
      %eq3A_163 = arith.cmpi eq, %iota3A, %eq3A_162 : vector<16xi32>
      %select_n3A_164 = arith.select %eq3A_163, %add3A_160, %broadcast_in_dim3A_30 : vector<16xi1>, vector<16xf32>
      %mul3A_165 = arith.constant 16 : i32
      %mul3A_166 = arith.muli %scan3A_29, %mul3A_165 : i32
      %add3A_167 = arith.constant 1 : i32
      %add3A_168 = arith.addi %mul3A_166, %add3A_167 : i32
      %slice3A_169 = vector.extract_strided_slice %and3A_36 {offsets = [1], sizes = [1], strides = [1]} : vector<16xi32> to vector<1xi32>
      %squeeze3A_170 = vector.extract %slice3A_169[0] : i32 from vector<1xi32>
      %slice3A_171 = vector.extract_strided_slice %and3A_44 {offsets = [1], sizes = [1], strides = [1]} : vector<16xi32> to vector<1xi32>
      %squeeze3A_172 = vector.extract %slice3A_171[0] : i32 from vector<1xi32>
      %broadcast_in_dim3A_173 = arith.constant 0.000000e+00 : f32
      %broadcast_in_dim3A_174 = vector.broadcast %broadcast_in_dim3A_173 : f32 to vector<16xf32>
      %eq3A_175 = arith.constant 1 : i32
      %eq3A_176 = arith.cmpi eq, %squeeze3A_170, %eq3A_175 : i32
      %get3A_177 = arith.index_cast %add3A_168 : i32 to index
      %get3A_178 = arith.constant 64 : index
      %get3A_179 = tpu.vector_load %arg12[%get3A_177, %get3A_178] {strides = array<i32>} : memref<128x128xf32, #tpu.memory_space<vmem>>, vector<1x16xf32>,
      %get3A_180 = vector.shape_cast %get3A_179 : vector<1x16xf32> to vector<16xf32>
      %get3A_181 = arith.index_cast %add3A_168 : i32 to index
      %get3A_182 = arith.constant 0 : index
      %get3A_183 = tpu.vector_load %arg12[%get3A_181, %get3A_182] {strides = array<i32>} : memref<128x128xf32, #tpu.memory_space<vmem>>, vector<1x16xf32>,
      %get3A_184 = vector.shape_cast %get3A_183 : vector<1x16xf32> to vector<16xf32>
      %select_n3A_185 = arith.select %eq3A_176, %get3A_180, %get3A_184 : vector<16xf32>
      %eq3A_186 = arith.constant 1 : i32
      %eq3A_187 = arith.cmpi eq, %squeeze3A_172, %eq3A_186 : i32
      %get3A_188 = arith.index_cast %add3A_168 : i32 to index
      %get3A_189 = arith.constant 64 : index
      %get3A_190 = tpu.vector_load %arg13[%get3A_188, %get3A_189] {strides = array<i32>} : memref<128x128xf32, #tpu.memory_space<vmem>>, vector<1x16xf32>,
      %get3A_191 = vector.shape_cast %get3A_190 : vector<1x16xf32> to vector<16xf32>
      %get3A_192 = arith.index_cast %add3A_168 : i32 to index
      %get3A_193 = arith.constant 0 : index
      %get3A_194 = tpu.vector_load %arg13[%get3A_192, %get3A_193] {strides = array<i32>} : memref<128x128xf32, #tpu.memory_space<vmem>>, vector<1x16xf32>,
      %get3A_195 = vector.shape_cast %get3A_194 : vector<1x16xf32> to vector<16xf32>
      %select_n3A_196 = arith.select %eq3A_187, %get3A_191, %get3A_195 : vector<16xf32>
      %mul3A_197 = arith.mulf %select_n3A_185, %select_n3A_196 : vector<16xf32>
      %add3A_198 = arith.addf %broadcast_in_dim3A_174, %mul3A_197 : vector<16xf32>
      %eq3A_199 = arith.constant 1 : i32
      %eq3A_200 = arith.cmpi eq, %squeeze3A_170, %eq3A_199 : i32
      %get3A_201 = arith.index_cast %add3A_168 : i32 to index
      %get3A_202 = arith.constant 80 : index
      %get3A_203 = tpu.vector_load %arg12[%get3A_201, %get3A_202] {strides = array<i32>} : memref<128x128xf32, #tpu.memory_space<vmem>>, vector<1x16xf32>,
      %get3A_204 = vector.shape_cast %get3A_203 : vector<1x16xf32> to vector<16xf32>
      %get3A_205 = arith.index_cast %add3A_168 : i32 to index
      %get3A_206 = arith.constant 16 : index
      %get3A_207 = tpu.vector_load %arg12[%get3A_205, %get3A_206] {strides = array<i32>} : memref<128x128xf32, #tpu.memory_space<vmem>>, vector<1x16xf32>,
      %get3A_208 = vector.shape_cast %get3A_207 : vector<1x16xf32> to vector<16xf32>
      %select_n3A_209 = arith.select %eq3A_200, %get3A_204, %get3A_208 : vector<16xf32>
      %eq3A_210 = arith.constant 1 : i32
      %eq3A_211 = arith.cmpi eq, %squeeze3A_172, %eq3A_210 : i32
      %get3A_212 = arith.index_cast %add3A_168 : i32 to index
      %get3A_213 = arith.constant 80 : index
      %get3A_214 = tpu.vector_load %arg13[%get3A_212, %get3A_213] {strides = array<i32>} : memref<128x128xf32, #tpu.memory_space<vmem>>, vector<1x16xf32>,
      %get3A_215 = vector.shape_cast %get3A_214 : vector<1x16xf32> to vector<16xf32>
      %get3A_216 = arith.index_cast %add3A_168 : i32 to index
      %get3A_217 = arith.constant 16 : index
      %get3A_218 = tpu.vector_load %arg13[%get3A_216, %get3A_217] {strides = array<i32>} : memref<128x128xf32, #tpu.memory_space<vmem>>, vector<1x16xf32>,
      %get3A_219 = vector.shape_cast %get3A_218 : vector<1x16xf32> to vector<16xf32>
      %select_n3A_220 = arith.select %eq3A_211, %get3A_215, %get3A_219 : vector<16xf32>
      %mul3A_221 = arith.mulf %select_n3A_209, %select_n3A_220 : vector<16xf32>
      %add3A_222 = arith.addf %add3A_198, %mul3A_221 : vector<16xf32>
      %eq3A_223 = arith.constant 1 : i32
      %eq3A_224 = arith.cmpi eq, %squeeze3A_170, %eq3A_223 : i32
      %get3A_225 = arith.index_cast %add3A_168 : i32 to index
      %get3A_226 = arith.constant 96 : index
      %get3A_227 = tpu.vector_load %arg12[%get3A_225, %get3A_226] {strides = array<i32>} : memref<128x128xf32, #tpu.memory_space<vmem>>, vector<1x16xf32>,
      %get3A_228 = vector.shape_cast %get3A_227 : vector<1x16xf32> to vector<16xf32>
      %get3A_229 = arith.index_cast %add3A_168 : i32 to index
      %get3A_230 = arith.constant 32 : index
      %get3A_231 = tpu.vector_load %arg12[%get3A_229, %get3A_230] {strides = array<i32>} : memref<128x128xf32, #tpu.memory_space<vmem>>, vector<1x16xf32>,
      %get3A_232 = vector.shape_cast %get3A_231 : vector<1x16xf32> to vector<16xf32>
      %select_n3A_233 = arith.select %eq3A_224, %get3A_228, %get3A_232 : vector<16xf32>
      %eq3A_234 = arith.constant 1 : i32
      %eq3A_235 = arith.cmpi eq, %squeeze3A_172, %eq3A_234 : i32
      %get3A_236 = arith.index_cast %add3A_168 : i32 to index
      %get3A_237 = arith.constant 96 : index
      %get3A_238 = tpu.vector_load %arg13[%get3A_236, %get3A_237] {strides = array<i32>} : memref<128x128xf32, #tpu.memory_space<vmem>>, vector<1x16xf32>,
      %get3A_239 = vector.shape_cast %get3A_238 : vector<1x16xf32> to vector<16xf32>
      %get3A_240 = arith.index_cast %add3A_168 : i32 to index
      %get3A_241 = arith.constant 32 : index
      %get3A_242 = tpu.vector_load %arg13[%get3A_240, %get3A_241] {strides = array<i32>} : memref<128x128xf32, #tpu.memory_space<vmem>>, vector<1x16xf32>,
      %get3A_243 = vector.shape_cast %get3A_242 : vector<1x16xf32> to vector<16xf32>
      %select_n3A_244 = arith.select %eq3A_235, %get3A_239, %get3A_243 : vector<16xf32>
      %mul3A_245 = arith.mulf %select_n3A_233, %select_n3A_244 : vector<16xf32>
      %add3A_246 = arith.addf %add3A_222, %mul3A_245 : vector<16xf32>
      %eq3A_247 = arith.constant 1 : i32
      %eq3A_248 = arith.cmpi eq, %squeeze3A_170, %eq3A_247 : i32
      %get3A_249 = arith.index_cast %add3A_168 : i32 to index
      %get3A_250 = arith.constant 112 : index
      %get3A_251 = tpu.vector_load %arg12[%get3A_249, %get3A_250] {strides = array<i32>} : memref<128x128xf32, #tpu.memory_space<vmem>>, vector<1x16xf32>,
      %get3A_252 = vector.shape_cast %get3A_251 : vector<1x16xf32> to vector<16xf32>
      %get3A_253 = arith.index_cast %add3A_168 : i32 to index
      %get3A_254 = arith.constant 48 : index
      %get3A_255 = tpu.vector_load %arg12[%get3A_253, %get3A_254] {strides = array<i32>} : memref<128x128xf32, #tpu.memory_space<vmem>>, vector<1x16xf32>,
      %get3A_256 = vector.shape_cast %get3A_255 : vector<1x16xf32> to vector<16xf32>
      %select_n3A_257 = arith.select %eq3A_248, %get3A_252, %get3A_256 : vector<16xf32>
      %eq3A_258 = arith.constant 1 : i32
      %eq3A_259 = arith.cmpi eq, %squeeze3A_172, %eq3A_258 : i32
      %get3A_260 = arith.index_cast %add3A_168 : i32 to index
      %get3A_261 = arith.constant 112 : index
      %get3A_262 = tpu.vector_load %arg13[%get3A_260, %get3A_261] {strides = array<i32>} : memref<128x128xf32, #tpu.memory_space<vmem>>, vector<1x16xf32>,
      %get3A_263 = vector.shape_cast %get3A_262 : vector<1x16xf32> to vector<16xf32>
      %get3A_264 = arith.index_cast %add3A_168 : i32 to index
      %get3A_265 = arith.constant 48 : index
      %get3A_266 = tpu.vector_load %arg13[%get3A_264, %get3A_265] {strides = array<i32>} : memref<128x128xf32, #tpu.memory_space<vmem>>, vector<1x16xf32>,
      %get3A_267 = vector.shape_cast %get3A_266 : vector<1x16xf32> to vector<16xf32>
      %select_n3A_268 = arith.select %eq3A_259, %get3A_263, %get3A_267 : vector<16xf32>
      %mul3A_269 = arith.mulf %select_n3A_257, %select_n3A_268 : vector<16xf32>
      %add3A_270 = arith.addf %add3A_246, %mul3A_269 : vector<16xf32>
      %reshape3A_271 = vector.shape_cast %xor3A_14 : vector<16xi32> to vector<16x1xi32>
      %gather3A_272 = vector.shape_cast %reshape3A_271 : vector<16x1xi32> to vector<16xi32>
      %gather3A_273 = tpu.dynamic_gather %add3A_270[%gather3A_272] in [0] : vector<16xf32>, vector<16xi32> -> vector<16xf32>
      %add3A_274 = arith.addf %add3A_270, %gather3A_273 : vector<16xf32>
      %reshape3A_275 = vector.shape_cast %xor3A_17 : vector<16xi32> to vector<16x1xi32>
      %gather3A_276 = vector.shape_cast %reshape3A_275 : vector<16x1xi32> to vector<16xi32>
      %gather3A_277 = tpu.dynamic_gather %add3A_274[%gather3A_276] in [0] : vector<16xf32>, vector<16xi32> -> vector<16xf32>
      %add3A_278 = arith.addf %add3A_274, %gather3A_277 : vector<16xf32>
      %reshape3A_279 = vector.shape_cast %xor3A_20 : vector<16xi32> to vector<16x1xi32>
      %gather3A_280 = vector.shape_cast %reshape3A_279 : vector<16x1xi32> to vector<16xi32>
      %gather3A_281 = tpu.dynamic_gather %add3A_278[%gather3A_280] in [0] : vector<16xf32>, vector<16xi32> -> vector<16xf32>
      %add3A_282 = arith.addf %add3A_278, %gather3A_281 : vector<16xf32>
      %reshape3A_283 = vector.shape_cast %xor3A_23 : vector<16xi32> to vector<16x1xi32>
      %gather3A_284 = vector.shape_cast %reshape3A_283 : vector<16x1xi32> to vector<16xi32>
      %gather3A_285 = tpu.dynamic_gather %add3A_282[%gather3A_284] in [0] : vector<16xf32>, vector<16xi32> -> vector<16xf32>
      %add3A_286 = arith.addf %add3A_282, %gather3A_285 : vector<16xf32>
      %eq3A_287 = arith.constant 1 : i32
      %eq3A_288 = vector.broadcast %eq3A_287 : i32 to vector<16xi32>
      %eq3A_289 = arith.cmpi eq, %iota3A, %eq3A_288 : vector<16xi32>
      %select_n3A_290 = arith.select %eq3A_289, %add3A_286, %select_n3A_164 : vector<16xi1>, vector<16xf32>
      %mul3A_291 = arith.constant 16 : i32
      %mul3A_292 = arith.muli %scan3A_29, %mul3A_291 : i32
      %add3A_293 = arith.constant 2 : i32
      %add3A_294 = arith.addi %mul3A_292, %add3A_293 : i32
      %slice3A_295 = vector.extract_strided_slice %and3A_36 {offsets = [2], sizes = [1], strides = [1]} : vector<16xi32> to vector<1xi32>
      %squeeze3A_296 = vector.extract %slice3A_295[0] : i32 from vector<1xi32>
      %slice3A_297 = vector.extract_strided_slice %and3A_44 {offsets = [2], sizes = [1], strides = [1]} : vector<16xi32> to vector<1xi32>
      %squeeze3A_298 = vector.extract %slice3A_297[0] : i32 from vector<1xi32>
      %broadcast_in_dim3A_299 = arith.constant 0.000000e+00 : f32
      %broadcast_in_dim3A_300 = vector.broadcast %broadcast_in_dim3A_299 : f32 to vector<16xf32>
      %eq3A_301 = arith.constant 1 : i32
      %eq3A_302 = arith.cmpi eq, %squeeze3A_296, %eq3A_301 : i32
      %get3A_303 = arith.index_cast %add3A_294 : i32 to index
      %get3A_304 = arith.constant 64 : index
      %get3A_305 = tpu.vector_load %arg12[%get3A_303, %get3A_304] {strides = array<i32>} : memref<128x128xf32, #tpu.memory_space<vmem>>, vector<1x16xf32>,
      %get3A_306 = vector.shape_cast %get3A_305 : vector<1x16xf32> to vector<16xf32>
      %get3A_307 = arith.index_cast %add3A_294 : i32 to index
      %get3A_308 = arith.constant 0 : index
      %get3A_309 = tpu.vector_load %arg12[%get3A_307, %get3A_308] {strides = array<i32>} : memref<128x128xf32, #tpu.memory_space<vmem>>, vector<1x16xf32>,
      %get3A_310 = vector.shape_cast %get3A_309 : vector<1x16xf32> to vector<16xf32>
      %select_n3A_311 = arith.select %eq3A_302, %get3A_306, %get3A_310 : vector<16xf32>
      %eq3A_312 = arith.constant 1 : i32
      %eq3A_313 = arith.cmpi eq, %squeeze3A_298, %eq3A_312 : i32
      %get3A_314 = arith.index_cast %add3A_294 : i32 to index
      %get3A_315 = arith.constant 64 : index
      %get3A_316 = tpu.vector_load %arg13[%get3A_314, %get3A_315] {strides = array<i32>} : memref<128x128xf32, #tpu.memory_space<vmem>>, vector<1x16xf32>,
      %get3A_317 = vector.shape_cast %get3A_316 : vector<1x16xf32> to vector<16xf32>
      %get3A_318 = arith.index_cast %add3A_294 : i32 to index
      %get3A_319 = arith.constant 0 : index
      %get3A_320 = tpu.vector_load %arg13[%get3A_318, %get3A_319] {strides = array<i32>} : memref<128x128xf32, #tpu.memory_space<vmem>>, vector<1x16xf32>,
      %get3A_321 = vector.shape_cast %get3A_320 : vector<1x16xf32> to vector<16xf32>
      %select_n3A_322 = arith.select %eq3A_313, %get3A_317, %get3A_321 : vector<16xf32>
      %mul3A_323 = arith.mulf %select_n3A_311, %select_n3A_322 : vector<16xf32>
      %add3A_324 = arith.addf %broadcast_in_dim3A_300, %mul3A_323 : vector<16xf32>
      %eq3A_325 = arith.constant 1 : i32
      %eq3A_326 = arith.cmpi eq, %squeeze3A_296, %eq3A_325 : i32
      %get3A_327 = arith.index_cast %add3A_294 : i32 to index
      %get3A_328 = arith.constant 80 : index
      %get3A_329 = tpu.vector_load %arg12[%get3A_327, %get3A_328] {strides = array<i32>} : memref<128x128xf32, #tpu.memory_space<vmem>>, vector<1x16xf32>,
      %get3A_330 = vector.shape_cast %get3A_329 : vector<1x16xf32> to vector<16xf32>
      %get3A_331 = arith.index_cast %add3A_294 : i32 to index
      %get3A_332 = arith.constant 16 : index
      %get3A_333 = tpu.vector_load %arg12[%get3A_331, %get3A_332] {strides = array<i32>} : memref<128x128xf32, #tpu.memory_space<vmem>>, vector<1x16xf32>,
      %get3A_334 = vector.shape_cast %get3A_333 : vector<1x16xf32> to vector<16xf32>
      %select_n3A_335 = arith.select %eq3A_326, %get3A_330, %get3A_334 : vector<16xf32>
      %eq3A_336 = arith.constant 1 : i32
      %eq3A_337 = arith.cmpi eq, %squeeze3A_298, %eq3A_336 : i32
      %get3A_338 = arith.index_cast %add3A_294 : i32 to index
      %get3A_339 = arith.constant 80 : index
      %get3A_340 = tpu.vector_load %arg13[%get3A_338, %get3A_339] {strides = array<i32>} : memref<128x128xf32, #tpu.memory_space<vmem>>, vector<1x16xf32>,
      %get3A_341 = vector.shape_cast %get3A_340 : vector<1x16xf32> to vector<16xf32>
      %get3A_342 = arith.index_cast %add3A_294 : i32 to index
      %get3A_343 = arith.constant 16 : index
      %get3A_344 = tpu.vector_load %arg13[%get3A_342, %get3A_343] {strides = array<i32>} : memref<128x128xf32, #tpu.memory_space<vmem>>, vector<1x16xf32>,
      %get3A_345 = vector.shape_cast %get3A_344 : vector<1x16xf32> to vector<16xf32>
      %select_n3A_346 = arith.select %eq3A_337, %get3A_341, %get3A_345 : vector<16xf32>
      %mul3A_347 = arith.mulf %select_n3A_335, %select_n3A_346 : vector<16xf32>
      %add3A_348 = arith.addf %add3A_324, %mul3A_347 : vector<16xf32>
      %eq3A_349 = arith.constant 1 : i32
      %eq3A_350 = arith.cmpi eq, %squeeze3A_296, %eq3A_349 : i32
      %get3A_351 = arith.index_cast %add3A_294 : i32 to index
      %get3A_352 = arith.constant 96 : index
      %get3A_353 = tpu.vector_load %arg12[%get3A_351, %get3A_352] {strides = array<i32>} : memref<128x128xf32, #tpu.memory_space<vmem>>, vector<1x16xf32>,
      %get3A_354 = vector.shape_cast %get3A_353 : vector<1x16xf32> to vector<16xf32>
      %get3A_355 = arith.index_cast %add3A_294 : i32 to index
      %get3A_356 = arith.constant 32 : index
      %get3A_357 = tpu.vector_load %arg12[%get3A_355, %get3A_356] {strides = array<i32>} : memref<128x128xf32, #tpu.memory_space<vmem>>, vector<1x16xf32>,
      %get3A_358 = vector.shape_cast %get3A_357 : vector<1x16xf32> to vector<16xf32>
      %select_n3A_359 = arith.select %eq3A_350, %get3A_354, %get3A_358 : vector<16xf32>
      %eq3A_360 = arith.constant 1 : i32
      %eq3A_361 = arith.cmpi eq, %squeeze3A_298, %eq3A_360 : i32
      %get3A_362 = arith.index_cast %add3A_294 : i32 to index
      %get3A_363 = arith.constant 96 : index
      %get3A_364 = tpu.vector_load %arg13[%get3A_362, %get3A_363] {strides = array<i32>} : memref<128x128xf32, #tpu.memory_space<vmem>>, vector<1x16xf32>,
      %get3A_365 = vector.shape_cast %get3A_364 : vector<1x16xf32> to vector<16xf32>
      %get3A_366 = arith.index_cast %add3A_294 : i32 to index
      %get3A_367 = arith.constant 32 : index
      %get3A_368 = tpu.vector_load %arg13[%get3A_366, %get3A_367] {strides = array<i32>} : memref<128x128xf32, #tpu.memory_space<vmem>>, vector<1x16xf32>,
      %get3A_369 = vector.shape_cast %get3A_368 : vector<1x16xf32> to vector<16xf32>
      %select_n3A_370 = arith.select %eq3A_361, %get3A_365, %get3A_369 : vector<16xf32>
      %mul3A_371 = arith.mulf %select_n3A_359, %select_n3A_370 : vector<16xf32>
      %add3A_372 = arith.addf %add3A_348, %mul3A_371 : vector<16xf32>
      %eq3A_373 = arith.constant 1 : i32
      %eq3A_374 = arith.cmpi eq, %squeeze3A_296, %eq3A_373 : i32
      %get3A_375 = arith.index_cast %add3A_294 : i32 to index
      %get3A_376 = arith.constant 112 : index
      %get3A_377 = tpu.vector_load %arg12[%get3A_375, %get3A_376] {strides = array<i32>} : memref<128x128xf32, #tpu.memory_space<vmem>>, vector<1x16xf32>,
      %get3A_378 = vector.shape_cast %get3A_377 : vector<1x16xf32> to vector<16xf32>
      %get3A_379 = arith.index_cast %add3A_294 : i32 to index
      %get3A_380 = arith.constant 48 : index
      %get3A_381 = tpu.vector_load %arg12[%get3A_379, %get3A_380] {strides = array<i32>} : memref<128x128xf32, #tpu.memory_space<vmem>>, vector<1x16xf32>,
      %get3A_382 = vector.shape_cast %get3A_381 : vector<1x16xf32> to vector<16xf32>
      %select_n3A_383 = arith.select %eq3A_374, %get3A_378, %get3A_382 : vector<16xf32>
      %eq3A_384 = arith.constant 1 : i32
      %eq3A_385 = arith.cmpi eq, %squeeze3A_298, %eq3A_384 : i32
      %get3A_386 = arith.index_cast %add3A_294 : i32 to index
      %get3A_387 = arith.constant 112 : index
      %get3A_388 = tpu.vector_load %arg13[%get3A_386, %get3A_387] {strides = array<i32>} : memref<128x128xf32, #tpu.memory_space<vmem>>, vector<1x16xf32>,
      %get3A_389 = vector.shape_cast %get3A_388 : vector<1x16xf32> to vector<16xf32>
      %get3A_390 = arith.index_cast %add3A_294 : i32 to index
      %get3A_391 = arith.constant 48 : index
      %get3A_392 = tpu.vector_load %arg13[%get3A_390, %get3A_391] {strides = array<i32>} : memref<128x128xf32, #tpu.memory_space<vmem>>, vector<1x16xf32>,
      %get3A_393 = vector.shape_cast %get3A_392 : vector<1x16xf32> to vector<16xf32>
      %select_n3A_394 = arith.select %eq3A_385, %get3A_389, %get3A_393 : vector<16xf32>
      %mul3A_395 = arith.mulf %select_n3A_383, %select_n3A_394 : vector<16xf32>
      %add3A_396 = arith.addf %add3A_372, %mul3A_395 : vector<16xf32>
      %reshape3A_397 = vector.shape_cast %xor3A_14 : vector<16xi32> to vector<16x1xi32>
      %gather3A_398 = vector.shape_cast %reshape3A_397 : vector<16x1xi32> to vector<16xi32>
      %gather3A_399 = tpu.dynamic_gather %add3A_396[%gather3A_398] in [0] : vector<16xf32>, vector<16xi32> -> vector<16xf32>
      %add3A_400 = arith.addf %add3A_396, %gather3A_399 : vector<16xf32>
      %reshape3A_401 = vector.shape_cast %xor3A_17 : vector<16xi32> to vector<16x1xi32>
      %gather3A_402 = vector.shape_cast %reshape3A_401 : vector<16x1xi32> to vector<16xi32>
      %gather3A_403 = tpu.dynamic_gather %add3A_400[%gather3A_402] in [0] : vector<16xf32>, vector<16xi32> -> vector<16xf32>
      %add3A_404 = arith.addf %add3A_400, %gather3A_403 : vector<16xf32>
      %reshape3A_405 = vector.shape_cast %xor3A_20 : vector<16xi32> to vector<16x1xi32>
      %gather3A_406 = vector.shape_cast %reshape3A_405 : vector<16x1xi32> to vector<16xi32>
      %gather3A_407 = tpu.dynamic_gather %add3A_404[%gather3A_406] in [0] : vector<16xf32>, vector<16xi32> -> vector<16xf32>
      %add3A_408 = arith.addf %add3A_404, %gather3A_407 : vector<16xf32>
      %reshape3A_409 = vector.shape_cast %xor3A_23 : vector<16xi32> to vector<16x1xi32>
      %gather3A_410 = vector.shape_cast %reshape3A_409 : vector<16x1xi32> to vector<16xi32>
      %gather3A_411 = tpu.dynamic_gather %add3A_408[%gather3A_410] in [0] : vector<16xf32>, vector<16xi32> -> vector<16xf32>
      %add3A_412 = arith.addf %add3A_408, %gather3A_411 : vector<16xf32>
      %eq3A_413 = arith.constant 2 : i32
      %eq3A_414 = vector.broadcast %eq3A_413 : i32 to vector<16xi32>
      %eq3A_415 = arith.cmpi eq, %iota3A, %eq3A_414 : vector<16xi32>
      %select_n3A_416 = arith.select %eq3A_415, %add3A_412, %select_n3A_290 : vector<16xi1>, vector<16xf32>
      %mul3A_417 = arith.constant 16 : i32
      %mul3A_418 = arith.muli %scan3A_29, %mul3A_417 : i32
      %add3A_419 = arith.constant 3 : i32
      %add3A_420 = arith.addi %mul3A_418, %add3A_419 : i32
      %slice3A_421 = vector.extract_strided_slice %and3A_36 {offsets = [3], sizes = [1], strides = [1]} : vector<16xi32> to vector<1xi32>
      %squeeze3A_422 = vector.extract %slice3A_421[0] : i32 from vector<1xi32>
      %slice3A_423 = vector.extract_strided_slice %and3A_44 {offsets = [3], sizes = [1], strides = [1]} : vector<16xi32> to vector<1xi32>
      %squeeze3A_424 = vector.extract %slice3A_423[0] : i32 from vector<1xi32>
      %broadcast_in_dim3A_425 = arith.constant 0.000000e+00 : f32
      %broadcast_in_dim3A_426 = vector.broadcast %broadcast_in_dim3A_425 : f32 to vector<16xf32>
      %eq3A_427 = arith.constant 1 : i32
      %eq3A_428 = arith.cmpi eq, %squeeze3A_422, %eq3A_427 : i32
      %get3A_429 = arith.index_cast %add3A_420 : i32 to index
      %get3A_430 = arith.constant 64 : index
      %get3A_431 = tpu.vector_load %arg12[%get3A_429, %get3A_430] {strides = array<i32>} : memref<128x128xf32, #tpu.memory_space<vmem>>, vector<1x16xf32>,
      %get3A_432 = vector.shape_cast %get3A_431 : vector<1x16xf32> to vector<16xf32>
      %get3A_433 = arith.index_cast %add3A_420 : i32 to index
      %get3A_434 = arith.constant 0 : index
      %get3A_435 = tpu.vector_load %arg12[%get3A_433, %get3A_434] {strides = array<i32>} : memref<128x128xf32, #tpu.memory_space<vmem>>, vector<1x16xf32>,
      %get3A_436 = vector.shape_cast %get3A_435 : vector<1x16xf32> to vector<16xf32>
      %select_n3A_437 = arith.select %eq3A_428, %get3A_432, %get3A_436 : vector<16xf32>
      %eq3A_438 = arith.constant 1 : i32
      %eq3A_439 = arith.cmpi eq, %squeeze3A_424, %eq3A_438 : i32
      %get3A_440 = arith.index_cast %add3A_420 : i32 to index
      %get3A_441 = arith.constant 64 : index
      %get3A_442 = tpu.vector_load %arg13[%get3A_440, %get3A_441] {strides = array<i32>} : memref<128x128xf32, #tpu.memory_space<vmem>>, vector<1x16xf32>,
      %get3A_443 = vector.shape_cast %get3A_442 : vector<1x16xf32> to vector<16xf32>
      %get3A_444 = arith.index_cast %add3A_420 : i32 to index
      %get3A_445 = arith.constant 0 : index
      %get3A_446 = tpu.vector_load %arg13[%get3A_444, %get3A_445] {strides = array<i32>} : memref<128x128xf32, #tpu.memory_space<vmem>>, vector<1x16xf32>,
      %get3A_447 = vector.shape_cast %get3A_446 : vector<1x16xf32> to vector<16xf32>
      %select_n3A_448 = arith.select %eq3A_439, %get3A_443, %get3A_447 : vector<16xf32>
      %mul3A_449 = arith.mulf %select_n3A_437, %select_n3A_448 : vector<16xf32>
      %add3A_450 = arith.addf %broadcast_in_dim3A_426, %mul3A_449 : vector<16xf32>
      %eq3A_451 = arith.constant 1 : i32
      %eq3A_452 = arith.cmpi eq, %squeeze3A_422, %eq3A_451 : i32
      %get3A_453 = arith.index_cast %add3A_420 : i32 to index
      %get3A_454 = arith.constant 80 : index
      %get3A_455 = tpu.vector_load %arg12[%get3A_453, %get3A_454] {strides = array<i32>} : memref<128x128xf32, #tpu.memory_space<vmem>>, vector<1x16xf32>,
      %get3A_456 = vector.shape_cast %get3A_455 : vector<1x16xf32> to vector<16xf32>
      %get3A_457 = arith.index_cast %add3A_420 : i32 to index
      %get3A_458 = arith.constant 16 : index
      %get3A_459 = tpu.vector_load %arg12[%get3A_457, %get3A_458] {strides = array<i32>} : memref<128x128xf32, #tpu.memory_space<vmem>>, vector<1x16xf32>,
      %get3A_460 = vector.shape_cast %get3A_459 : vector<1x16xf32> to vector<16xf32>
      %select_n3A_461 = arith.select %eq3A_452, %get3A_456, %get3A_460 : vector<16xf32>
      %eq3A_462 = arith.constant 1 : i32
      %eq3A_463 = arith.cmpi eq, %squeeze3A_424, %eq3A_462 : i32
      %get3A_464 = arith.index_cast %add3A_420 : i32 to index
      %get3A_465 = arith.constant 80 : index
      %get3A_466 = tpu.vector_load %arg13[%get3A_464, %get3A_465] {strides = array<i32>} : memref<128x128xf32, #tpu.memory_space<vmem>>, vector<1x16xf32>,
      %get3A_467 = vector.shape_cast %get3A_466 : vector<1x16xf32> to vector<16xf32>
      %get3A_468 = arith.index_cast %add3A_420 : i32 to index
      %get3A_469 = arith.constant 16 : index
      %get3A_470 = tpu.vector_load %arg13[%get3A_468, %get3A_469] {strides = array<i32>} : memref<128x128xf32, #tpu.memory_space<vmem>>, vector<1x16xf32>,
      %get3A_471 = vector.shape_cast %get3A_470 : vector<1x16xf32> to vector<16xf32>
      %select_n3A_472 = arith.select %eq3A_463, %get3A_467, %get3A_471 : vector<16xf32>
      %mul3A_473 = arith.mulf %select_n3A_461, %select_n3A_472 : vector<16xf32>
      %add3A_474 = arith.addf %add3A_450, %mul3A_473 : vector<16xf32>
      %eq3A_475 = arith.constant 1 : i32
      %eq3A_476 = arith.cmpi eq, %squeeze3A_422, %eq3A_475 : i32
      %get3A_477 = arith.index_cast %add3A_420 : i32 to index
      %get3A_478 = arith.constant 96 : index
      %get3A_479 = tpu.vector_load %arg12[%get3A_477, %get3A_478] {strides = array<i32>} : memref<128x128xf32, #tpu.memory_space<vmem>>, vector<1x16xf32>,
      %get3A_480 = vector.shape_cast %get3A_479 : vector<1x16xf32> to vector<16xf32>
      %get3A_481 = arith.index_cast %add3A_420 : i32 to index
      %get3A_482 = arith.constant 32 : index
      %get3A_483 = tpu.vector_load %arg12[%get3A_481, %get3A_482] {strides = array<i32>} : memref<128x128xf32, #tpu.memory_space<vmem>>, vector<1x16xf32>,
      %get3A_484 = vector.shape_cast %get3A_483 : vector<1x16xf32> to vector<16xf32>
      %select_n3A_485 = arith.select %eq3A_476, %get3A_480, %get3A_484 : vector<16xf32>
      %eq3A_486 = arith.constant 1 : i32
      %eq3A_487 = arith.cmpi eq, %squeeze3A_424, %eq3A_486 : i32
      %get3A_488 = arith.index_cast %add3A_420 : i32 to index
      %get3A_489 = arith.constant 96 : index
      %get3A_490 = tpu.vector_load %arg13[%get3A_488, %get3A_489] {strides = array<i32>} : memref<128x128xf32, #tpu.memory_space<vmem>>, vector<1x16xf32>,
      %get3A_491 = vector.shape_cast %get3A_490 : vector<1x16xf32> to vector<16xf32>
      %get3A_492 = arith.index_cast %add3A_420 : i32 to index
      %get3A_493 = arith.constant 32 : index
      %get3A_494 = tpu.vector_load %arg13[%get3A_492, %get3A_493] {strides = array<i32>} : memref<128x128xf32, #tpu.memory_space<vmem>>, vector<1x16xf32>,
      %get3A_495 = vector.shape_cast %get3A_494 : vector<1x16xf32> to vector<16xf32>
      %select_n3A_496 = arith.select %eq3A_487, %get3A_491, %get3A_495 : vector<16xf32>
      %mul3A_497 = arith.mulf %select_n3A_485, %select_n3A_496 : vector<16xf32>
      %add3A_498 = arith.addf %add3A_474, %mul3A_497 : vector<16xf32>
      %eq3A_499 = arith.constant 1 : i32
      %eq3A_500 = arith.cmpi eq, %squeeze3A_422, %eq3A_499 : i32
      %get3A_501 = arith.index_cast %add3A_420 : i32 to index
      %get3A_502 = arith.constant 112 : index
      %get3A_503 = tpu.vector_load %arg12[%get3A_501, %get3A_502] {strides = array<i32>} : memref<128x128xf32, #tpu.memory_space<vmem>>, vector<1x16xf32>,
      %get3A_504 = vector.shape_cast %get3A_503 : vector<1x16xf32> to vector<16xf32>
      %get3A_505 = arith.index_cast %add3A_420 : i32 to index
      %get3A_506 = arith.constant 48 : index
      %get3A_507 = tpu.vector_load %arg12[%get3A_505, %get3A_506] {strides = array<i32>} : memref<128x128xf32, #tpu.memory_space<vmem>>, vector<1x16xf32>,
      %get3A_508 = vector.shape_cast %get3A_507 : vector<1x16xf32> to vector<16xf32>
      %select_n3A_509 = arith.select %eq3A_500, %get3A_504, %get3A_508 : vector<16xf32>
      %eq3A_510 = arith.constant 1 : i32
      %eq3A_511 = arith.cmpi eq, %squeeze3A_424, %eq3A_510 : i32
      %get3A_512 = arith.index_cast %add3A_420 : i32 to index
      %get3A_513 = arith.constant 112 : index
      %get3A_514 = tpu.vector_load %arg13[%get3A_512, %get3A_513] {strides = array<i32>} : memref<128x128xf32, #tpu.memory_space<vmem>>, vector<1x16xf32>,
      %get3A_515 = vector.shape_cast %get3A_514 : vector<1x16xf32> to vector<16xf32>
      %get3A_516 = arith.index_cast %add3A_420 : i32 to index
      %get3A_517 = arith.constant 48 : index
      %get3A_518 = tpu.vector_load %arg13[%get3A_516, %get3A_517] {strides = array<i32>} : memref<128x128xf32, #tpu.memory_space<vmem>>, vector<1x16xf32>,
      %get3A_519 = vector.shape_cast %get3A_518 : vector<1x16xf32> to vector<16xf32>
      %select_n3A_520 = arith.select %eq3A_511, %get3A_515, %get3A_519 : vector<16xf32>
      %mul3A_521 = arith.mulf %select_n3A_509, %select_n3A_520 : vector<16xf32>
      %add3A_522 = arith.addf %add3A_498, %mul3A_521 : vector<16xf32>
      %reshape3A_523 = vector.shape_cast %xor3A_14 : vector<16xi32> to vector<16x1xi32>
      %gather3A_524 = vector.shape_cast %reshape3A_523 : vector<16x1xi32> to vector<16xi32>
      %gather3A_525 = tpu.dynamic_gather %add3A_522[%gather3A_524] in [0] : vector<16xf32>, vector<16xi32> -> vector<16xf32>
      %add3A_526 = arith.addf %add3A_522, %gather3A_525 : vector<16xf32>
      %reshape3A_527 = vector.shape_cast %xor3A_17 : vector<16xi32> to vector<16x1xi32>
      %gather3A_528 = vector.shape_cast %reshape3A_527 : vector<16x1xi32> to vector<16xi32>
      %gather3A_529 = tpu.dynamic_gather %add3A_526[%gather3A_528] in [0] : vector<16xf32>, vector<16xi32> -> vector<16xf32>
      %add3A_530 = arith.addf %add3A_526, %gather3A_529 : vector<16xf32>
      %reshape3A_531 = vector.shape_cast %xor3A_20 : vector<16xi32> to vector<16x1xi32>
      %gather3A_532 = vector.shape_cast %reshape3A_531 : vector<16x1xi32> to vector<16xi32>
      %gather3A_533 = tpu.dynamic_gather %add3A_530[%gather3A_532] in [0] : vector<16xf32>, vector<16xi32> -> vector<16xf32>
      %add3A_534 = arith.addf %add3A_530, %gather3A_533 : vector<16xf32>
      %reshape3A_535 = vector.shape_cast %xor3A_23 : vector<16xi32> to vector<16x1xi32>
      %gather3A_536 = vector.shape_cast %reshape3A_535 : vector<16x1xi32> to vector<16xi32>
      %gather3A_537 = tpu.dynamic_gather %add3A_534[%gather3A_536] in [0] : vector<16xf32>, vector<16xi32> -> vector<16xf32>
      %add3A_538 = arith.addf %add3A_534, %gather3A_537 : vector<16xf32>
      %eq3A_539 = arith.constant 3 : i32
      %eq3A_540 = vector.broadcast %eq3A_539 : i32 to vector<16xi32>
      %eq3A_541 = arith.cmpi eq, %iota3A, %eq3A_540 : vector<16xi32>
      %select_n3A_542 = arith.select %eq3A_541, %add3A_538, %select_n3A_416 : vector<16xi1>, vector<16xf32>
      %mul3A_543 = arith.constant 16 : i32
      %mul3A_544 = arith.muli %scan3A_29, %mul3A_543 : i32
      %add3A_545 = arith.constant 4 : i32
      %add3A_546 = arith.addi %mul3A_544, %add3A_545 : i32
      %slice3A_547 = vector.extract_strided_slice %and3A_36 {offsets = [4], sizes = [1], strides = [1]} : vector<16xi32> to vector<1xi32>
      %squeeze3A_548 = vector.extract %slice3A_547[0] : i32 from vector<1xi32>
      %slice3A_549 = vector.extract_strided_slice %and3A_44 {offsets = [4], sizes = [1], strides = [1]} : vector<16xi32> to vector<1xi32>
      %squeeze3A_550 = vector.extract %slice3A_549[0] : i32 from vector<1xi32>
      %broadcast_in_dim3A_551 = arith.constant 0.000000e+00 : f32
      %broadcast_in_dim3A_552 = vector.broadcast %broadcast_in_dim3A_551 : f32 to vector<16xf32>
      %eq3A_553 = arith.constant 1 : i32
      %eq3A_554 = arith.cmpi eq, %squeeze3A_548, %eq3A_553 : i32
      %get3A_555 = arith.index_cast %add3A_546 : i32 to index
      %get3A_556 = arith.constant 64 : index
      %get3A_557 = tpu.vector_load %arg12[%get3A_555, %get3A_556] {strides = array<i32>} : memref<128x128xf32, #tpu.memory_space<vmem>>, vector<1x16xf32>,
      %get3A_558 = vector.shape_cast %get3A_557 : vector<1x16xf32> to vector<16xf32>
      %get3A_559 = arith.index_cast %add3A_546 : i32 to index
      %get3A_560 = arith.constant 0 : index
      %get3A_561 = tpu.vector_load %arg12[%get3A_559, %get3A_560] {strides = array<i32>} : memref<128x128xf32, #tpu.memory_space<vmem>>, vector<1x16xf32>,
      %get3A_562 = vector.shape_cast %get3A_561 : vector<1x16xf32> to vector<16xf32>
      %select_n3A_563 = arith.select %eq3A_554, %get3A_558, %get3A_562 : vector<16xf32>
      %eq3A_564 = arith.constant 1 : i32
      %eq3A_565 = arith.cmpi eq, %squeeze3A_550, %eq3A_564 : i32
      %get3A_566 = arith.index_cast %add3A_546 : i32 to index
      %get3A_567 = arith.constant 64 : index
      %get3A_568 = tpu.vector_load %arg13[%get3A_566, %get3A_567] {strides = array<i32>} : memref<128x128xf32, #tpu.memory_space<vmem>>, vector<1x16xf32>,
      %get3A_569 = vector.shape_cast %get3A_568 : vector<1x16xf32> to vector<16xf32>
      %get3A_570 = arith.index_cast %add3A_546 : i32 to index
      %get3A_571 = arith.constant 0 : index
      %get3A_572 = tpu.vector_load %arg13[%get3A_570, %get3A_571] {strides = array<i32>} : memref<128x128xf32, #tpu.memory_space<vmem>>, vector<1x16xf32>,
      %get3A_573 = vector.shape_cast %get3A_572 : vector<1x16xf32> to vector<16xf32>
      %select_n3A_574 = arith.select %eq3A_565, %get3A_569, %get3A_573 : vector<16xf32>
      %mul3A_575 = arith.mulf %select_n3A_563, %select_n3A_574 : vector<16xf32>
      %add3A_576 = arith.addf %broadcast_in_dim3A_552, %mul3A_575 : vector<16xf32>
      %eq3A_577 = arith.constant 1 : i32
      %eq3A_578 = arith.cmpi eq, %squeeze3A_548, %eq3A_577 : i32
      %get3A_579 = arith.index_cast %add3A_546 : i32 to index
      %get3A_580 = arith.constant 80 : index
      %get3A_581 = tpu.vector_load %arg12[%get3A_579, %get3A_580] {strides = array<i32>} : memref<128x128xf32, #tpu.memory_space<vmem>>, vector<1x16xf32>,
      %get3A_582 = vector.shape_cast %get3A_581 : vector<1x16xf32> to vector<16xf32>
      %get3A_583 = arith.index_cast %add3A_546 : i32 to index
      %get3A_584 = arith.constant 16 : index
      %get3A_585 = tpu.vector_load %arg12[%get3A_583, %get3A_584] {strides = array<i32>} : memref<128x128xf32, #tpu.memory_space<vmem>>, vector<1x16xf32>,
      %get3A_586 = vector.shape_cast %get3A_585 : vector<1x16xf32> to vector<16xf32>
      %select_n3A_587 = arith.select %eq3A_578, %get3A_582, %get3A_586 : vector<16xf32>
      %eq3A_588 = arith.constant 1 : i32
      %eq3A_589 = arith.cmpi eq, %squeeze3A_550, %eq3A_588 : i32
      %get3A_590 = arith.index_cast %add3A_546 : i32 to index
      %get3A_591 = arith.constant 80 : index
      %get3A_592 = tpu.vector_load %arg13[%get3A_590, %get3A_591] {strides = array<i32>} : memref<128x128xf32, #tpu.memory_space<vmem>>, vector<1x16xf32>,
      %get3A_593 = vector.shape_cast %get3A_592 : vector<1x16xf32> to vector<16xf32>
      %get3A_594 = arith.index_cast %add3A_546 : i32 to index
      %get3A_595 = arith.constant 16 : index
      %get3A_596 = tpu.vector_load %arg13[%get3A_594, %get3A_595] {strides = array<i32>} : memref<128x128xf32, #tpu.memory_space<vmem>>, vector<1x16xf32>,
      %get3A_597 = vector.shape_cast %get3A_596 : vector<1x16xf32> to vector<16xf32>
      %select_n3A_598 = arith.select %eq3A_589, %get3A_593, %get3A_597 : vector<16xf32>
      %mul3A_599 = arith.mulf %select_n3A_587, %select_n3A_598 : vector<16xf32>
      %add3A_600 = arith.addf %add3A_576, %mul3A_599 : vector<16xf32>
      %eq3A_601 = arith.constant 1 : i32
      %eq3A_602 = arith.cmpi eq, %squeeze3A_548, %eq3A_601 : i32
      %get3A_603 = arith.index_cast %add3A_546 : i32 to index
      %get3A_604 = arith.constant 96 : index
      %get3A_605 = tpu.vector_load %arg12[%get3A_603, %get3A_604] {strides = array<i32>} : memref<128x128xf32, #tpu.memory_space<vmem>>, vector<1x16xf32>,
      %get3A_606 = vector.shape_cast %get3A_605 : vector<1x16xf32> to vector<16xf32>
      %get3A_607 = arith.index_cast %add3A_546 : i32 to index
      %get3A_608 = arith.constant 32 : index
      %get3A_609 = tpu.vector_load %arg12[%get3A_607, %get3A_608] {strides = array<i32>} : memref<128x128xf32, #tpu.memory_space<vmem>>, vector<1x16xf32>,
      %get3A_610 = vector.shape_cast %get3A_609 : vector<1x16xf32> to vector<16xf32>
      %select_n3A_611 = arith.select %eq3A_602, %get3A_606, %get3A_610 : vector<16xf32>
      %eq3A_612 = arith.constant 1 : i32
      %eq3A_613 = arith.cmpi eq, %squeeze3A_550, %eq3A_612 : i32
      %get3A_614 = arith.index_cast %add3A_546 : i32 to index
      %get3A_615 = arith.constant 96 : index
      %get3A_616 = tpu.vector_load %arg13[%get3A_614, %get3A_615] {strides = array<i32>} : memref<128x128xf32, #tpu.memory_space<vmem>>, vector<1x16xf32>,
      %get3A_617 = vector.shape_cast %get3A_616 : vector<1x16xf32> to vector<16xf32>
      %get3A_618 = arith.index_cast %add3A_546 : i32 to index
      %get3A_619 = arith.constant 32 : index
      %get3A_620 = tpu.vector_load %arg13[%get3A_618, %get3A_619] {strides = array<i32>} : memref<128x128xf32, #tpu.memory_space<vmem>>, vector<1x16xf32>,
      %get3A_621 = vector.shape_cast %get3A_620 : vector<1x16xf32> to vector<16xf32>
      %select_n3A_622 = arith.select %eq3A_613, %get3A_617, %get3A_621 : vector<16xf32>
      %mul3A_623 = arith.mulf %select_n3A_611, %select_n3A_622 : vector<16xf32>
      %add3A_624 = arith.addf %add3A_600, %mul3A_623 : vector<16xf32>
      %eq3A_625 = arith.constant 1 : i32
      %eq3A_626 = arith.cmpi eq, %squeeze3A_548, %eq3A_625 : i32
      %get3A_627 = arith.index_cast %add3A_546 : i32 to index
      %get3A_628 = arith.constant 112 : index
      %get3A_629 = tpu.vector_load %arg12[%get3A_627, %get3A_628] {strides = array<i32>} : memref<128x128xf32, #tpu.memory_space<vmem>>, vector<1x16xf32>,
      %get3A_630 = vector.shape_cast %get3A_629 : vector<1x16xf32> to vector<16xf32>
      %get3A_631 = arith.index_cast %add3A_546 : i32 to index
      %get3A_632 = arith.constant 48 : index
      %get3A_633 = tpu.vector_load %arg12[%get3A_631, %get3A_632] {strides = array<i32>} : memref<128x128xf32, #tpu.memory_space<vmem>>, vector<1x16xf32>,
      %get3A_634 = vector.shape_cast %get3A_633 : vector<1x16xf32> to vector<16xf32>
      %select_n3A_635 = arith.select %eq3A_626, %get3A_630, %get3A_634 : vector<16xf32>
      %eq3A_636 = arith.constant 1 : i32
      %eq3A_637 = arith.cmpi eq, %squeeze3A_550, %eq3A_636 : i32
      %get3A_638 = arith.index_cast %add3A_546 : i32 to index
      %get3A_639 = arith.constant 112 : index
      %get3A_640 = tpu.vector_load %arg13[%get3A_638, %get3A_639] {strides = array<i32>} : memref<128x128xf32, #tpu.memory_space<vmem>>, vector<1x16xf32>,
      %get3A_641 = vector.shape_cast %get3A_640 : vector<1x16xf32> to vector<16xf32>
      %get3A_642 = arith.index_cast %add3A_546 : i32 to index
      %get3A_643 = arith.constant 48 : index
      %get3A_644 = tpu.vector_load %arg13[%get3A_642, %get3A_643] {strides = array<i32>} : memref<128x128xf32, #tpu.memory_space<vmem>>, vector<1x16xf32>,
      %get3A_645 = vector.shape_cast %get3A_644 : vector<1x16xf32> to vector<16xf32>
      %select_n3A_646 = arith.select %eq3A_637, %get3A_641, %get3A_645 : vector<16xf32>
      %mul3A_647 = arith.mulf %select_n3A_635, %select_n3A_646 : vector<16xf32>
      %add3A_648 = arith.addf %add3A_624, %mul3A_647 : vector<16xf32>
      %reshape3A_649 = vector.shape_cast %xor3A_14 : vector<16xi32> to vector<16x1xi32>
      %gather3A_650 = vector.shape_cast %reshape3A_649 : vector<16x1xi32> to vector<16xi32>
      %gather3A_651 = tpu.dynamic_gather %add3A_648[%gather3A_650] in [0] : vector<16xf32>, vector<16xi32> -> vector<16xf32>
      %add3A_652 = arith.addf %add3A_648, %gather3A_651 : vector<16xf32>
      %reshape3A_653 = vector.shape_cast %xor3A_17 : vector<16xi32> to vector<16x1xi32>
      %gather3A_654 = vector.shape_cast %reshape3A_653 : vector<16x1xi32> to vector<16xi32>
      %gather3A_655 = tpu.dynamic_gather %add3A_652[%gather3A_654] in [0] : vector<16xf32>, vector<16xi32> -> vector<16xf32>
      %add3A_656 = arith.addf %add3A_652, %gather3A_655 : vector<16xf32>
      %reshape3A_657 = vector.shape_cast %xor3A_20 : vector<16xi32> to vector<16x1xi32>
      %gather3A_658 = vector.shape_cast %reshape3A_657 : vector<16x1xi32> to vector<16xi32>
      %gather3A_659 = tpu.dynamic_gather %add3A_656[%gather3A_658] in [0] : vector<16xf32>, vector<16xi32> -> vector<16xf32>
      %add3A_660 = arith.addf %add3A_656, %gather3A_659 : vector<16xf32>
      %reshape3A_661 = vector.shape_cast %xor3A_23 : vector<16xi32> to vector<16x1xi32>
      %gather3A_662 = vector.shape_cast %reshape3A_661 : vector<16x1xi32> to vector<16xi32>
      %gather3A_663 = tpu.dynamic_gather %add3A_660[%gather3A_662] in [0] : vector<16xf32>, vector<16xi32> -> vector<16xf32>
      %add3A_664 = arith.addf %add3A_660, %gather3A_663 : vector<16xf32>
      %eq3A_665 = arith.constant 4 : i32
      %eq3A_666 = vector.broadcast %eq3A_665 : i32 to vector<16xi32>
      %eq3A_667 = arith.cmpi eq, %iota3A, %eq3A_666 : vector<16xi32>
      %select_n3A_668 = arith.select %eq3A_667, %add3A_664, %select_n3A_542 : vector<16xi1>, vector<16xf32>
      %mul3A_669 = arith.constant 16 : i32
      %mul3A_670 = arith.muli %scan3A_29, %mul3A_669 : i32
      %add3A_671 = arith.constant 5 : i32
      %add3A_672 = arith.addi %mul3A_670, %add3A_671 : i32
      %slice3A_673 = vector.extract_strided_slice %and3A_36 {offsets = [5], sizes = [1], strides = [1]} : vector<16xi32> to vector<1xi32>
      %squeeze3A_674 = vector.extract %slice3A_673[0] : i32 from vector<1xi32>
      %slice3A_675 = vector.extract_strided_slice %and3A_44 {offsets = [5], sizes = [1], strides = [1]} : vector<16xi32> to vector<1xi32>
      %squeeze3A_676 = vector.extract %slice3A_675[0] : i32 from vector<1xi32>
      %broadcast_in_dim3A_677 = arith.constant 0.000000e+00 : f32
      %broadcast_in_dim3A_678 = vector.broadcast %broadcast_in_dim3A_677 : f32 to vector<16xf32>
      %eq3A_679 = arith.constant 1 : i32
      %eq3A_680 = arith.cmpi eq, %squeeze3A_674, %eq3A_679 : i32
      %get3A_681 = arith.index_cast %add3A_672 : i32 to index
      %get3A_682 = arith.constant 64 : index
      %get3A_683 = tpu.vector_load %arg12[%get3A_681, %get3A_682] {strides = array<i32>} : memref<128x128xf32, #tpu.memory_space<vmem>>, vector<1x16xf32>,
      %get3A_684 = vector.shape_cast %get3A_683 : vector<1x16xf32> to vector<16xf32>
      %get3A_685 = arith.index_cast %add3A_672 : i32 to index
      %get3A_686 = arith.constant 0 : index
      %get3A_687 = tpu.vector_load %arg12[%get3A_685, %get3A_686] {strides = array<i32>} : memref<128x128xf32, #tpu.memory_space<vmem>>, vector<1x16xf32>,
      %get3A_688 = vector.shape_cast %get3A_687 : vector<1x16xf32> to vector<16xf32>
      %select_n3A_689 = arith.select %eq3A_680, %get3A_684, %get3A_688 : vector<16xf32>
      %eq3A_690 = arith.constant 1 : i32
      %eq3A_691 = arith.cmpi eq, %squeeze3A_676, %eq3A_690 : i32
      %get3A_692 = arith.index_cast %add3A_672 : i32 to index
      %get3A_693 = arith.constant 64 : index
      %get3A_694 = tpu.vector_load %arg13[%get3A_692, %get3A_693] {strides = array<i32>} : memref<128x128xf32, #tpu.memory_space<vmem>>, vector<1x16xf32>,
      %get3A_695 = vector.shape_cast %get3A_694 : vector<1x16xf32> to vector<16xf32>
      %get3A_696 = arith.index_cast %add3A_672 : i32 to index
      %get3A_697 = arith.constant 0 : index
      %get3A_698 = tpu.vector_load %arg13[%get3A_696, %get3A_697] {strides = array<i32>} : memref<128x128xf32, #tpu.memory_space<vmem>>, vector<1x16xf32>,
      %get3A_699 = vector.shape_cast %get3A_698 : vector<1x16xf32> to vector<16xf32>
      %select_n3A_700 = arith.select %eq3A_691, %get3A_695, %get3A_699 : vector<16xf32>
      %mul3A_701 = arith.mulf %select_n3A_689, %select_n3A_700 : vector<16xf32>
      %add3A_702 = arith.addf %broadcast_in_dim3A_678, %mul3A_701 : vector<16xf32>
      %eq3A_703 = arith.constant 1 : i32
      %eq3A_704 = arith.cmpi eq, %squeeze3A_674, %eq3A_703 : i32
      %get3A_705 = arith.index_cast %add3A_672 : i32 to index
      %get3A_706 = arith.constant 80 : index
      %get3A_707 = tpu.vector_load %arg12[%get3A_705, %get3A_706] {strides = array<i32>} : memref<128x128xf32, #tpu.memory_space<vmem>>, vector<1x16xf32>,
      %get3A_708 = vector.shape_cast %get3A_707 : vector<1x16xf32> to vector<16xf32>
      %get3A_709 = arith.index_cast %add3A_672 : i32 to index
      %get3A_710 = arith.constant 16 : index
      %get3A_711 = tpu.vector_load %arg12[%get3A_709, %get3A_710] {strides = array<i32>} : memref<128x128xf32, #tpu.memory_space<vmem>>, vector<1x16xf32>,
      %get3A_712 = vector.shape_cast %get3A_711 : vector<1x16xf32> to vector<16xf32>
      %select_n3A_713 = arith.select %eq3A_704, %get3A_708, %get3A_712 : vector<16xf32>
      %eq3A_714 = arith.constant 1 : i32
      %eq3A_715 = arith.cmpi eq, %squeeze3A_676, %eq3A_714 : i32
      %get3A_716 = arith.index_cast %add3A_672 : i32 to index
      %get3A_717 = arith.constant 80 : index
      %get3A_718 = tpu.vector_load %arg13[%get3A_716, %get3A_717] {strides = array<i32>} : memref<128x128xf32, #tpu.memory_space<vmem>>, vector<1x16xf32>,
      %get3A_719 = vector.shape_cast %get3A_718 : vector<1x16xf32> to vector<16xf32>
      %get3A_720 = arith.index_cast %add3A_672 : i32 to index
      %get3A_721 = arith.constant 16 : index
      %get3A_722 = tpu.vector_load %arg13[%get3A_720, %get3A_721] {strides = array<i32>} : memref<128x128xf32, #tpu.memory_space<vmem>>, vector<1x16xf32>,
      %get3A_723 = vector.shape_cast %get3A_722 : vector<1x16xf32> to vector<16xf32>
      %select_n3A_724 = arith.select %eq3A_715, %get3A_719, %get3A_723 : vector<16xf32>
      %mul3A_725 = arith.mulf %select_n3A_713, %select_n3A_724 : vector<16xf32>
      %add3A_726 = arith.addf %add3A_702, %mul3A_725 : vector<16xf32>
      %eq3A_727 = arith.constant 1 : i32
      %eq3A_728 = arith.cmpi eq, %squeeze3A_674, %eq3A_727 : i32
      %get3A_729 = arith.index_cast %add3A_672 : i32 to index
      %get3A_730 = arith.constant 96 : index
      %get3A_731 = tpu.vector_load %arg12[%get3A_729, %get3A_730] {strides = array<i32>} : memref<128x128xf32, #tpu.memory_space<vmem>>, vector<1x16xf32>,
      %get3A_732 = vector.shape_cast %get3A_731 : vector<1x16xf32> to vector<16xf32>
      %get3A_733 = arith.index_cast %add3A_672 : i32 to index
      %get3A_734 = arith.constant 32 : index
      %get3A_735 = tpu.vector_load %arg12[%get3A_733, %get3A_734] {strides = array<i32>} : memref<128x128xf32, #tpu.memory_space<vmem>>, vector<1x16xf32>,
      %get3A_736 = vector.shape_cast %get3A_735 : vector<1x16xf32> to vector<16xf32>
      %select_n3A_737 = arith.select %eq3A_728, %get3A_732, %get3A_736 : vector<16xf32>
      %eq3A_738 = arith.constant 1 : i32
      %eq3A_739 = arith.cmpi eq, %squeeze3A_676, %eq3A_738 : i32
      %get3A_740 = arith.index_cast %add3A_672 : i32 to index
      %get3A_741 = arith.constant 96 : index
      %get3A_742 = tpu.vector_load %arg13[%get3A_740, %get3A_741] {strides = array<i32>} : memref<128x128xf32, #tpu.memory_space<vmem>>, vector<1x16xf32>,
      %get3A_743 = vector.shape_cast %get3A_742 : vector<1x16xf32> to vector<16xf32>
      %get3A_744 = arith.index_cast %add3A_672 : i32 to index
      %get3A_745 = arith.constant 32 : index
      %get3A_746 = tpu.vector_load %arg13[%get3A_744, %get3A_745] {strides = array<i32>} : memref<128x128xf32, #tpu.memory_space<vmem>>, vector<1x16xf32>,
      %get3A_747 = vector.shape_cast %get3A_746 : vector<1x16xf32> to vector<16xf32>
      %select_n3A_748 = arith.select %eq3A_739, %get3A_743, %get3A_747 : vector<16xf32>
      %mul3A_749 = arith.mulf %select_n3A_737, %select_n3A_748 : vector<16xf32>
      %add3A_750 = arith.addf %add3A_726, %mul3A_749 : vector<16xf32>
      %eq3A_751 = arith.constant 1 : i32
      %eq3A_752 = arith.cmpi eq, %squeeze3A_674, %eq3A_751 : i32
      %get3A_753 = arith.index_cast %add3A_672 : i32 to index
      %get3A_754 = arith.constant 112 : index
      %get3A_755 = tpu.vector_load %arg12[%get3A_753, %get3A_754] {strides = array<i32>} : memref<128x128xf32, #tpu.memory_space<vmem>>, vector<1x16xf32>,
      %get3A_756 = vector.shape_cast %get3A_755 : vector<1x16xf32> to vector<16xf32>
      %get3A_757 = arith.index_cast %add3A_672 : i32 to index
      %get3A_758 = arith.constant 48 : index
      %get3A_759 = tpu.vector_load %arg12[%get3A_757, %get3A_758] {strides = array<i32>} : memref<128x128xf32, #tpu.memory_space<vmem>>, vector<1x16xf32>,
      %get3A_760 = vector.shape_cast %get3A_759 : vector<1x16xf32> to vector<16xf32>
      %select_n3A_761 = arith.select %eq3A_752, %get3A_756, %get3A_760 : vector<16xf32>
      %eq3A_762 = arith.constant 1 : i32
      %eq3A_763 = arith.cmpi eq, %squeeze3A_676, %eq3A_762 : i32
      %get3A_764 = arith.index_cast %add3A_672 : i32 to index
      %get3A_765 = arith.constant 112 : index
      %get3A_766 = tpu.vector_load %arg13[%get3A_764, %get3A_765] {strides = array<i32>} : memref<128x128xf32, #tpu.memory_space<vmem>>, vector<1x16xf32>,
      %get3A_767 = vector.shape_cast %get3A_766 : vector<1x16xf32> to vector<16xf32>
      %get3A_768 = arith.index_cast %add3A_672 : i32 to index
      %get3A_769 = arith.constant 48 : index
      %get3A_770 = tpu.vector_load %arg13[%get3A_768, %get3A_769] {strides = array<i32>} : memref<128x128xf32, #tpu.memory_space<vmem>>, vector<1x16xf32>,
      %get3A_771 = vector.shape_cast %get3A_770 : vector<1x16xf32> to vector<16xf32>
      %select_n3A_772 = arith.select %eq3A_763, %get3A_767, %get3A_771 : vector<16xf32>
      %mul3A_773 = arith.mulf %select_n3A_761, %select_n3A_772 : vector<16xf32>
      %add3A_774 = arith.addf %add3A_750, %mul3A_773 : vector<16xf32>
      %reshape3A_775 = vector.shape_cast %xor3A_14 : vector<16xi32> to vector<16x1xi32>
      %gather3A_776 = vector.shape_cast %reshape3A_775 : vector<16x1xi32> to vector<16xi32>
      %gather3A_777 = tpu.dynamic_gather %add3A_774[%gather3A_776] in [0] : vector<16xf32>, vector<16xi32> -> vector<16xf32>
      %add3A_778 = arith.addf %add3A_774, %gather3A_777 : vector<16xf32>
      %reshape3A_779 = vector.shape_cast %xor3A_17 : vector<16xi32> to vector<16x1xi32>
      %gather3A_780 = vector.shape_cast %reshape3A_779 : vector<16x1xi32> to vector<16xi32>
      %gather3A_781 = tpu.dynamic_gather %add3A_778[%gather3A_780] in [0] : vector<16xf32>, vector<16xi32> -> vector<16xf32>
      %add3A_782 = arith.addf %add3A_778, %gather3A_781 : vector<16xf32>
      %reshape3A_783 = vector.shape_cast %xor3A_20 : vector<16xi32> to vector<16x1xi32>
      %gather3A_784 = vector.shape_cast %reshape3A_783 : vector<16x1xi32> to vector<16xi32>
      %gather3A_785 = tpu.dynamic_gather %add3A_782[%gather3A_784] in [0] : vector<16xf32>, vector<16xi32> -> vector<16xf32>
      %add3A_786 = arith.addf %add3A_782, %gather3A_785 : vector<16xf32>
      %reshape3A_787 = vector.shape_cast %xor3A_23 : vector<16xi32> to vector<16x1xi32>
      %gather3A_788 = vector.shape_cast %reshape3A_787 : vector<16x1xi32> to vector<16xi32>
      %gather3A_789 = tpu.dynamic_gather %add3A_786[%gather3A_788] in [0] : vector<16xf32>, vector<16xi32> -> vector<16xf32>
      %add3A_790 = arith.addf %add3A_786, %gather3A_789 : vector<16xf32>
      %eq3A_791 = arith.constant 5 : i32
      %eq3A_792 = vector.broadcast %eq3A_791 : i32 to vector<16xi32>
      %eq3A_793 = arith.cmpi eq, %iota3A, %eq3A_792 : vector<16xi32>
      %select_n3A_794 = arith.select %eq3A_793, %add3A_790, %select_n3A_668 : vector<16xi1>, vector<16xf32>
      %mul3A_795 = arith.constant 16 : i32
      %mul3A_796 = arith.muli %scan3A_29, %mul3A_795 : i32
      %add3A_797 = arith.constant 6 : i32
      %add3A_798 = arith.addi %mul3A_796, %add3A_797 : i32
      %slice3A_799 = vector.extract_strided_slice %and3A_36 {offsets = [6], sizes = [1], strides = [1]} : vector<16xi32> to vector<1xi32>
      %squeeze3A_800 = vector.extract %slice3A_799[0] : i32 from vector<1xi32>
      %slice3A_801 = vector.extract_strided_slice %and3A_44 {offsets = [6], sizes = [1], strides = [1]} : vector<16xi32> to vector<1xi32>
      %squeeze3A_802 = vector.extract %slice3A_801[0] : i32 from vector<1xi32>
      %broadcast_in_dim3A_803 = arith.constant 0.000000e+00 : f32
      %broadcast_in_dim3A_804 = vector.broadcast %broadcast_in_dim3A_803 : f32 to vector<16xf32>
      %eq3A_805 = arith.constant 1 : i32
      %eq3A_806 = arith.cmpi eq, %squeeze3A_800, %eq3A_805 : i32
      %get3A_807 = arith.index_cast %add3A_798 : i32 to index
      %get3A_808 = arith.constant 64 : index
      %get3A_809 = tpu.vector_load %arg12[%get3A_807, %get3A_808] {strides = array<i32>} : memref<128x128xf32, #tpu.memory_space<vmem>>, vector<1x16xf32>,
      %get3A_810 = vector.shape_cast %get3A_809 : vector<1x16xf32> to vector<16xf32>
      %get3A_811 = arith.index_cast %add3A_798 : i32 to index
      %get3A_812 = arith.constant 0 : index
      %get3A_813 = tpu.vector_load %arg12[%get3A_811, %get3A_812] {strides = array<i32>} : memref<128x128xf32, #tpu.memory_space<vmem>>, vector<1x16xf32>,
      %get3A_814 = vector.shape_cast %get3A_813 : vector<1x16xf32> to vector<16xf32>
      %select_n3A_815 = arith.select %eq3A_806, %get3A_810, %get3A_814 : vector<16xf32>
      %eq3A_816 = arith.constant 1 : i32
      %eq3A_817 = arith.cmpi eq, %squeeze3A_802, %eq3A_816 : i32
      %get3A_818 = arith.index_cast %add3A_798 : i32 to index
      %get3A_819 = arith.constant 64 : index
      %get3A_820 = tpu.vector_load %arg13[%get3A_818, %get3A_819] {strides = array<i32>} : memref<128x128xf32, #tpu.memory_space<vmem>>, vector<1x16xf32>,
      %get3A_821 = vector.shape_cast %get3A_820 : vector<1x16xf32> to vector<16xf32>
      %get3A_822 = arith.index_cast %add3A_798 : i32 to index
      %get3A_823 = arith.constant 0 : index
      %get3A_824 = tpu.vector_load %arg13[%get3A_822, %get3A_823] {strides = array<i32>} : memref<128x128xf32, #tpu.memory_space<vmem>>, vector<1x16xf32>,
      %get3A_825 = vector.shape_cast %get3A_824 : vector<1x16xf32> to vector<16xf32>
      %select_n3A_826 = arith.select %eq3A_817, %get3A_821, %get3A_825 : vector<16xf32>
      %mul3A_827 = arith.mulf %select_n3A_815, %select_n3A_826 : vector<16xf32>
      %add3A_828 = arith.addf %broadcast_in_dim3A_804, %mul3A_827 : vector<16xf32>
      %eq3A_829 = arith.constant 1 : i32
      %eq3A_830 = arith.cmpi eq, %squeeze3A_800, %eq3A_829 : i32
      %get3A_831 = arith.index_cast %add3A_798 : i32 to index
      %get3A_832 = arith.constant 80 : index
      %get3A_833 = tpu.vector_load %arg12[%get3A_831, %get3A_832] {strides = array<i32>} : memref<128x128xf32, #tpu.memory_space<vmem>>, vector<1x16xf32>,
      %get3A_834 = vector.shape_cast %get3A_833 : vector<1x16xf32> to vector<16xf32>
      %get3A_835 = arith.index_cast %add3A_798 : i32 to index
      %get3A_836 = arith.constant 16 : index
      %get3A_837 = tpu.vector_load %arg12[%get3A_835, %get3A_836] {strides = array<i32>} : memref<128x128xf32, #tpu.memory_space<vmem>>, vector<1x16xf32>,
      %get3A_838 = vector.shape_cast %get3A_837 : vector<1x16xf32> to vector<16xf32>
      %select_n3A_839 = arith.select %eq3A_830, %get3A_834, %get3A_838 : vector<16xf32>
      %eq3A_840 = arith.constant 1 : i32
      %eq3A_841 = arith.cmpi eq, %squeeze3A_802, %eq3A_840 : i32
      %get3A_842 = arith.index_cast %add3A_798 : i32 to index
      %get3A_843 = arith.constant 80 : index
      %get3A_844 = tpu.vector_load %arg13[%get3A_842, %get3A_843] {strides = array<i32>} : memref<128x128xf32, #tpu.memory_space<vmem>>, vector<1x16xf32>,
      %get3A_845 = vector.shape_cast %get3A_844 : vector<1x16xf32> to vector<16xf32>
      %get3A_846 = arith.index_cast %add3A_798 : i32 to index
      %get3A_847 = arith.constant 16 : index
      %get3A_848 = tpu.vector_load %arg13[%get3A_846, %get3A_847] {strides = array<i32>} : memref<128x128xf32, #tpu.memory_space<vmem>>, vector<1x16xf32>,
      %get3A_849 = vector.shape_cast %get3A_848 : vector<1x16xf32> to vector<16xf32>
      %select_n3A_850 = arith.select %eq3A_841, %get3A_845, %get3A_849 : vector<16xf32>
      %mul3A_851 = arith.mulf %select_n3A_839, %select_n3A_850 : vector<16xf32>
      %add3A_852 = arith.addf %add3A_828, %mul3A_851 : vector<16xf32>
      %eq3A_853 = arith.constant 1 : i32
      %eq3A_854 = arith.cmpi eq, %squeeze3A_800, %eq3A_853 : i32
      %get3A_855 = arith.index_cast %add3A_798 : i32 to index
      %get3A_856 = arith.constant 96 : index
      %get3A_857 = tpu.vector_load %arg12[%get3A_855, %get3A_856] {strides = array<i32>} : memref<128x128xf32, #tpu.memory_space<vmem>>, vector<1x16xf32>,
      %get3A_858 = vector.shape_cast %get3A_857 : vector<1x16xf32> to vector<16xf32>
      %get3A_859 = arith.index_cast %add3A_798 : i32 to index
      %get3A_860 = arith.constant 32 : index
      %get3A_861 = tpu.vector_load %arg12[%get3A_859, %get3A_860] {strides = array<i32>} : memref<128x128xf32, #tpu.memory_space<vmem>>, vector<1x16xf32>,
      %get3A_862 = vector.shape_cast %get3A_861 : vector<1x16xf32> to vector<16xf32>
      %select_n3A_863 = arith.select %eq3A_854, %get3A_858, %get3A_862 : vector<16xf32>
      %eq3A_864 = arith.constant 1 : i32
      %eq3A_865 = arith.cmpi eq, %squeeze3A_802, %eq3A_864 : i32
      %get3A_866 = arith.index_cast %add3A_798 : i32 to index
      %get3A_867 = arith.constant 96 : index
      %get3A_868 = tpu.vector_load %arg13[%get3A_866, %get3A_867] {strides = array<i32>} : memref<128x128xf32, #tpu.memory_space<vmem>>, vector<1x16xf32>,
      %get3A_869 = vector.shape_cast %get3A_868 : vector<1x16xf32> to vector<16xf32>
      %get3A_870 = arith.index_cast %add3A_798 : i32 to index
      %get3A_871 = arith.constant 32 : index
      %get3A_872 = tpu.vector_load %arg13[%get3A_870, %get3A_871] {strides = array<i32>} : memref<128x128xf32, #tpu.memory_space<vmem>>, vector<1x16xf32>,
      %get3A_873 = vector.shape_cast %get3A_872 : vector<1x16xf32> to vector<16xf32>
      %select_n3A_874 = arith.select %eq3A_865, %get3A_869, %get3A_873 : vector<16xf32>
      %mul3A_875 = arith.mulf %select_n3A_863, %select_n3A_874 : vector<16xf32>
      %add3A_876 = arith.addf %add3A_852, %mul3A_875 : vector<16xf32>
      %eq3A_877 = arith.constant 1 : i32
      %eq3A_878 = arith.cmpi eq, %squeeze3A_800, %eq3A_877 : i32
      %get3A_879 = arith.index_cast %add3A_798 : i32 to index
      %get3A_880 = arith.constant 112 : index
      %get3A_881 = tpu.vector_load %arg12[%get3A_879, %get3A_880] {strides = array<i32>} : memref<128x128xf32, #tpu.memory_space<vmem>>, vector<1x16xf32>,
      %get3A_882 = vector.shape_cast %get3A_881 : vector<1x16xf32> to vector<16xf32>
      %get3A_883 = arith.index_cast %add3A_798 : i32 to index
      %get3A_884 = arith.constant 48 : index
      %get3A_885 = tpu.vector_load %arg12[%get3A_883, %get3A_884] {strides = array<i32>} : memref<128x128xf32, #tpu.memory_space<vmem>>, vector<1x16xf32>,
      %get3A_886 = vector.shape_cast %get3A_885 : vector<1x16xf32> to vector<16xf32>
      %select_n3A_887 = arith.select %eq3A_878, %get3A_882, %get3A_886 : vector<16xf32>
      %eq3A_888 = arith.constant 1 : i32
      %eq3A_889 = arith.cmpi eq, %squeeze3A_802, %eq3A_888 : i32
      %get3A_890 = arith.index_cast %add3A_798 : i32 to index
      %get3A_891 = arith.constant 112 : index
      %get3A_892 = tpu.vector_load %arg13[%get3A_890, %get3A_891] {strides = array<i32>} : memref<128x128xf32, #tpu.memory_space<vmem>>, vector<1x16xf32>,
      %get3A_893 = vector.shape_cast %get3A_892 : vector<1x16xf32> to vector<16xf32>
      %get3A_894 = arith.index_cast %add3A_798 : i32 to index
      %get3A_895 = arith.constant 48 : index
      %get3A_896 = tpu.vector_load %arg13[%get3A_894, %get3A_895] {strides = array<i32>} : memref<128x128xf32, #tpu.memory_space<vmem>>, vector<1x16xf32>,
      %get3A_897 = vector.shape_cast %get3A_896 : vector<1x16xf32> to vector<16xf32>
      %select_n3A_898 = arith.select %eq3A_889, %get3A_893, %get3A_897 : vector<16xf32>
      %mul3A_899 = arith.mulf %select_n3A_887, %select_n3A_898 : vector<16xf32>
      %add3A_900 = arith.addf %add3A_876, %mul3A_899 : vector<16xf32>
      %reshape3A_901 = vector.shape_cast %xor3A_14 : vector<16xi32> to vector<16x1xi32>
      %gather3A_902 = vector.shape_cast %reshape3A_901 : vector<16x1xi32> to vector<16xi32>
      %gather3A_903 = tpu.dynamic_gather %add3A_900[%gather3A_902] in [0] : vector<16xf32>, vector<16xi32> -> vector<16xf32>
      %add3A_904 = arith.addf %add3A_900, %gather3A_903 : vector<16xf32>
      %reshape3A_905 = vector.shape_cast %xor3A_17 : vector<16xi32> to vector<16x1xi32>
      %gather3A_906 = vector.shape_cast %reshape3A_905 : vector<16x1xi32> to vector<16xi32>
      %gather3A_907 = tpu.dynamic_gather %add3A_904[%gather3A_906] in [0] : vector<16xf32>, vector<16xi32> -> vector<16xf32>
      %add3A_908 = arith.addf %add3A_904, %gather3A_907 : vector<16xf32>
      %reshape3A_909 = vector.shape_cast %xor3A_20 : vector<16xi32> to vector<16x1xi32>
      %gather3A_910 = vector.shape_cast %reshape3A_909 : vector<16x1xi32> to vector<16xi32>
      %gather3A_911 = tpu.dynamic_gather %add3A_908[%gather3A_910] in [0] : vector<16xf32>, vector<16xi32> -> vector<16xf32>
      %add3A_912 = arith.addf %add3A_908, %gather3A_911 : vector<16xf32>
      %reshape3A_913 = vector.shape_cast %xor3A_23 : vector<16xi32> to vector<16x1xi32>
      %gather3A_914 = vector.shape_cast %reshape3A_913 : vector<16x1xi32> to vector<16xi32>
      %gather3A_915 = tpu.dynamic_gather %add3A_912[%gather3A_914] in [0] : vector<16xf32>, vector<16xi32> -> vector<16xf32>
      %add3A_916 = arith.addf %add3A_912, %gather3A_915 : vector<16xf32>
      %eq3A_917 = arith.constant 6 : i32
      %eq3A_918 = vector.broadcast %eq3A_917 : i32 to vector<16xi32>
      %eq3A_919 = arith.cmpi eq, %iota3A, %eq3A_918 : vector<16xi32>
      %select_n3A_920 = arith.select %eq3A_919, %add3A_916, %select_n3A_794 : vector<16xi1>, vector<16xf32>
      %mul3A_921 = arith.constant 16 : i32
      %mul3A_922 = arith.muli %scan3A_29, %mul3A_921 : i32
      %add3A_923 = arith.constant 7 : i32
      %add3A_924 = arith.addi %mul3A_922, %add3A_923 : i32
      %slice3A_925 = vector.extract_strided_slice %and3A_36 {offsets = [7], sizes = [1], strides = [1]} : vector<16xi32> to vector<1xi32>
      %squeeze3A_926 = vector.extract %slice3A_925[0] : i32 from vector<1xi32>
      %slice3A_927 = vector.extract_strided_slice %and3A_44 {offsets = [7], sizes = [1], strides = [1]} : vector<16xi32> to vector<1xi32>
      %squeeze3A_928 = vector.extract %slice3A_927[0] : i32 from vector<1xi32>
      %broadcast_in_dim3A_929 = arith.constant 0.000000e+00 : f32
      %broadcast_in_dim3A_930 = vector.broadcast %broadcast_in_dim3A_929 : f32 to vector<16xf32>
      %eq3A_931 = arith.constant 1 : i32
      %eq3A_932 = arith.cmpi eq, %squeeze3A_926, %eq3A_931 : i32
      %get3A_933 = arith.index_cast %add3A_924 : i32 to index
      %get3A_934 = arith.constant 64 : index
      %get3A_935 = tpu.vector_load %arg12[%get3A_933, %get3A_934] {strides = array<i32>} : memref<128x128xf32, #tpu.memory_space<vmem>>, vector<1x16xf32>,
      %get3A_936 = vector.shape_cast %get3A_935 : vector<1x16xf32> to vector<16xf32>
      %get3A_937 = arith.index_cast %add3A_924 : i32 to index
      %get3A_938 = arith.constant 0 : index
      %get3A_939 = tpu.vector_load %arg12[%get3A_937, %get3A_938] {strides = array<i32>} : memref<128x128xf32, #tpu.memory_space<vmem>>, vector<1x16xf32>,
      %get3A_940 = vector.shape_cast %get3A_939 : vector<1x16xf32> to vector<16xf32>
      %select_n3A_941 = arith.select %eq3A_932, %get3A_936, %get3A_940 : vector<16xf32>
      %eq3A_942 = arith.constant 1 : i32
      %eq3A_943 = arith.cmpi eq, %squeeze3A_928, %eq3A_942 : i32
      %get3A_944 = arith.index_cast %add3A_924 : i32 to index
      %get3A_945 = arith.constant 64 : index
      %get3A_946 = tpu.vector_load %arg13[%get3A_944, %get3A_945] {strides = array<i32>} : memref<128x128xf32, #tpu.memory_space<vmem>>, vector<1x16xf32>,
      %get3A_947 = vector.shape_cast %get3A_946 : vector<1x16xf32> to vector<16xf32>
      %get3A_948 = arith.index_cast %add3A_924 : i32 to index
      %get3A_949 = arith.constant 0 : index
      %get3A_950 = tpu.vector_load %arg13[%get3A_948, %get3A_949] {strides = array<i32>} : memref<128x128xf32, #tpu.memory_space<vmem>>, vector<1x16xf32>,
      %get3A_951 = vector.shape_cast %get3A_950 : vector<1x16xf32> to vector<16xf32>
      %select_n3A_952 = arith.select %eq3A_943, %get3A_947, %get3A_951 : vector<16xf32>
      %mul3A_953 = arith.mulf %select_n3A_941, %select_n3A_952 : vector<16xf32>
      %add3A_954 = arith.addf %broadcast_in_dim3A_930, %mul3A_953 : vector<16xf32>
      %eq3A_955 = arith.constant 1 : i32
      %eq3A_956 = arith.cmpi eq, %squeeze3A_926, %eq3A_955 : i32
      %get3A_957 = arith.index_cast %add3A_924 : i32 to index
      %get3A_958 = arith.constant 80 : index
      %get3A_959 = tpu.vector_load %arg12[%get3A_957, %get3A_958] {strides = array<i32>} : memref<128x128xf32, #tpu.memory_space<vmem>>, vector<1x16xf32>,
      %get3A_960 = vector.shape_cast %get3A_959 : vector<1x16xf32> to vector<16xf32>
      %get3A_961 = arith.index_cast %add3A_924 : i32 to index
      %get3A_962 = arith.constant 16 : index
      %get3A_963 = tpu.vector_load %arg12[%get3A_961, %get3A_962] {strides = array<i32>} : memref<128x128xf32, #tpu.memory_space<vmem>>, vector<1x16xf32>,
      %get3A_964 = vector.shape_cast %get3A_963 : vector<1x16xf32> to vector<16xf32>
      %select_n3A_965 = arith.select %eq3A_956, %get3A_960, %get3A_964 : vector<16xf32>
      %eq3A_966 = arith.constant 1 : i32
      %eq3A_967 = arith.cmpi eq, %squeeze3A_928, %eq3A_966 : i32
      %get3A_968 = arith.index_cast %add3A_924 : i32 to index
      %get3A_969 = arith.constant 80 : index
      %get3A_970 = tpu.vector_load %arg13[%get3A_968, %get3A_969] {strides = array<i32>} : memref<128x128xf32, #tpu.memory_space<vmem>>, vector<1x16xf32>,
      %get3A_971 = vector.shape_cast %get3A_970 : vector<1x16xf32> to vector<16xf32>
      %get3A_972 = arith.index_cast %add3A_924 : i32 to index
      %get3A_973 = arith.constant 16 : index
      %get3A_974 = tpu.vector_load %arg13[%get3A_972, %get3A_973] {strides = array<i32>} : memref<128x128xf32, #tpu.memory_space<vmem>>, vector<1x16xf32>,
      %get3A_975 = vector.shape_cast %get3A_974 : vector<1x16xf32> to vector<16xf32>
      %select_n3A_976 = arith.select %eq3A_967, %get3A_971, %get3A_975 : vector<16xf32>
      %mul3A_977 = arith.mulf %select_n3A_965, %select_n3A_976 : vector<16xf32>
      %add3A_978 = arith.addf %add3A_954, %mul3A_977 : vector<16xf32>
      %eq3A_979 = arith.constant 1 : i32
      %eq3A_980 = arith.cmpi eq, %squeeze3A_926, %eq3A_979 : i32
      %get3A_981 = arith.index_cast %add3A_924 : i32 to index
      %get3A_982 = arith.constant 96 : index
      %get3A_983 = tpu.vector_load %arg12[%get3A_981, %get3A_982] {strides = array<i32>} : memref<128x128xf32, #tpu.memory_space<vmem>>, vector<1x16xf32>,
      %get3A_984 = vector.shape_cast %get3A_983 : vector<1x16xf32> to vector<16xf32>
      %get3A_985 = arith.index_cast %add3A_924 : i32 to index
      %get3A_986 = arith.constant 32 : index
      %get3A_987 = tpu.vector_load %arg12[%get3A_985, %get3A_986] {strides = array<i32>} : memref<128x128xf32, #tpu.memory_space<vmem>>, vector<1x16xf32>,
      %get3A_988 = vector.shape_cast %get3A_987 : vector<1x16xf32> to vector<16xf32>
      %select_n3A_989 = arith.select %eq3A_980, %get3A_984, %get3A_988 : vector<16xf32>
      %eq3A_990 = arith.constant 1 : i32
      %eq3A_991 = arith.cmpi eq, %squeeze3A_928, %eq3A_990 : i32
      %get3A_992 = arith.index_cast %add3A_924 : i32 to index
      %get3A_993 = arith.constant 96 : index
      %get3A_994 = tpu.vector_load %arg13[%get3A_992, %get3A_993] {strides = array<i32>} : memref<128x128xf32, #tpu.memory_space<vmem>>, vector<1x16xf32>,
      %get3A_995 = vector.shape_cast %get3A_994 : vector<1x16xf32> to vector<16xf32>
      %get3A_996 = arith.index_cast %add3A_924 : i32 to index
      %get3A_997 = arith.constant 32 : index
      %get3A_998 = tpu.vector_load %arg13[%get3A_996, %get3A_997] {strides = array<i32>} : memref<128x128xf32, #tpu.memory_space<vmem>>, vector<1x16xf32>,
      %get3A_999 = vector.shape_cast %get3A_998 : vector<1x16xf32> to vector<16xf32>
      %select_n3A_1000 = arith.select %eq3A_991, %get3A_995, %get3A_999 : vector<16xf32>
      %mul3A_1001 = arith.mulf %select_n3A_989, %select_n3A_1000 : vector<16xf32>
      %add3A_1002 = arith.addf %add3A_978, %mul3A_1001 : vector<16xf32>
      %eq3A_1003 = arith.constant 1 : i32
      %eq3A_1004 = arith.cmpi eq, %squeeze3A_926, %eq3A_1003 : i32
      %get3A_1005 = arith.index_cast %add3A_924 : i32 to index
      %get3A_1006 = arith.constant 112 : index
      %get3A_1007 = tpu.vector_load %arg12[%get3A_1005, %get3A_1006] {strides = array<i32>} : memref<128x128xf32, #tpu.memory_space<vmem>>, vector<1x16xf32>,
      %get3A_1008 = vector.shape_cast %get3A_1007 : vector<1x16xf32> to vector<16xf32>
      %get3A_1009 = arith.index_cast %add3A_924 : i32 to index
      %get3A_1010 = arith.constant 48 : index
      %get3A_1011 = tpu.vector_load %arg12[%get3A_1009, %get3A_1010] {strides = array<i32>} : memref<128x128xf32, #tpu.memory_space<vmem>>, vector<1x16xf32>,
      %get3A_1012 = vector.shape_cast %get3A_1011 : vector<1x16xf32> to vector<16xf32>
      %select_n3A_1013 = arith.select %eq3A_1004, %get3A_1008, %get3A_1012 : vector<16xf32>
      %eq3A_1014 = arith.constant 1 : i32
      %eq3A_1015 = arith.cmpi eq, %squeeze3A_928, %eq3A_1014 : i32
      %get3A_1016 = arith.index_cast %add3A_924 : i32 to index
      %get3A_1017 = arith.constant 112 : index
      %get3A_1018 = tpu.vector_load %arg13[%get3A_1016, %get3A_1017] {strides = array<i32>} : memref<128x128xf32, #tpu.memory_space<vmem>>, vector<1x16xf32>,
      %get3A_1019 = vector.shape_cast %get3A_1018 : vector<1x16xf32> to vector<16xf32>
      %get3A_1020 = arith.index_cast %add3A_924 : i32 to index
      %get3A_1021 = arith.constant 48 : index
      %get3A_1022 = tpu.vector_load %arg13[%get3A_1020, %get3A_1021] {strides = array<i32>} : memref<128x128xf32, #tpu.memory_space<vmem>>, vector<1x16xf32>,
      %get3A_1023 = vector.shape_cast %get3A_1022 : vector<1x16xf32> to vector<16xf32>
      %select_n3A_1024 = arith.select %eq3A_1015, %get3A_1019, %get3A_1023 : vector<16xf32>
      %mul3A_1025 = arith.mulf %select_n3A_1013, %select_n3A_1024 : vector<16xf32>
      %add3A_1026 = arith.addf %add3A_1002, %mul3A_1025 : vector<16xf32>
      %reshape3A_1027 = vector.shape_cast %xor3A_14 : vector<16xi32> to vector<16x1xi32>
      %gather3A_1028 = vector.shape_cast %reshape3A_1027 : vector<16x1xi32> to vector<16xi32>
      %gather3A_1029 = tpu.dynamic_gather %add3A_1026[%gather3A_1028] in [0] : vector<16xf32>, vector<16xi32> -> vector<16xf32>
      %add3A_1030 = arith.addf %add3A_1026, %gather3A_1029 : vector<16xf32>
      %reshape3A_1031 = vector.shape_cast %xor3A_17 : vector<16xi32> to vector<16x1xi32>
      %gather3A_1032 = vector.shape_cast %reshape3A_1031 : vector<16x1xi32> to vector<16xi32>
      %gather3A_1033 = tpu.dynamic_gather %add3A_1030[%gather3A_1032] in [0] : vector<16xf32>, vector<16xi32> -> vector<16xf32>
      %add3A_1034 = arith.addf %add3A_1030, %gather3A_1033 : vector<16xf32>
      %reshape3A_1035 = vector.shape_cast %xor3A_20 : vector<16xi32> to vector<16x1xi32>
      %gather3A_1036 = vector.shape_cast %reshape3A_1035 : vector<16x1xi32> to vector<16xi32>
      %gather3A_1037 = tpu.dynamic_gather %add3A_1034[%gather3A_1036] in [0] : vector<16xf32>, vector<16xi32> -> vector<16xf32>
      %add3A_1038 = arith.addf %add3A_1034, %gather3A_1037 : vector<16xf32>
      %reshape3A_1039 = vector.shape_cast %xor3A_23 : vector<16xi32> to vector<16x1xi32>
      %gather3A_1040 = vector.shape_cast %reshape3A_1039 : vector<16x1xi32> to vector<16xi32>
      %gather3A_1041 = tpu.dynamic_gather %add3A_1038[%gather3A_1040] in [0] : vector<16xf32>, vector<16xi32> -> vector<16xf32>
      %add3A_1042 = arith.addf %add3A_1038, %gather3A_1041 : vector<16xf32>
      %eq3A_1043 = arith.constant 7 : i32
      %eq3A_1044 = vector.broadcast %eq3A_1043 : i32 to vector<16xi32>
      %eq3A_1045 = arith.cmpi eq, %iota3A, %eq3A_1044 : vector<16xi32>
      %select_n3A_1046 = arith.select %eq3A_1045, %add3A_1042, %select_n3A_920 : vector<16xi1>, vector<16xf32>
      %mul3A_1047 = arith.constant 16 : i32
      %mul3A_1048 = arith.muli %scan3A_29, %mul3A_1047 : i32
      %add3A_1049 = arith.constant 8 : i32
      %add3A_1050 = arith.addi %mul3A_1048, %add3A_1049 : i32
      %slice3A_1051 = vector.extract_strided_slice %and3A_36 {offsets = [8], sizes = [1], strides = [1]} : vector<16xi32> to vector<1xi32>
      %squeeze3A_1052 = vector.extract %slice3A_1051[0] : i32 from vector<1xi32>
      %slice3A_1053 = vector.extract_strided_slice %and3A_44 {offsets = [8], sizes = [1], strides = [1]} : vector<16xi32> to vector<1xi32>
      %squeeze3A_1054 = vector.extract %slice3A_1053[0] : i32 from vector<1xi32>
      %broadcast_in_dim3A_1055 = arith.constant 0.000000e+00 : f32
      %broadcast_in_dim3A_1056 = vector.broadcast %broadcast_in_dim3A_1055 : f32 to vector<16xf32>
      %eq3A_1057 = arith.constant 1 : i32
      %eq3A_1058 = arith.cmpi eq, %squeeze3A_1052, %eq3A_1057 : i32
      %get3A_1059 = arith.index_cast %add3A_1050 : i32 to index
      %get3A_1060 = arith.constant 64 : index
      %get3A_1061 = tpu.vector_load %arg12[%get3A_1059, %get3A_1060] {strides = array<i32>} : memref<128x128xf32, #tpu.memory_space<vmem>>, vector<1x16xf32>,
      %get3A_1062 = vector.shape_cast %get3A_1061 : vector<1x16xf32> to vector<16xf32>
      %get3A_1063 = arith.index_cast %add3A_1050 : i32 to index
      %get3A_1064 = arith.constant 0 : index
      %get3A_1065 = tpu.vector_load %arg12[%get3A_1063, %get3A_1064] {strides = array<i32>} : memref<128x128xf32, #tpu.memory_space<vmem>>, vector<1x16xf32>,
      %get3A_1066 = vector.shape_cast %get3A_1065 : vector<1x16xf32> to vector<16xf32>
      %select_n3A_1067 = arith.select %eq3A_1058, %get3A_1062, %get3A_1066 : vector<16xf32>
      %eq3A_1068 = arith.constant 1 : i32
      %eq3A_1069 = arith.cmpi eq, %squeeze3A_1054, %eq3A_1068 : i32
      %get3A_1070 = arith.index_cast %add3A_1050 : i32 to index
      %get3A_1071 = arith.constant 64 : index
      %get3A_1072 = tpu.vector_load %arg13[%get3A_1070, %get3A_1071] {strides = array<i32>} : memref<128x128xf32, #tpu.memory_space<vmem>>, vector<1x16xf32>,
      %get3A_1073 = vector.shape_cast %get3A_1072 : vector<1x16xf32> to vector<16xf32>
      %get3A_1074 = arith.index_cast %add3A_1050 : i32 to index
      %get3A_1075 = arith.constant 0 : index
      %get3A_1076 = tpu.vector_load %arg13[%get3A_1074, %get3A_1075] {strides = array<i32>} : memref<128x128xf32, #tpu.memory_space<vmem>>, vector<1x16xf32>,
      %get3A_1077 = vector.shape_cast %get3A_1076 : vector<1x16xf32> to vector<16xf32>
      %select_n3A_1078 = arith.select %eq3A_1069, %get3A_1073, %get3A_1077 : vector<16xf32>
      %mul3A_1079 = arith.mulf %select_n3A_1067, %select_n3A_1078 : vector<16xf32>
      %add3A_1080 = arith.addf %broadcast_in_dim3A_1056, %mul3A_1079 : vector<16xf32>
      %eq3A_1081 = arith.constant 1 : i32
      %eq3A_1082 = arith.cmpi eq, %squeeze3A_1052, %eq3A_1081 : i32
      %get3A_1083 = arith.index_cast %add3A_1050 : i32 to index
      %get3A_1084 = arith.constant 80 : index
      %get3A_1085 = tpu.vector_load %arg12[%get3A_1083, %get3A_1084] {strides = array<i32>} : memref<128x128xf32, #tpu.memory_space<vmem>>, vector<1x16xf32>,
      %get3A_1086 = vector.shape_cast %get3A_1085 : vector<1x16xf32> to vector<16xf32>
      %get3A_1087 = arith.index_cast %add3A_1050 : i32 to index
      %get3A_1088 = arith.constant 16 : index
      %get3A_1089 = tpu.vector_load %arg12[%get3A_1087, %get3A_1088] {strides = array<i32>} : memref<128x128xf32, #tpu.memory_space<vmem>>, vector<1x16xf32>,
      %get3A_1090 = vector.shape_cast %get3A_1089 : vector<1x16xf32> to vector<16xf32>
      %select_n3A_1091 = arith.select %eq3A_1082, %get3A_1086, %get3A_1090 : vector<16xf32>
      %eq3A_1092 = arith.constant 1 : i32
      %eq3A_1093 = arith.cmpi eq, %squeeze3A_1054, %eq3A_1092 : i32
      %get3A_1094 = arith.index_cast %add3A_1050 : i32 to index
      %get3A_1095 = arith.constant 80 : index
      %get3A_1096 = tpu.vector_load %arg13[%get3A_1094, %get3A_1095] {strides = array<i32>} : memref<128x128xf32, #tpu.memory_space<vmem>>, vector<1x16xf32>,
      %get3A_1097 = vector.shape_cast %get3A_1096 : vector<1x16xf32> to vector<16xf32>
      %get3A_1098 = arith.index_cast %add3A_1050 : i32 to index
      %get3A_1099 = arith.constant 16 : index
      %get3A_1100 = tpu.vector_load %arg13[%get3A_1098, %get3A_1099] {strides = array<i32>} : memref<128x128xf32, #tpu.memory_space<vmem>>, vector<1x16xf32>,
      %get3A_1101 = vector.shape_cast %get3A_1100 : vector<1x16xf32> to vector<16xf32>
      %select_n3A_1102 = arith.select %eq3A_1093, %get3A_1097, %get3A_1101 : vector<16xf32>
      %mul3A_1103 = arith.mulf %select_n3A_1091, %select_n3A_1102 : vector<16xf32>
      %add3A_1104 = arith.addf %add3A_1080, %mul3A_1103 : vector<16xf32>
      %eq3A_1105 = arith.constant 1 : i32
      %eq3A_1106 = arith.cmpi eq, %squeeze3A_1052, %eq3A_1105 : i32
      %get3A_1107 = arith.index_cast %add3A_1050 : i32 to index
      %get3A_1108 = arith.constant 96 : index
      %get3A_1109 = tpu.vector_load %arg12[%get3A_1107, %get3A_1108] {strides = array<i32>} : memref<128x128xf32, #tpu.memory_space<vmem>>, vector<1x16xf32>,
      %get3A_1110 = vector.shape_cast %get3A_1109 : vector<1x16xf32> to vector<16xf32>
      %get3A_1111 = arith.index_cast %add3A_1050 : i32 to index
      %get3A_1112 = arith.constant 32 : index
      %get3A_1113 = tpu.vector_load %arg12[%get3A_1111, %get3A_1112] {strides = array<i32>} : memref<128x128xf32, #tpu.memory_space<vmem>>, vector<1x16xf32>,
      %get3A_1114 = vector.shape_cast %get3A_1113 : vector<1x16xf32> to vector<16xf32>
      %select_n3A_1115 = arith.select %eq3A_1106, %get3A_1110, %get3A_1114 : vector<16xf32>
      %eq3A_1116 = arith.constant 1 : i32
      %eq3A_1117 = arith.cmpi eq, %squeeze3A_1054, %eq3A_1116 : i32
      %get3A_1118 = arith.index_cast %add3A_1050 : i32 to index
      %get3A_1119 = arith.constant 96 : index
      %get3A_1120 = tpu.vector_load %arg13[%get3A_1118, %get3A_1119] {strides = array<i32>} : memref<128x128xf32, #tpu.memory_space<vmem>>, vector<1x16xf32>,
      %get3A_1121 = vector.shape_cast %get3A_1120 : vector<1x16xf32> to vector<16xf32>
      %get3A_1122 = arith.index_cast %add3A_1050 : i32 to index
      %get3A_1123 = arith.constant 32 : index
      %get3A_1124 = tpu.vector_load %arg13[%get3A_1122, %get3A_1123] {strides = array<i32>} : memref<128x128xf32, #tpu.memory_space<vmem>>, vector<1x16xf32>,
      %get3A_1125 = vector.shape_cast %get3A_1124 : vector<1x16xf32> to vector<16xf32>
      %select_n3A_1126 = arith.select %eq3A_1117, %get3A_1121, %get3A_1125 : vector<16xf32>
      %mul3A_1127 = arith.mulf %select_n3A_1115, %select_n3A_1126 : vector<16xf32>
      %add3A_1128 = arith.addf %add3A_1104, %mul3A_1127 : vector<16xf32>
      %eq3A_1129 = arith.constant 1 : i32
      %eq3A_1130 = arith.cmpi eq, %squeeze3A_1052, %eq3A_1129 : i32
      %get3A_1131 = arith.index_cast %add3A_1050 : i32 to index
      %get3A_1132 = arith.constant 112 : index
      %get3A_1133 = tpu.vector_load %arg12[%get3A_1131, %get3A_1132] {strides = array<i32>} : memref<128x128xf32, #tpu.memory_space<vmem>>, vector<1x16xf32>,
      %get3A_1134 = vector.shape_cast %get3A_1133 : vector<1x16xf32> to vector<16xf32>
      %get3A_1135 = arith.index_cast %add3A_1050 : i32 to index
      %get3A_1136 = arith.constant 48 : index
      %get3A_1137 = tpu.vector_load %arg12[%get3A_1135, %get3A_1136] {strides = array<i32>} : memref<128x128xf32, #tpu.memory_space<vmem>>, vector<1x16xf32>,
      %get3A_1138 = vector.shape_cast %get3A_1137 : vector<1x16xf32> to vector<16xf32>
      %select_n3A_1139 = arith.select %eq3A_1130, %get3A_1134, %get3A_1138 : vector<16xf32>
      %eq3A_1140 = arith.constant 1 : i32
      %eq3A_1141 = arith.cmpi eq, %squeeze3A_1054, %eq3A_1140 : i32
      %get3A_1142 = arith.index_cast %add3A_1050 : i32 to index
      %get3A_1143 = arith.constant 112 : index
      %get3A_1144 = tpu.vector_load %arg13[%get3A_1142, %get3A_1143] {strides = array<i32>} : memref<128x128xf32, #tpu.memory_space<vmem>>, vector<1x16xf32>,
      %get3A_1145 = vector.shape_cast %get3A_1144 : vector<1x16xf32> to vector<16xf32>
      %get3A_1146 = arith.index_cast %add3A_1050 : i32 to index
      %get3A_1147 = arith.constant 48 : index
      %get3A_1148 = tpu.vector_load %arg13[%get3A_1146, %get3A_1147] {strides = array<i32>} : memref<128x128xf32, #tpu.memory_space<vmem>>, vector<1x16xf32>,
      %get3A_1149 = vector.shape_cast %get3A_1148 : vector<1x16xf32> to vector<16xf32>
      %select_n3A_1150 = arith.select %eq3A_1141, %get3A_1145, %get3A_1149 : vector<16xf32>
      %mul3A_1151 = arith.mulf %select_n3A_1139, %select_n3A_1150 : vector<16xf32>
      %add3A_1152 = arith.addf %add3A_1128, %mul3A_1151 : vector<16xf32>
      %reshape3A_1153 = vector.shape_cast %xor3A_14 : vector<16xi32> to vector<16x1xi32>
      %gather3A_1154 = vector.shape_cast %reshape3A_1153 : vector<16x1xi32> to vector<16xi32>
      %gather3A_1155 = tpu.dynamic_gather %add3A_1152[%gather3A_1154] in [0] : vector<16xf32>, vector<16xi32> -> vector<16xf32>
      %add3A_1156 = arith.addf %add3A_1152, %gather3A_1155 : vector<16xf32>
      %reshape3A_1157 = vector.shape_cast %xor3A_17 : vector<16xi32> to vector<16x1xi32>
      %gather3A_1158 = vector.shape_cast %reshape3A_1157 : vector<16x1xi32> to vector<16xi32>
      %gather3A_1159 = tpu.dynamic_gather %add3A_1156[%gather3A_1158] in [0] : vector<16xf32>, vector<16xi32> -> vector<16xf32>
      %add3A_1160 = arith.addf %add3A_1156, %gather3A_1159 : vector<16xf32>
      %reshape3A_1161 = vector.shape_cast %xor3A_20 : vector<16xi32> to vector<16x1xi32>
      %gather3A_1162 = vector.shape_cast %reshape3A_1161 : vector<16x1xi32> to vector<16xi32>
      %gather3A_1163 = tpu.dynamic_gather %add3A_1160[%gather3A_1162] in [0] : vector<16xf32>, vector<16xi32> -> vector<16xf32>
      %add3A_1164 = arith.addf %add3A_1160, %gather3A_1163 : vector<16xf32>
      %reshape3A_1165 = vector.shape_cast %xor3A_23 : vector<16xi32> to vector<16x1xi32>
      %gather3A_1166 = vector.shape_cast %reshape3A_1165 : vector<16x1xi32> to vector<16xi32>
      %gather3A_1167 = tpu.dynamic_gather %add3A_1164[%gather3A_1166] in [0] : vector<16xf32>, vector<16xi32> -> vector<16xf32>
      %add3A_1168 = arith.addf %add3A_1164, %gather3A_1167 : vector<16xf32>
      %eq3A_1169 = arith.constant 8 : i32
      %eq3A_1170 = vector.broadcast %eq3A_1169 : i32 to vector<16xi32>
      %eq3A_1171 = arith.cmpi eq, %iota3A, %eq3A_1170 : vector<16xi32>
      %select_n3A_1172 = arith.select %eq3A_1171, %add3A_1168, %select_n3A_1046 : vector<16xi1>, vector<16xf32>
      %mul3A_1173 = arith.constant 16 : i32
      %mul3A_1174 = arith.muli %scan3A_29, %mul3A_1173 : i32
      %add3A_1175 = arith.constant 9 : i32
      %add3A_1176 = arith.addi %mul3A_1174, %add3A_1175 : i32
      %slice3A_1177 = vector.extract_strided_slice %and3A_36 {offsets = [9], sizes = [1], strides = [1]} : vector<16xi32> to vector<1xi32>
      %squeeze3A_1178 = vector.extract %slice3A_1177[0] : i32 from vector<1xi32>
      %slice3A_1179 = vector.extract_strided_slice %and3A_44 {offsets = [9], sizes = [1], strides = [1]} : vector<16xi32> to vector<1xi32>
      %squeeze3A_1180 = vector.extract %slice3A_1179[0] : i32 from vector<1xi32>
      %broadcast_in_dim3A_1181 = arith.constant 0.000000e+00 : f32
      %broadcast_in_dim3A_1182 = vector.broadcast %broadcast_in_dim3A_1181 : f32 to vector<16xf32>
      %eq3A_1183 = arith.constant 1 : i32
      %eq3A_1184 = arith.cmpi eq, %squeeze3A_1178, %eq3A_1183 : i32
      %get3A_1185 = arith.index_cast %add3A_1176 : i32 to index
      %get3A_1186 = arith.constant 64 : index
      %get3A_1187 = tpu.vector_load %arg12[%get3A_1185, %get3A_1186] {strides = array<i32>} : memref<128x128xf32, #tpu.memory_space<vmem>>, vector<1x16xf32>,
      %get3A_1188 = vector.shape_cast %get3A_1187 : vector<1x16xf32> to vector<16xf32>
      %get3A_1189 = arith.index_cast %add3A_1176 : i32 to index
      %get3A_1190 = arith.constant 0 : index
      %get3A_1191 = tpu.vector_load %arg12[%get3A_1189, %get3A_1190] {strides = array<i32>} : memref<128x128xf32, #tpu.memory_space<vmem>>, vector<1x16xf32>,
      %get3A_1192 = vector.shape_cast %get3A_1191 : vector<1x16xf32> to vector<16xf32>
      %select_n3A_1193 = arith.select %eq3A_1184, %get3A_1188, %get3A_1192 : vector<16xf32>
      %eq3A_1194 = arith.constant 1 : i32
      %eq3A_1195 = arith.cmpi eq, %squeeze3A_1180, %eq3A_1194 : i32
      %get3A_1196 = arith.index_cast %add3A_1176 : i32 to index
      %get3A_1197 = arith.constant 64 : index
      %get3A_1198 = tpu.vector_load %arg13[%get3A_1196, %get3A_1197] {strides = array<i32>} : memref<128x128xf32, #tpu.memory_space<vmem>>, vector<1x16xf32>,
      %get3A_1199 = vector.shape_cast %get3A_1198 : vector<1x16xf32> to vector<16xf32>
      %get3A_1200 = arith.index_cast %add3A_1176 : i32 to index
      %get3A_1201 = arith.constant 0 : index
      %get3A_1202 = tpu.vector_load %arg13[%get3A_1200, %get3A_1201] {strides = array<i32>} : memref<128x128xf32, #tpu.memory_space<vmem>>, vector<1x16xf32>,
      %get3A_1203 = vector.shape_cast %get3A_1202 : vector<1x16xf32> to vector<16xf32>
      %select_n3A_1204 = arith.select %eq3A_1195, %get3A_1199, %get3A_1203 : vector<16xf32>
      %mul3A_1205 = arith.mulf %select_n3A_1193, %select_n3A_1204 : vector<16xf32>
      %add3A_1206 = arith.addf %broadcast_in_dim3A_1182, %mul3A_1205 : vector<16xf32>
      %eq3A_1207 = arith.constant 1 : i32
      %eq3A_1208 = arith.cmpi eq, %squeeze3A_1178, %eq3A_1207 : i32
      %get3A_1209 = arith.index_cast %add3A_1176 : i32 to index
      %get3A_1210 = arith.constant 80 : index
      %get3A_1211 = tpu.vector_load %arg12[%get3A_1209, %get3A_1210] {strides = array<i32>} : memref<128x128xf32, #tpu.memory_space<vmem>>, vector<1x16xf32>,
      %get3A_1212 = vector.shape_cast %get3A_1211 : vector<1x16xf32> to vector<16xf32>
      %get3A_1213 = arith.index_cast %add3A_1176 : i32 to index
      %get3A_1214 = arith.constant 16 : index
      %get3A_1215 = tpu.vector_load %arg12[%get3A_1213, %get3A_1214] {strides = array<i32>} : memref<128x128xf32, #tpu.memory_space<vmem>>, vector<1x16xf32>,
      %get3A_1216 = vector.shape_cast %get3A_1215 : vector<1x16xf32> to vector<16xf32>
      %select_n3A_1217 = arith.select %eq3A_1208, %get3A_1212, %get3A_1216 : vector<16xf32>
      %eq3A_1218 = arith.constant 1 : i32
      %eq3A_1219 = arith.cmpi eq, %squeeze3A_1180, %eq3A_1218 : i32
      %get3A_1220 = arith.index_cast %add3A_1176 : i32 to index
      %get3A_1221 = arith.constant 80 : index
      %get3A_1222 = tpu.vector_load %arg13[%get3A_1220, %get3A_1221] {strides = array<i32>} : memref<128x128xf32, #tpu.memory_space<vmem>>, vector<1x16xf32>,
      %get3A_1223 = vector.shape_cast %get3A_1222 : vector<1x16xf32> to vector<16xf32>
      %get3A_1224 = arith.index_cast %add3A_1176 : i32 to index
      %get3A_1225 = arith.constant 16 : index
      %get3A_1226 = tpu.vector_load %arg13[%get3A_1224, %get3A_1225] {strides = array<i32>} : memref<128x128xf32, #tpu.memory_space<vmem>>, vector<1x16xf32>,
      %get3A_1227 = vector.shape_cast %get3A_1226 : vector<1x16xf32> to vector<16xf32>
      %select_n3A_1228 = arith.select %eq3A_1219, %get3A_1223, %get3A_1227 : vector<16xf32>
      %mul3A_1229 = arith.mulf %select_n3A_1217, %select_n3A_1228 : vector<16xf32>
      %add3A_1230 = arith.addf %add3A_1206, %mul3A_1229 : vector<16xf32>
      %eq3A_1231 = arith.constant 1 : i32
      %eq3A_1232 = arith.cmpi eq, %squeeze3A_1178, %eq3A_1231 : i32
      %get3A_1233 = arith.index_cast %add3A_1176 : i32 to index
      %get3A_1234 = arith.constant 96 : index
      %get3A_1235 = tpu.vector_load %arg12[%get3A_1233, %get3A_1234] {strides = array<i32>} : memref<128x128xf32, #tpu.memory_space<vmem>>, vector<1x16xf32>,
      %get3A_1236 = vector.shape_cast %get3A_1235 : vector<1x16xf32> to vector<16xf32>
      %get3A_1237 = arith.index_cast %add3A_1176 : i32 to index
      %get3A_1238 = arith.constant 32 : index
      %get3A_1239 = tpu.vector_load %arg12[%get3A_1237, %get3A_1238] {strides = array<i32>} : memref<128x128xf32, #tpu.memory_space<vmem>>, vector<1x16xf32>,
      %get3A_1240 = vector.shape_cast %get3A_1239 : vector<1x16xf32> to vector<16xf32>
      %select_n3A_1241 = arith.select %eq3A_1232, %get3A_1236, %get3A_1240 : vector<16xf32>
      %eq3A_1242 = arith.constant 1 : i32
      %eq3A_1243 = arith.cmpi eq, %squeeze3A_1180, %eq3A_1242 : i32
      %get3A_1244 = arith.index_cast %add3A_1176 : i32 to index
      %get3A_1245 = arith.constant 96 : index
      %get3A_1246 = tpu.vector_load %arg13[%get3A_1244, %get3A_1245] {strides = array<i32>} : memref<128x128xf32, #tpu.memory_space<vmem>>, vector<1x16xf32>,
      %get3A_1247 = vector.shape_cast %get3A_1246 : vector<1x16xf32> to vector<16xf32>
      %get3A_1248 = arith.index_cast %add3A_1176 : i32 to index
      %get3A_1249 = arith.constant 32 : index
      %get3A_1250 = tpu.vector_load %arg13[%get3A_1248, %get3A_1249] {strides = array<i32>} : memref<128x128xf32, #tpu.memory_space<vmem>>, vector<1x16xf32>,
      %get3A_1251 = vector.shape_cast %get3A_1250 : vector<1x16xf32> to vector<16xf32>
      %select_n3A_1252 = arith.select %eq3A_1243, %get3A_1247, %get3A_1251 : vector<16xf32>
      %mul3A_1253 = arith.mulf %select_n3A_1241, %select_n3A_1252 : vector<16xf32>
      %add3A_1254 = arith.addf %add3A_1230, %mul3A_1253 : vector<16xf32>
      %eq3A_1255 = arith.constant 1 : i32
      %eq3A_1256 = arith.cmpi eq, %squeeze3A_1178, %eq3A_1255 : i32
      %get3A_1257 = arith.index_cast %add3A_1176 : i32 to index
      %get3A_1258 = arith.constant 112 : index
      %get3A_1259 = tpu.vector_load %arg12[%get3A_1257, %get3A_1258] {strides = array<i32>} : memref<128x128xf32, #tpu.memory_space<vmem>>, vector<1x16xf32>,
      %get3A_1260 = vector.shape_cast %get3A_1259 : vector<1x16xf32> to vector<16xf32>
      %get3A_1261 = arith.index_cast %add3A_1176 : i32 to index
      %get3A_1262 = arith.constant 48 : index
      %get3A_1263 = tpu.vector_load %arg12[%get3A_1261, %get3A_1262] {strides = array<i32>} : memref<128x128xf32, #tpu.memory_space<vmem>>, vector<1x16xf32>,
      %get3A_1264 = vector.shape_cast %get3A_1263 : vector<1x16xf32> to vector<16xf32>
      %select_n3A_1265 = arith.select %eq3A_1256, %get3A_1260, %get3A_1264 : vector<16xf32>
      %eq3A_1266 = arith.constant 1 : i32
      %eq3A_1267 = arith.cmpi eq, %squeeze3A_1180, %eq3A_1266 : i32
      %get3A_1268 = arith.index_cast %add3A_1176 : i32 to index
      %get3A_1269 = arith.constant 112 : index
      %get3A_1270 = tpu.vector_load %arg13[%get3A_1268, %get3A_1269] {strides = array<i32>} : memref<128x128xf32, #tpu.memory_space<vmem>>, vector<1x16xf32>,
      %get3A_1271 = vector.shape_cast %get3A_1270 : vector<1x16xf32> to vector<16xf32>
      %get3A_1272 = arith.index_cast %add3A_1176 : i32 to index
      %get3A_1273 = arith.constant 48 : index
      %get3A_1274 = tpu.vector_load %arg13[%get3A_1272, %get3A_1273] {strides = array<i32>} : memref<128x128xf32, #tpu.memory_space<vmem>>, vector<1x16xf32>,
      %get3A_1275 = vector.shape_cast %get3A_1274 : vector<1x16xf32> to vector<16xf32>
      %select_n3A_1276 = arith.select %eq3A_1267, %get3A_1271, %get3A_1275 : vector<16xf32>
      %mul3A_1277 = arith.mulf %select_n3A_1265, %select_n3A_1276 : vector<16xf32>
      %add3A_1278 = arith.addf %add3A_1254, %mul3A_1277 : vector<16xf32>
      %reshape3A_1279 = vector.shape_cast %xor3A_14 : vector<16xi32> to vector<16x1xi32>
      %gather3A_1280 = vector.shape_cast %reshape3A_1279 : vector<16x1xi32> to vector<16xi32>
      %gather3A_1281 = tpu.dynamic_gather %add3A_1278[%gather3A_1280] in [0] : vector<16xf32>, vector<16xi32> -> vector<16xf32>
      %add3A_1282 = arith.addf %add3A_1278, %gather3A_1281 : vector<16xf32>
      %reshape3A_1283 = vector.shape_cast %xor3A_17 : vector<16xi32> to vector<16x1xi32>
      %gather3A_1284 = vector.shape_cast %reshape3A_1283 : vector<16x1xi32> to vector<16xi32>
      %gather3A_1285 = tpu.dynamic_gather %add3A_1282[%gather3A_1284] in [0] : vector<16xf32>, vector<16xi32> -> vector<16xf32>
      %add3A_1286 = arith.addf %add3A_1282, %gather3A_1285 : vector<16xf32>
      %reshape3A_1287 = vector.shape_cast %xor3A_20 : vector<16xi32> to vector<16x1xi32>
      %gather3A_1288 = vector.shape_cast %reshape3A_1287 : vector<16x1xi32> to vector<16xi32>
      %gather3A_1289 = tpu.dynamic_gather %add3A_1286[%gather3A_1288] in [0] : vector<16xf32>, vector<16xi32> -> vector<16xf32>
      %add3A_1290 = arith.addf %add3A_1286, %gather3A_1289 : vector<16xf32>
      %reshape3A_1291 = vector.shape_cast %xor3A_23 : vector<16xi32> to vector<16x1xi32>
      %gather3A_1292 = vector.shape_cast %reshape3A_1291 : vector<16x1xi32> to vector<16xi32>
      %gather3A_1293 = tpu.dynamic_gather %add3A_1290[%gather3A_1292] in [0] : vector<16xf32>, vector<16xi32> -> vector<16xf32>
      %add3A_1294 = arith.addf %add3A_1290, %gather3A_1293 : vector<16xf32>
      %eq3A_1295 = arith.constant 9 : i32
      %eq3A_1296 = vector.broadcast %eq3A_1295 : i32 to vector<16xi32>
      %eq3A_1297 = arith.cmpi eq, %iota3A, %eq3A_1296 : vector<16xi32>
      %select_n3A_1298 = arith.select %eq3A_1297, %add3A_1294, %select_n3A_1172 : vector<16xi1>, vector<16xf32>
      %mul3A_1299 = arith.constant 16 : i32
      %mul3A_1300 = arith.muli %scan3A_29, %mul3A_1299 : i32
      %add3A_1301 = arith.constant 10 : i32
      %add3A_1302 = arith.addi %mul3A_1300, %add3A_1301 : i32
      %slice3A_1303 = vector.extract_strided_slice %and3A_36 {offsets = [10], sizes = [1], strides = [1]} : vector<16xi32> to vector<1xi32>
      %squeeze3A_1304 = vector.extract %slice3A_1303[0] : i32 from vector<1xi32>
      %slice3A_1305 = vector.extract_strided_slice %and3A_44 {offsets = [10], sizes = [1], strides = [1]} : vector<16xi32> to vector<1xi32>
      %squeeze3A_1306 = vector.extract %slice3A_1305[0] : i32 from vector<1xi32>
      %broadcast_in_dim3A_1307 = arith.constant 0.000000e+00 : f32
      %broadcast_in_dim3A_1308 = vector.broadcast %broadcast_in_dim3A_1307 : f32 to vector<16xf32>
      %eq3A_1309 = arith.constant 1 : i32
      %eq3A_1310 = arith.cmpi eq, %squeeze3A_1304, %eq3A_1309 : i32
      %get3A_1311 = arith.index_cast %add3A_1302 : i32 to index
      %get3A_1312 = arith.constant 64 : index
      %get3A_1313 = tpu.vector_load %arg12[%get3A_1311, %get3A_1312] {strides = array<i32>} : memref<128x128xf32, #tpu.memory_space<vmem>>, vector<1x16xf32>,
      %get3A_1314 = vector.shape_cast %get3A_1313 : vector<1x16xf32> to vector<16xf32>
      %get3A_1315 = arith.index_cast %add3A_1302 : i32 to index
      %get3A_1316 = arith.constant 0 : index
      %get3A_1317 = tpu.vector_load %arg12[%get3A_1315, %get3A_1316] {strides = array<i32>} : memref<128x128xf32, #tpu.memory_space<vmem>>, vector<1x16xf32>,
      %get3A_1318 = vector.shape_cast %get3A_1317 : vector<1x16xf32> to vector<16xf32>
      %select_n3A_1319 = arith.select %eq3A_1310, %get3A_1314, %get3A_1318 : vector<16xf32>
      %eq3A_1320 = arith.constant 1 : i32
      %eq3A_1321 = arith.cmpi eq, %squeeze3A_1306, %eq3A_1320 : i32
      %get3A_1322 = arith.index_cast %add3A_1302 : i32 to index
      %get3A_1323 = arith.constant 64 : index
      %get3A_1324 = tpu.vector_load %arg13[%get3A_1322, %get3A_1323] {strides = array<i32>} : memref<128x128xf32, #tpu.memory_space<vmem>>, vector<1x16xf32>,
      %get3A_1325 = vector.shape_cast %get3A_1324 : vector<1x16xf32> to vector<16xf32>
      %get3A_1326 = arith.index_cast %add3A_1302 : i32 to index
      %get3A_1327 = arith.constant 0 : index
      %get3A_1328 = tpu.vector_load %arg13[%get3A_1326, %get3A_1327] {strides = array<i32>} : memref<128x128xf32, #tpu.memory_space<vmem>>, vector<1x16xf32>,
      %get3A_1329 = vector.shape_cast %get3A_1328 : vector<1x16xf32> to vector<16xf32>
      %select_n3A_1330 = arith.select %eq3A_1321, %get3A_1325, %get3A_1329 : vector<16xf32>
      %mul3A_1331 = arith.mulf %select_n3A_1319, %select_n3A_1330 : vector<16xf32>
      %add3A_1332 = arith.addf %broadcast_in_dim3A_1308, %mul3A_1331 : vector<16xf32>
      %eq3A_1333 = arith.constant 1 : i32
      %eq3A_1334 = arith.cmpi eq, %squeeze3A_1304, %eq3A_1333 : i32
      %get3A_1335 = arith.index_cast %add3A_1302 : i32 to index
      %get3A_1336 = arith.constant 80 : index
      %get3A_1337 = tpu.vector_load %arg12[%get3A_1335, %get3A_1336] {strides = array<i32>} : memref<128x128xf32, #tpu.memory_space<vmem>>, vector<1x16xf32>,
      %get3A_1338 = vector.shape_cast %get3A_1337 : vector<1x16xf32> to vector<16xf32>
      %get3A_1339 = arith.index_cast %add3A_1302 : i32 to index
      %get3A_1340 = arith.constant 16 : index
      %get3A_1341 = tpu.vector_load %arg12[%get3A_1339, %get3A_1340] {strides = array<i32>} : memref<128x128xf32, #tpu.memory_space<vmem>>, vector<1x16xf32>,
      %get3A_1342 = vector.shape_cast %get3A_1341 : vector<1x16xf32> to vector<16xf32>
      %select_n3A_1343 = arith.select %eq3A_1334, %get3A_1338, %get3A_1342 : vector<16xf32>
      %eq3A_1344 = arith.constant 1 : i32
      %eq3A_1345 = arith.cmpi eq, %squeeze3A_1306, %eq3A_1344 : i32
      %get3A_1346 = arith.index_cast %add3A_1302 : i32 to index
      %get3A_1347 = arith.constant 80 : index
      %get3A_1348 = tpu.vector_load %arg13[%get3A_1346, %get3A_1347] {strides = array<i32>} : memref<128x128xf32, #tpu.memory_space<vmem>>, vector<1x16xf32>,
      %get3A_1349 = vector.shape_cast %get3A_1348 : vector<1x16xf32> to vector<16xf32>
      %get3A_1350 = arith.index_cast %add3A_1302 : i32 to index
      %get3A_1351 = arith.constant 16 : index
      %get3A_1352 = tpu.vector_load %arg13[%get3A_1350, %get3A_1351] {strides = array<i32>} : memref<128x128xf32, #tpu.memory_space<vmem>>, vector<1x16xf32>,
      %get3A_1353 = vector.shape_cast %get3A_1352 : vector<1x16xf32> to vector<16xf32>
      %select_n3A_1354 = arith.select %eq3A_1345, %get3A_1349, %get3A_1353 : vector<16xf32>
      %mul3A_1355 = arith.mulf %select_n3A_1343, %select_n3A_1354 : vector<16xf32>
      %add3A_1356 = arith.addf %add3A_1332, %mul3A_1355 : vector<16xf32>
      %eq3A_1357 = arith.constant 1 : i32
      %eq3A_1358 = arith.cmpi eq, %squeeze3A_1304, %eq3A_1357 : i32
      %get3A_1359 = arith.index_cast %add3A_1302 : i32 to index
      %get3A_1360 = arith.constant 96 : index
      %get3A_1361 = tpu.vector_load %arg12[%get3A_1359, %get3A_1360] {strides = array<i32>} : memref<128x128xf32, #tpu.memory_space<vmem>>, vector<1x16xf32>,
      %get3A_1362 = vector.shape_cast %get3A_1361 : vector<1x16xf32> to vector<16xf32>
      %get3A_1363 = arith.index_cast %add3A_1302 : i32 to index
      %get3A_1364 = arith.constant 32 : index
      %get3A_1365 = tpu.vector_load %arg12[%get3A_1363, %get3A_1364] {strides = array<i32>} : memref<128x128xf32, #tpu.memory_space<vmem>>, vector<1x16xf32>,
      %get3A_1366 = vector.shape_cast %get3A_1365 : vector<1x16xf32> to vector<16xf32>
      %select_n3A_1367 = arith.select %eq3A_1358, %get3A_1362, %get3A_1366 : vector<16xf32>
      %eq3A_1368 = arith.constant 1 : i32
      %eq3A_1369 = arith.cmpi eq, %squeeze3A_1306, %eq3A_1368 : i32
      %get3A_1370 = arith.index_cast %add3A_1302 : i32 to index
      %get3A_1371 = arith.constant 96 : index
      %get3A_1372 = tpu.vector_load %arg13[%get3A_1370, %get3A_1371] {strides = array<i32>} : memref<128x128xf32, #tpu.memory_space<vmem>>, vector<1x16xf32>,
      %get3A_1373 = vector.shape_cast %get3A_1372 : vector<1x16xf32> to vector<16xf32>
      %get3A_1374 = arith.index_cast %add3A_1302 : i32 to index
      %get3A_1375 = arith.constant 32 : index
      %get3A_1376 = tpu.vector_load %arg13[%get3A_1374, %get3A_1375] {strides = array<i32>} : memref<128x128xf32, #tpu.memory_space<vmem>>, vector<1x16xf32>,
      %get3A_1377 = vector.shape_cast %get3A_1376 : vector<1x16xf32> to vector<16xf32>
      %select_n3A_1378 = arith.select %eq3A_1369, %get3A_1373, %get3A_1377 : vector<16xf32>
      %mul3A_1379 = arith.mulf %select_n3A_1367, %select_n3A_1378 : vector<16xf32>
      %add3A_1380 = arith.addf %add3A_1356, %mul3A_1379 : vector<16xf32>
      %eq3A_1381 = arith.constant 1 : i32
      %eq3A_1382 = arith.cmpi eq, %squeeze3A_1304, %eq3A_1381 : i32
      %get3A_1383 = arith.index_cast %add3A_1302 : i32 to index
      %get3A_1384 = arith.constant 112 : index
      %get3A_1385 = tpu.vector_load %arg12[%get3A_1383, %get3A_1384] {strides = array<i32>} : memref<128x128xf32, #tpu.memory_space<vmem>>, vector<1x16xf32>,
      %get3A_1386 = vector.shape_cast %get3A_1385 : vector<1x16xf32> to vector<16xf32>
      %get3A_1387 = arith.index_cast %add3A_1302 : i32 to index
      %get3A_1388 = arith.constant 48 : index
      %get3A_1389 = tpu.vector_load %arg12[%get3A_1387, %get3A_1388] {strides = array<i32>} : memref<128x128xf32, #tpu.memory_space<vmem>>, vector<1x16xf32>,
      %get3A_1390 = vector.shape_cast %get3A_1389 : vector<1x16xf32> to vector<16xf32>
      %select_n3A_1391 = arith.select %eq3A_1382, %get3A_1386, %get3A_1390 : vector<16xf32>
      %eq3A_1392 = arith.constant 1 : i32
      %eq3A_1393 = arith.cmpi eq, %squeeze3A_1306, %eq3A_1392 : i32
      %get3A_1394 = arith.index_cast %add3A_1302 : i32 to index
      %get3A_1395 = arith.constant 112 : index
      %get3A_1396 = tpu.vector_load %arg13[%get3A_1394, %get3A_1395] {strides = array<i32>} : memref<128x128xf32, #tpu.memory_space<vmem>>, vector<1x16xf32>,
      %get3A_1397 = vector.shape_cast %get3A_1396 : vector<1x16xf32> to vector<16xf32>
      %get3A_1398 = arith.index_cast %add3A_1302 : i32 to index
      %get3A_1399 = arith.constant 48 : index
      %get3A_1400 = tpu.vector_load %arg13[%get3A_1398, %get3A_1399] {strides = array<i32>} : memref<128x128xf32, #tpu.memory_space<vmem>>, vector<1x16xf32>,
      %get3A_1401 = vector.shape_cast %get3A_1400 : vector<1x16xf32> to vector<16xf32>
      %select_n3A_1402 = arith.select %eq3A_1393, %get3A_1397, %get3A_1401 : vector<16xf32>
      %mul3A_1403 = arith.mulf %select_n3A_1391, %select_n3A_1402 : vector<16xf32>
      %add3A_1404 = arith.addf %add3A_1380, %mul3A_1403 : vector<16xf32>
      %reshape3A_1405 = vector.shape_cast %xor3A_14 : vector<16xi32> to vector<16x1xi32>
      %gather3A_1406 = vector.shape_cast %reshape3A_1405 : vector<16x1xi32> to vector<16xi32>
      %gather3A_1407 = tpu.dynamic_gather %add3A_1404[%gather3A_1406] in [0] : vector<16xf32>, vector<16xi32> -> vector<16xf32>
      %add3A_1408 = arith.addf %add3A_1404, %gather3A_1407 : vector<16xf32>
      %reshape3A_1409 = vector.shape_cast %xor3A_17 : vector<16xi32> to vector<16x1xi32>
      %gather3A_1410 = vector.shape_cast %reshape3A_1409 : vector<16x1xi32> to vector<16xi32>
      %gather3A_1411 = tpu.dynamic_gather %add3A_1408[%gather3A_1410] in [0] : vector<16xf32>, vector<16xi32> -> vector<16xf32>
      %add3A_1412 = arith.addf %add3A_1408, %gather3A_1411 : vector<16xf32>
      %reshape3A_1413 = vector.shape_cast %xor3A_20 : vector<16xi32> to vector<16x1xi32>
      %gather3A_1414 = vector.shape_cast %reshape3A_1413 : vector<16x1xi32> to vector<16xi32>
      %gather3A_1415 = tpu.dynamic_gather %add3A_1412[%gather3A_1414] in [0] : vector<16xf32>, vector<16xi32> -> vector<16xf32>
      %add3A_1416 = arith.addf %add3A_1412, %gather3A_1415 : vector<16xf32>
      %reshape3A_1417 = vector.shape_cast %xor3A_23 : vector<16xi32> to vector<16x1xi32>
      %gather3A_1418 = vector.shape_cast %reshape3A_1417 : vector<16x1xi32> to vector<16xi32>
      %gather3A_1419 = tpu.dynamic_gather %add3A_1416[%gather3A_1418] in [0] : vector<16xf32>, vector<16xi32> -> vector<16xf32>
      %add3A_1420 = arith.addf %add3A_1416, %gather3A_1419 : vector<16xf32>
      %eq3A_1421 = arith.constant 10 : i32
      %eq3A_1422 = vector.broadcast %eq3A_1421 : i32 to vector<16xi32>
      %eq3A_1423 = arith.cmpi eq, %iota3A, %eq3A_1422 : vector<16xi32>
      %select_n3A_1424 = arith.select %eq3A_1423, %add3A_1420, %select_n3A_1298 : vector<16xi1>, vector<16xf32>
      %mul3A_1425 = arith.constant 16 : i32
      %mul3A_1426 = arith.muli %scan3A_29, %mul3A_1425 : i32
      %add3A_1427 = arith.constant 11 : i32
      %add3A_1428 = arith.addi %mul3A_1426, %add3A_1427 : i32
      %slice3A_1429 = vector.extract_strided_slice %and3A_36 {offsets = [11], sizes = [1], strides = [1]} : vector<16xi32> to vector<1xi32>
      %squeeze3A_1430 = vector.extract %slice3A_1429[0] : i32 from vector<1xi32>
      %slice3A_1431 = vector.extract_strided_slice %and3A_44 {offsets = [11], sizes = [1], strides = [1]} : vector<16xi32> to vector<1xi32>
      %squeeze3A_1432 = vector.extract %slice3A_1431[0] : i32 from vector<1xi32>
      %broadcast_in_dim3A_1433 = arith.constant 0.000000e+00 : f32
      %broadcast_in_dim3A_1434 = vector.broadcast %broadcast_in_dim3A_1433 : f32 to vector<16xf32>
      %eq3A_1435 = arith.constant 1 : i32
      %eq3A_1436 = arith.cmpi eq, %squeeze3A_1430, %eq3A_1435 : i32
      %get3A_1437 = arith.index_cast %add3A_1428 : i32 to index
      %get3A_1438 = arith.constant 64 : index
      %get3A_1439 = tpu.vector_load %arg12[%get3A_1437, %get3A_1438] {strides = array<i32>} : memref<128x128xf32, #tpu.memory_space<vmem>>, vector<1x16xf32>,
      %get3A_1440 = vector.shape_cast %get3A_1439 : vector<1x16xf32> to vector<16xf32>
      %get3A_1441 = arith.index_cast %add3A_1428 : i32 to index
      %get3A_1442 = arith.constant 0 : index
      %get3A_1443 = tpu.vector_load %arg12[%get3A_1441, %get3A_1442] {strides = array<i32>} : memref<128x128xf32, #tpu.memory_space<vmem>>, vector<1x16xf32>,
      %get3A_1444 = vector.shape_cast %get3A_1443 : vector<1x16xf32> to vector<16xf32>
      %select_n3A_1445 = arith.select %eq3A_1436, %get3A_1440, %get3A_1444 : vector<16xf32>
      %eq3A_1446 = arith.constant 1 : i32
      %eq3A_1447 = arith.cmpi eq, %squeeze3A_1432, %eq3A_1446 : i32
      %get3A_1448 = arith.index_cast %add3A_1428 : i32 to index
      %get3A_1449 = arith.constant 64 : index
      %get3A_1450 = tpu.vector_load %arg13[%get3A_1448, %get3A_1449] {strides = array<i32>} : memref<128x128xf32, #tpu.memory_space<vmem>>, vector<1x16xf32>,
      %get3A_1451 = vector.shape_cast %get3A_1450 : vector<1x16xf32> to vector<16xf32>
      %get3A_1452 = arith.index_cast %add3A_1428 : i32 to index
      %get3A_1453 = arith.constant 0 : index
      %get3A_1454 = tpu.vector_load %arg13[%get3A_1452, %get3A_1453] {strides = array<i32>} : memref<128x128xf32, #tpu.memory_space<vmem>>, vector<1x16xf32>,
      %get3A_1455 = vector.shape_cast %get3A_1454 : vector<1x16xf32> to vector<16xf32>
      %select_n3A_1456 = arith.select %eq3A_1447, %get3A_1451, %get3A_1455 : vector<16xf32>
      %mul3A_1457 = arith.mulf %select_n3A_1445, %select_n3A_1456 : vector<16xf32>
      %add3A_1458 = arith.addf %broadcast_in_dim3A_1434, %mul3A_1457 : vector<16xf32>
      %eq3A_1459 = arith.constant 1 : i32
      %eq3A_1460 = arith.cmpi eq, %squeeze3A_1430, %eq3A_1459 : i32
      %get3A_1461 = arith.index_cast %add3A_1428 : i32 to index
      %get3A_1462 = arith.constant 80 : index
      %get3A_1463 = tpu.vector_load %arg12[%get3A_1461, %get3A_1462] {strides = array<i32>} : memref<128x128xf32, #tpu.memory_space<vmem>>, vector<1x16xf32>,
      %get3A_1464 = vector.shape_cast %get3A_1463 : vector<1x16xf32> to vector<16xf32>
      %get3A_1465 = arith.index_cast %add3A_1428 : i32 to index
      %get3A_1466 = arith.constant 16 : index
      %get3A_1467 = tpu.vector_load %arg12[%get3A_1465, %get3A_1466] {strides = array<i32>} : memref<128x128xf32, #tpu.memory_space<vmem>>, vector<1x16xf32>,
      %get3A_1468 = vector.shape_cast %get3A_1467 : vector<1x16xf32> to vector<16xf32>
      %select_n3A_1469 = arith.select %eq3A_1460, %get3A_1464, %get3A_1468 : vector<16xf32>
      %eq3A_1470 = arith.constant 1 : i32
      %eq3A_1471 = arith.cmpi eq, %squeeze3A_1432, %eq3A_1470 : i32
      %get3A_1472 = arith.index_cast %add3A_1428 : i32 to index
      %get3A_1473 = arith.constant 80 : index
      %get3A_1474 = tpu.vector_load %arg13[%get3A_1472, %get3A_1473] {strides = array<i32>} : memref<128x128xf32, #tpu.memory_space<vmem>>, vector<1x16xf32>,
      %get3A_1475 = vector.shape_cast %get3A_1474 : vector<1x16xf32> to vector<16xf32>
      %get3A_1476 = arith.index_cast %add3A_1428 : i32 to index
      %get3A_1477 = arith.constant 16 : index
      %get3A_1478 = tpu.vector_load %arg13[%get3A_1476, %get3A_1477] {strides = array<i32>} : memref<128x128xf32, #tpu.memory_space<vmem>>, vector<1x16xf32>,
      %get3A_1479 = vector.shape_cast %get3A_1478 : vector<1x16xf32> to vector<16xf32>
      %select_n3A_1480 = arith.select %eq3A_1471, %get3A_1475, %get3A_1479 : vector<16xf32>
      %mul3A_1481 = arith.mulf %select_n3A_1469, %select_n3A_1480 : vector<16xf32>
      %add3A_1482 = arith.addf %add3A_1458, %mul3A_1481 : vector<16xf32>
      %eq3A_1483 = arith.constant 1 : i32
      %eq3A_1484 = arith.cmpi eq, %squeeze3A_1430, %eq3A_1483 : i32
      %get3A_1485 = arith.index_cast %add3A_1428 : i32 to index
      %get3A_1486 = arith.constant 96 : index
      %get3A_1487 = tpu.vector_load %arg12[%get3A_1485, %get3A_1486] {strides = array<i32>} : memref<128x128xf32, #tpu.memory_space<vmem>>, vector<1x16xf32>,
      %get3A_1488 = vector.shape_cast %get3A_1487 : vector<1x16xf32> to vector<16xf32>
      %get3A_1489 = arith.index_cast %add3A_1428 : i32 to index
      %get3A_1490 = arith.constant 32 : index
      %get3A_1491 = tpu.vector_load %arg12[%get3A_1489, %get3A_1490] {strides = array<i32>} : memref<128x128xf32, #tpu.memory_space<vmem>>, vector<1x16xf32>,
      %get3A_1492 = vector.shape_cast %get3A_1491 : vector<1x16xf32> to vector<16xf32>
      %select_n3A_1493 = arith.select %eq3A_1484, %get3A_1488, %get3A_1492 : vector<16xf32>
      %eq3A_1494 = arith.constant 1 : i32
      %eq3A_1495 = arith.cmpi eq, %squeeze3A_1432, %eq3A_1494 : i32
      %get3A_1496 = arith.index_cast %add3A_1428 : i32 to index
      %get3A_1497 = arith.constant 96 : index
      %get3A_1498 = tpu.vector_load %arg13[%get3A_1496, %get3A_1497] {strides = array<i32>} : memref<128x128xf32, #tpu.memory_space<vmem>>, vector<1x16xf32>,
      %get3A_1499 = vector.shape_cast %get3A_1498 : vector<1x16xf32> to vector<16xf32>
      %get3A_1500 = arith.index_cast %add3A_1428 : i32 to index
      %get3A_1501 = arith.constant 32 : index
      %get3A_1502 = tpu.vector_load %arg13[%get3A_1500, %get3A_1501] {strides = array<i32>} : memref<128x128xf32, #tpu.memory_space<vmem>>, vector<1x16xf32>,
      %get3A_1503 = vector.shape_cast %get3A_1502 : vector<1x16xf32> to vector<16xf32>
      %select_n3A_1504 = arith.select %eq3A_1495, %get3A_1499, %get3A_1503 : vector<16xf32>
      %mul3A_1505 = arith.mulf %select_n3A_1493, %select_n3A_1504 : vector<16xf32>
      %add3A_1506 = arith.addf %add3A_1482, %mul3A_1505 : vector<16xf32>
      %eq3A_1507 = arith.constant 1 : i32
      %eq3A_1508 = arith.cmpi eq, %squeeze3A_1430, %eq3A_1507 : i32
      %get3A_1509 = arith.index_cast %add3A_1428 : i32 to index
      %get3A_1510 = arith.constant 112 : index
      %get3A_1511 = tpu.vector_load %arg12[%get3A_1509, %get3A_1510] {strides = array<i32>} : memref<128x128xf32, #tpu.memory_space<vmem>>, vector<1x16xf32>,
      %get3A_1512 = vector.shape_cast %get3A_1511 : vector<1x16xf32> to vector<16xf32>
      %get3A_1513 = arith.index_cast %add3A_1428 : i32 to index
      %get3A_1514 = arith.constant 48 : index
      %get3A_1515 = tpu.vector_load %arg12[%get3A_1513, %get3A_1514] {strides = array<i32>} : memref<128x128xf32, #tpu.memory_space<vmem>>, vector<1x16xf32>,
      %get3A_1516 = vector.shape_cast %get3A_1515 : vector<1x16xf32> to vector<16xf32>
      %select_n3A_1517 = arith.select %eq3A_1508, %get3A_1512, %get3A_1516 : vector<16xf32>
      %eq3A_1518 = arith.constant 1 : i32
      %eq3A_1519 = arith.cmpi eq, %squeeze3A_1432, %eq3A_1518 : i32
      %get3A_1520 = arith.index_cast %add3A_1428 : i32 to index
      %get3A_1521 = arith.constant 112 : index
      %get3A_1522 = tpu.vector_load %arg13[%get3A_1520, %get3A_1521] {strides = array<i32>} : memref<128x128xf32, #tpu.memory_space<vmem>>, vector<1x16xf32>,
      %get3A_1523 = vector.shape_cast %get3A_1522 : vector<1x16xf32> to vector<16xf32>
      %get3A_1524 = arith.index_cast %add3A_1428 : i32 to index
      %get3A_1525 = arith.constant 48 : index
      %get3A_1526 = tpu.vector_load %arg13[%get3A_1524, %get3A_1525] {strides = array<i32>} : memref<128x128xf32, #tpu.memory_space<vmem>>, vector<1x16xf32>,
      %get3A_1527 = vector.shape_cast %get3A_1526 : vector<1x16xf32> to vector<16xf32>
      %select_n3A_1528 = arith.select %eq3A_1519, %get3A_1523, %get3A_1527 : vector<16xf32>
      %mul3A_1529 = arith.mulf %select_n3A_1517, %select_n3A_1528 : vector<16xf32>
      %add3A_1530 = arith.addf %add3A_1506, %mul3A_1529 : vector<16xf32>
      %reshape3A_1531 = vector.shape_cast %xor3A_14 : vector<16xi32> to vector<16x1xi32>
      %gather3A_1532 = vector.shape_cast %reshape3A_1531 : vector<16x1xi32> to vector<16xi32>
      %gather3A_1533 = tpu.dynamic_gather %add3A_1530[%gather3A_1532] in [0] : vector<16xf32>, vector<16xi32> -> vector<16xf32>
      %add3A_1534 = arith.addf %add3A_1530, %gather3A_1533 : vector<16xf32>
      %reshape3A_1535 = vector.shape_cast %xor3A_17 : vector<16xi32> to vector<16x1xi32>
      %gather3A_1536 = vector.shape_cast %reshape3A_1535 : vector<16x1xi32> to vector<16xi32>
      %gather3A_1537 = tpu.dynamic_gather %add3A_1534[%gather3A_1536] in [0] : vector<16xf32>, vector<16xi32> -> vector<16xf32>
      %add3A_1538 = arith.addf %add3A_1534, %gather3A_1537 : vector<16xf32>
      %reshape3A_1539 = vector.shape_cast %xor3A_20 : vector<16xi32> to vector<16x1xi32>
      %gather3A_1540 = vector.shape_cast %reshape3A_1539 : vector<16x1xi32> to vector<16xi32>
      %gather3A_1541 = tpu.dynamic_gather %add3A_1538[%gather3A_1540] in [0] : vector<16xf32>, vector<16xi32> -> vector<16xf32>
      %add3A_1542 = arith.addf %add3A_1538, %gather3A_1541 : vector<16xf32>
      %reshape3A_1543 = vector.shape_cast %xor3A_23 : vector<16xi32> to vector<16x1xi32>
      %gather3A_1544 = vector.shape_cast %reshape3A_1543 : vector<16x1xi32> to vector<16xi32>
      %gather3A_1545 = tpu.dynamic_gather %add3A_1542[%gather3A_1544] in [0] : vector<16xf32>, vector<16xi32> -> vector<16xf32>
      %add3A_1546 = arith.addf %add3A_1542, %gather3A_1545 : vector<16xf32>
      %eq3A_1547 = arith.constant 11 : i32
      %eq3A_1548 = vector.broadcast %eq3A_1547 : i32 to vector<16xi32>
      %eq3A_1549 = arith.cmpi eq, %iota3A, %eq3A_1548 : vector<16xi32>
      %select_n3A_1550 = arith.select %eq3A_1549, %add3A_1546, %select_n3A_1424 : vector<16xi1>, vector<16xf32>
      %mul3A_1551 = arith.constant 16 : i32
      %mul3A_1552 = arith.muli %scan3A_29, %mul3A_1551 : i32
      %add3A_1553 = arith.constant 12 : i32
      %add3A_1554 = arith.addi %mul3A_1552, %add3A_1553 : i32
      %slice3A_1555 = vector.extract_strided_slice %and3A_36 {offsets = [12], sizes = [1], strides = [1]} : vector<16xi32> to vector<1xi32>
      %squeeze3A_1556 = vector.extract %slice3A_1555[0] : i32 from vector<1xi32>
      %slice3A_1557 = vector.extract_strided_slice %and3A_44 {offsets = [12], sizes = [1], strides = [1]} : vector<16xi32> to vector<1xi32>
      %squeeze3A_1558 = vector.extract %slice3A_1557[0] : i32 from vector<1xi32>
      %broadcast_in_dim3A_1559 = arith.constant 0.000000e+00 : f32
      %broadcast_in_dim3A_1560 = vector.broadcast %broadcast_in_dim3A_1559 : f32 to vector<16xf32>
      %eq3A_1561 = arith.constant 1 : i32
      %eq3A_1562 = arith.cmpi eq, %squeeze3A_1556, %eq3A_1561 : i32
      %get3A_1563 = arith.index_cast %add3A_1554 : i32 to index
      %get3A_1564 = arith.constant 64 : index
      %get3A_1565 = tpu.vector_load %arg12[%get3A_1563, %get3A_1564] {strides = array<i32>} : memref<128x128xf32, #tpu.memory_space<vmem>>, vector<1x16xf32>,
      %get3A_1566 = vector.shape_cast %get3A_1565 : vector<1x16xf32> to vector<16xf32>
      %get3A_1567 = arith.index_cast %add3A_1554 : i32 to index
      %get3A_1568 = arith.constant 0 : index
      %get3A_1569 = tpu.vector_load %arg12[%get3A_1567, %get3A_1568] {strides = array<i32>} : memref<128x128xf32, #tpu.memory_space<vmem>>, vector<1x16xf32>,
      %get3A_1570 = vector.shape_cast %get3A_1569 : vector<1x16xf32> to vector<16xf32>
      %select_n3A_1571 = arith.select %eq3A_1562, %get3A_1566, %get3A_1570 : vector<16xf32>
      %eq3A_1572 = arith.constant 1 : i32
      %eq3A_1573 = arith.cmpi eq, %squeeze3A_1558, %eq3A_1572 : i32
      %get3A_1574 = arith.index_cast %add3A_1554 : i32 to index
      %get3A_1575 = arith.constant 64 : index
      %get3A_1576 = tpu.vector_load %arg13[%get3A_1574, %get3A_1575] {strides = array<i32>} : memref<128x128xf32, #tpu.memory_space<vmem>>, vector<1x16xf32>,
      %get3A_1577 = vector.shape_cast %get3A_1576 : vector<1x16xf32> to vector<16xf32>
      %get3A_1578 = arith.index_cast %add3A_1554 : i32 to index
      %get3A_1579 = arith.constant 0 : index
      %get3A_1580 = tpu.vector_load %arg13[%get3A_1578, %get3A_1579] {strides = array<i32>} : memref<128x128xf32, #tpu.memory_space<vmem>>, vector<1x16xf32>,
      %get3A_1581 = vector.shape_cast %get3A_1580 : vector<1x16xf32> to vector<16xf32>
      %select_n3A_1582 = arith.select %eq3A_1573, %get3A_1577, %get3A_1581 : vector<16xf32>
      %mul3A_1583 = arith.mulf %select_n3A_1571, %select_n3A_1582 : vector<16xf32>
      %add3A_1584 = arith.addf %broadcast_in_dim3A_1560, %mul3A_1583 : vector<16xf32>
      %eq3A_1585 = arith.constant 1 : i32
      %eq3A_1586 = arith.cmpi eq, %squeeze3A_1556, %eq3A_1585 : i32
      %get3A_1587 = arith.index_cast %add3A_1554 : i32 to index
      %get3A_1588 = arith.constant 80 : index
      %get3A_1589 = tpu.vector_load %arg12[%get3A_1587, %get3A_1588] {strides = array<i32>} : memref<128x128xf32, #tpu.memory_space<vmem>>, vector<1x16xf32>,
      %get3A_1590 = vector.shape_cast %get3A_1589 : vector<1x16xf32> to vector<16xf32>
      %get3A_1591 = arith.index_cast %add3A_1554 : i32 to index
      %get3A_1592 = arith.constant 16 : index
      %get3A_1593 = tpu.vector_load %arg12[%get3A_1591, %get3A_1592] {strides = array<i32>} : memref<128x128xf32, #tpu.memory_space<vmem>>, vector<1x16xf32>,
      %get3A_1594 = vector.shape_cast %get3A_1593 : vector<1x16xf32> to vector<16xf32>
      %select_n3A_1595 = arith.select %eq3A_1586, %get3A_1590, %get3A_1594 : vector<16xf32>
      %eq3A_1596 = arith.constant 1 : i32
      %eq3A_1597 = arith.cmpi eq, %squeeze3A_1558, %eq3A_1596 : i32
      %get3A_1598 = arith.index_cast %add3A_1554 : i32 to index
      %get3A_1599 = arith.constant 80 : index
      %get3A_1600 = tpu.vector_load %arg13[%get3A_1598, %get3A_1599] {strides = array<i32>} : memref<128x128xf32, #tpu.memory_space<vmem>>, vector<1x16xf32>,
      %get3A_1601 = vector.shape_cast %get3A_1600 : vector<1x16xf32> to vector<16xf32>
      %get3A_1602 = arith.index_cast %add3A_1554 : i32 to index
      %get3A_1603 = arith.constant 16 : index
      %get3A_1604 = tpu.vector_load %arg13[%get3A_1602, %get3A_1603] {strides = array<i32>} : memref<128x128xf32, #tpu.memory_space<vmem>>, vector<1x16xf32>,
      %get3A_1605 = vector.shape_cast %get3A_1604 : vector<1x16xf32> to vector<16xf32>
      %select_n3A_1606 = arith.select %eq3A_1597, %get3A_1601, %get3A_1605 : vector<16xf32>
      %mul3A_1607 = arith.mulf %select_n3A_1595, %select_n3A_1606 : vector<16xf32>
      %add3A_1608 = arith.addf %add3A_1584, %mul3A_1607 : vector<16xf32>
      %eq3A_1609 = arith.constant 1 : i32
      %eq3A_1610 = arith.cmpi eq, %squeeze3A_1556, %eq3A_1609 : i32
      %get3A_1611 = arith.index_cast %add3A_1554 : i32 to index
      %get3A_1612 = arith.constant 96 : index
      %get3A_1613 = tpu.vector_load %arg12[%get3A_1611, %get3A_1612] {strides = array<i32>} : memref<128x128xf32, #tpu.memory_space<vmem>>, vector<1x16xf32>,
      %get3A_1614 = vector.shape_cast %get3A_1613 : vector<1x16xf32> to vector<16xf32>
      %get3A_1615 = arith.index_cast %add3A_1554 : i32 to index
      %get3A_1616 = arith.constant 32 : index
      %get3A_1617 = tpu.vector_load %arg12[%get3A_1615, %get3A_1616] {strides = array<i32>} : memref<128x128xf32, #tpu.memory_space<vmem>>, vector<1x16xf32>,
      %get3A_1618 = vector.shape_cast %get3A_1617 : vector<1x16xf32> to vector<16xf32>
      %select_n3A_1619 = arith.select %eq3A_1610, %get3A_1614, %get3A_1618 : vector<16xf32>
      %eq3A_1620 = arith.constant 1 : i32
      %eq3A_1621 = arith.cmpi eq, %squeeze3A_1558, %eq3A_1620 : i32
      %get3A_1622 = arith.index_cast %add3A_1554 : i32 to index
      %get3A_1623 = arith.constant 96 : index
      %get3A_1624 = tpu.vector_load %arg13[%get3A_1622, %get3A_1623] {strides = array<i32>} : memref<128x128xf32, #tpu.memory_space<vmem>>, vector<1x16xf32>,
      %get3A_1625 = vector.shape_cast %get3A_1624 : vector<1x16xf32> to vector<16xf32>
      %get3A_1626 = arith.index_cast %add3A_1554 : i32 to index
      %get3A_1627 = arith.constant 32 : index
      %get3A_1628 = tpu.vector_load %arg13[%get3A_1626, %get3A_1627] {strides = array<i32>} : memref<128x128xf32, #tpu.memory_space<vmem>>, vector<1x16xf32>,
      %get3A_1629 = vector.shape_cast %get3A_1628 : vector<1x16xf32> to vector<16xf32>
      %select_n3A_1630 = arith.select %eq3A_1621, %get3A_1625, %get3A_1629 : vector<16xf32>
      %mul3A_1631 = arith.mulf %select_n3A_1619, %select_n3A_1630 : vector<16xf32>
      %add3A_1632 = arith.addf %add3A_1608, %mul3A_1631 : vector<16xf32>
      %eq3A_1633 = arith.constant 1 : i32
      %eq3A_1634 = arith.cmpi eq, %squeeze3A_1556, %eq3A_1633 : i32
      %get3A_1635 = arith.index_cast %add3A_1554 : i32 to index
      %get3A_1636 = arith.constant 112 : index
      %get3A_1637 = tpu.vector_load %arg12[%get3A_1635, %get3A_1636] {strides = array<i32>} : memref<128x128xf32, #tpu.memory_space<vmem>>, vector<1x16xf32>,
      %get3A_1638 = vector.shape_cast %get3A_1637 : vector<1x16xf32> to vector<16xf32>
      %get3A_1639 = arith.index_cast %add3A_1554 : i32 to index
      %get3A_1640 = arith.constant 48 : index
      %get3A_1641 = tpu.vector_load %arg12[%get3A_1639, %get3A_1640] {strides = array<i32>} : memref<128x128xf32, #tpu.memory_space<vmem>>, vector<1x16xf32>,
      %get3A_1642 = vector.shape_cast %get3A_1641 : vector<1x16xf32> to vector<16xf32>
      %select_n3A_1643 = arith.select %eq3A_1634, %get3A_1638, %get3A_1642 : vector<16xf32>
      %eq3A_1644 = arith.constant 1 : i32
      %eq3A_1645 = arith.cmpi eq, %squeeze3A_1558, %eq3A_1644 : i32
      %get3A_1646 = arith.index_cast %add3A_1554 : i32 to index
      %get3A_1647 = arith.constant 112 : index
      %get3A_1648 = tpu.vector_load %arg13[%get3A_1646, %get3A_1647] {strides = array<i32>} : memref<128x128xf32, #tpu.memory_space<vmem>>, vector<1x16xf32>,
      %get3A_1649 = vector.shape_cast %get3A_1648 : vector<1x16xf32> to vector<16xf32>
      %get3A_1650 = arith.index_cast %add3A_1554 : i32 to index
      %get3A_1651 = arith.constant 48 : index
      %get3A_1652 = tpu.vector_load %arg13[%get3A_1650, %get3A_1651] {strides = array<i32>} : memref<128x128xf32, #tpu.memory_space<vmem>>, vector<1x16xf32>,
      %get3A_1653 = vector.shape_cast %get3A_1652 : vector<1x16xf32> to vector<16xf32>
      %select_n3A_1654 = arith.select %eq3A_1645, %get3A_1649, %get3A_1653 : vector<16xf32>
      %mul3A_1655 = arith.mulf %select_n3A_1643, %select_n3A_1654 : vector<16xf32>
      %add3A_1656 = arith.addf %add3A_1632, %mul3A_1655 : vector<16xf32>
      %reshape3A_1657 = vector.shape_cast %xor3A_14 : vector<16xi32> to vector<16x1xi32>
      %gather3A_1658 = vector.shape_cast %reshape3A_1657 : vector<16x1xi32> to vector<16xi32>
      %gather3A_1659 = tpu.dynamic_gather %add3A_1656[%gather3A_1658] in [0] : vector<16xf32>, vector<16xi32> -> vector<16xf32>
      %add3A_1660 = arith.addf %add3A_1656, %gather3A_1659 : vector<16xf32>
      %reshape3A_1661 = vector.shape_cast %xor3A_17 : vector<16xi32> to vector<16x1xi32>
      %gather3A_1662 = vector.shape_cast %reshape3A_1661 : vector<16x1xi32> to vector<16xi32>
      %gather3A_1663 = tpu.dynamic_gather %add3A_1660[%gather3A_1662] in [0] : vector<16xf32>, vector<16xi32> -> vector<16xf32>
      %add3A_1664 = arith.addf %add3A_1660, %gather3A_1663 : vector<16xf32>
      %reshape3A_1665 = vector.shape_cast %xor3A_20 : vector<16xi32> to vector<16x1xi32>
      %gather3A_1666 = vector.shape_cast %reshape3A_1665 : vector<16x1xi32> to vector<16xi32>
      %gather3A_1667 = tpu.dynamic_gather %add3A_1664[%gather3A_1666] in [0] : vector<16xf32>, vector<16xi32> -> vector<16xf32>
      %add3A_1668 = arith.addf %add3A_1664, %gather3A_1667 : vector<16xf32>
      %reshape3A_1669 = vector.shape_cast %xor3A_23 : vector<16xi32> to vector<16x1xi32>
      %gather3A_1670 = vector.shape_cast %reshape3A_1669 : vector<16x1xi32> to vector<16xi32>
      %gather3A_1671 = tpu.dynamic_gather %add3A_1668[%gather3A_1670] in [0] : vector<16xf32>, vector<16xi32> -> vector<16xf32>
      %add3A_1672 = arith.addf %add3A_1668, %gather3A_1671 : vector<16xf32>
      %eq3A_1673 = arith.constant 12 : i32
      %eq3A_1674 = vector.broadcast %eq3A_1673 : i32 to vector<16xi32>
      %eq3A_1675 = arith.cmpi eq, %iota3A, %eq3A_1674 : vector<16xi32>
      %select_n3A_1676 = arith.select %eq3A_1675, %add3A_1672, %select_n3A_1550 : vector<16xi1>, vector<16xf32>
      %mul3A_1677 = arith.constant 16 : i32
      %mul3A_1678 = arith.muli %scan3A_29, %mul3A_1677 : i32
      %add3A_1679 = arith.constant 13 : i32
      %add3A_1680 = arith.addi %mul3A_1678, %add3A_1679 : i32
      %slice3A_1681 = vector.extract_strided_slice %and3A_36 {offsets = [13], sizes = [1], strides = [1]} : vector<16xi32> to vector<1xi32>
      %squeeze3A_1682 = vector.extract %slice3A_1681[0] : i32 from vector<1xi32>
      %slice3A_1683 = vector.extract_strided_slice %and3A_44 {offsets = [13], sizes = [1], strides = [1]} : vector<16xi32> to vector<1xi32>
      %squeeze3A_1684 = vector.extract %slice3A_1683[0] : i32 from vector<1xi32>
      %broadcast_in_dim3A_1685 = arith.constant 0.000000e+00 : f32
      %broadcast_in_dim3A_1686 = vector.broadcast %broadcast_in_dim3A_1685 : f32 to vector<16xf32>
      %eq3A_1687 = arith.constant 1 : i32
      %eq3A_1688 = arith.cmpi eq, %squeeze3A_1682, %eq3A_1687 : i32
      %get3A_1689 = arith.index_cast %add3A_1680 : i32 to index
      %get3A_1690 = arith.constant 64 : index
      %get3A_1691 = tpu.vector_load %arg12[%get3A_1689, %get3A_1690] {strides = array<i32>} : memref<128x128xf32, #tpu.memory_space<vmem>>, vector<1x16xf32>,
      %get3A_1692 = vector.shape_cast %get3A_1691 : vector<1x16xf32> to vector<16xf32>
      %get3A_1693 = arith.index_cast %add3A_1680 : i32 to index
      %get3A_1694 = arith.constant 0 : index
      %get3A_1695 = tpu.vector_load %arg12[%get3A_1693, %get3A_1694] {strides = array<i32>} : memref<128x128xf32, #tpu.memory_space<vmem>>, vector<1x16xf32>,
      %get3A_1696 = vector.shape_cast %get3A_1695 : vector<1x16xf32> to vector<16xf32>
      %select_n3A_1697 = arith.select %eq3A_1688, %get3A_1692, %get3A_1696 : vector<16xf32>
      %eq3A_1698 = arith.constant 1 : i32
      %eq3A_1699 = arith.cmpi eq, %squeeze3A_1684, %eq3A_1698 : i32
      %get3A_1700 = arith.index_cast %add3A_1680 : i32 to index
      %get3A_1701 = arith.constant 64 : index
      %get3A_1702 = tpu.vector_load %arg13[%get3A_1700, %get3A_1701] {strides = array<i32>} : memref<128x128xf32, #tpu.memory_space<vmem>>, vector<1x16xf32>,
      %get3A_1703 = vector.shape_cast %get3A_1702 : vector<1x16xf32> to vector<16xf32>
      %get3A_1704 = arith.index_cast %add3A_1680 : i32 to index
      %get3A_1705 = arith.constant 0 : index
      %get3A_1706 = tpu.vector_load %arg13[%get3A_1704, %get3A_1705] {strides = array<i32>} : memref<128x128xf32, #tpu.memory_space<vmem>>, vector<1x16xf32>,
      %get3A_1707 = vector.shape_cast %get3A_1706 : vector<1x16xf32> to vector<16xf32>
      %select_n3A_1708 = arith.select %eq3A_1699, %get3A_1703, %get3A_1707 : vector<16xf32>
      %mul3A_1709 = arith.mulf %select_n3A_1697, %select_n3A_1708 : vector<16xf32>
      %add3A_1710 = arith.addf %broadcast_in_dim3A_1686, %mul3A_1709 : vector<16xf32>
      %eq3A_1711 = arith.constant 1 : i32
      %eq3A_1712 = arith.cmpi eq, %squeeze3A_1682, %eq3A_1711 : i32
      %get3A_1713 = arith.index_cast %add3A_1680 : i32 to index
      %get3A_1714 = arith.constant 80 : index
      %get3A_1715 = tpu.vector_load %arg12[%get3A_1713, %get3A_1714] {strides = array<i32>} : memref<128x128xf32, #tpu.memory_space<vmem>>, vector<1x16xf32>,
      %get3A_1716 = vector.shape_cast %get3A_1715 : vector<1x16xf32> to vector<16xf32>
      %get3A_1717 = arith.index_cast %add3A_1680 : i32 to index
      %get3A_1718 = arith.constant 16 : index
      %get3A_1719 = tpu.vector_load %arg12[%get3A_1717, %get3A_1718] {strides = array<i32>} : memref<128x128xf32, #tpu.memory_space<vmem>>, vector<1x16xf32>,
      %get3A_1720 = vector.shape_cast %get3A_1719 : vector<1x16xf32> to vector<16xf32>
      %select_n3A_1721 = arith.select %eq3A_1712, %get3A_1716, %get3A_1720 : vector<16xf32>
      %eq3A_1722 = arith.constant 1 : i32
      %eq3A_1723 = arith.cmpi eq, %squeeze3A_1684, %eq3A_1722 : i32
      %get3A_1724 = arith.index_cast %add3A_1680 : i32 to index
      %get3A_1725 = arith.constant 80 : index
      %get3A_1726 = tpu.vector_load %arg13[%get3A_1724, %get3A_1725] {strides = array<i32>} : memref<128x128xf32, #tpu.memory_space<vmem>>, vector<1x16xf32>,
      %get3A_1727 = vector.shape_cast %get3A_1726 : vector<1x16xf32> to vector<16xf32>
      %get3A_1728 = arith.index_cast %add3A_1680 : i32 to index
      %get3A_1729 = arith.constant 16 : index
      %get3A_1730 = tpu.vector_load %arg13[%get3A_1728, %get3A_1729] {strides = array<i32>} : memref<128x128xf32, #tpu.memory_space<vmem>>, vector<1x16xf32>,
      %get3A_1731 = vector.shape_cast %get3A_1730 : vector<1x16xf32> to vector<16xf32>
      %select_n3A_1732 = arith.select %eq3A_1723, %get3A_1727, %get3A_1731 : vector<16xf32>
      %mul3A_1733 = arith.mulf %select_n3A_1721, %select_n3A_1732 : vector<16xf32>
      %add3A_1734 = arith.addf %add3A_1710, %mul3A_1733 : vector<16xf32>
      %eq3A_1735 = arith.constant 1 : i32
      %eq3A_1736 = arith.cmpi eq, %squeeze3A_1682, %eq3A_1735 : i32
      %get3A_1737 = arith.index_cast %add3A_1680 : i32 to index
      %get3A_1738 = arith.constant 96 : index
      %get3A_1739 = tpu.vector_load %arg12[%get3A_1737, %get3A_1738] {strides = array<i32>} : memref<128x128xf32, #tpu.memory_space<vmem>>, vector<1x16xf32>,
      %get3A_1740 = vector.shape_cast %get3A_1739 : vector<1x16xf32> to vector<16xf32>
      %get3A_1741 = arith.index_cast %add3A_1680 : i32 to index
      %get3A_1742 = arith.constant 32 : index
      %get3A_1743 = tpu.vector_load %arg12[%get3A_1741, %get3A_1742] {strides = array<i32>} : memref<128x128xf32, #tpu.memory_space<vmem>>, vector<1x16xf32>,
      %get3A_1744 = vector.shape_cast %get3A_1743 : vector<1x16xf32> to vector<16xf32>
      %select_n3A_1745 = arith.select %eq3A_1736, %get3A_1740, %get3A_1744 : vector<16xf32>
      %eq3A_1746 = arith.constant 1 : i32
      %eq3A_1747 = arith.cmpi eq, %squeeze3A_1684, %eq3A_1746 : i32
      %get3A_1748 = arith.index_cast %add3A_1680 : i32 to index
      %get3A_1749 = arith.constant 96 : index
      %get3A_1750 = tpu.vector_load %arg13[%get3A_1748, %get3A_1749] {strides = array<i32>} : memref<128x128xf32, #tpu.memory_space<vmem>>, vector<1x16xf32>,
      %get3A_1751 = vector.shape_cast %get3A_1750 : vector<1x16xf32> to vector<16xf32>
      %get3A_1752 = arith.index_cast %add3A_1680 : i32 to index
      %get3A_1753 = arith.constant 32 : index
      %get3A_1754 = tpu.vector_load %arg13[%get3A_1752, %get3A_1753] {strides = array<i32>} : memref<128x128xf32, #tpu.memory_space<vmem>>, vector<1x16xf32>,
      %get3A_1755 = vector.shape_cast %get3A_1754 : vector<1x16xf32> to vector<16xf32>
      %select_n3A_1756 = arith.select %eq3A_1747, %get3A_1751, %get3A_1755 : vector<16xf32>
      %mul3A_1757 = arith.mulf %select_n3A_1745, %select_n3A_1756 : vector<16xf32>
      %add3A_1758 = arith.addf %add3A_1734, %mul3A_1757 : vector<16xf32>
      %eq3A_1759 = arith.constant 1 : i32
      %eq3A_1760 = arith.cmpi eq, %squeeze3A_1682, %eq3A_1759 : i32
      %get3A_1761 = arith.index_cast %add3A_1680 : i32 to index
      %get3A_1762 = arith.constant 112 : index
      %get3A_1763 = tpu.vector_load %arg12[%get3A_1761, %get3A_1762] {strides = array<i32>} : memref<128x128xf32, #tpu.memory_space<vmem>>, vector<1x16xf32>,
      %get3A_1764 = vector.shape_cast %get3A_1763 : vector<1x16xf32> to vector<16xf32>
      %get3A_1765 = arith.index_cast %add3A_1680 : i32 to index
      %get3A_1766 = arith.constant 48 : index
      %get3A_1767 = tpu.vector_load %arg12[%get3A_1765, %get3A_1766] {strides = array<i32>} : memref<128x128xf32, #tpu.memory_space<vmem>>, vector<1x16xf32>,
      %get3A_1768 = vector.shape_cast %get3A_1767 : vector<1x16xf32> to vector<16xf32>
      %select_n3A_1769 = arith.select %eq3A_1760, %get3A_1764, %get3A_1768 : vector<16xf32>
      %eq3A_1770 = arith.constant 1 : i32
      %eq3A_1771 = arith.cmpi eq, %squeeze3A_1684, %eq3A_1770 : i32
      %get3A_1772 = arith.index_cast %add3A_1680 : i32 to index
      %get3A_1773 = arith.constant 112 : index
      %get3A_1774 = tpu.vector_load %arg13[%get3A_1772, %get3A_1773] {strides = array<i32>} : memref<128x128xf32, #tpu.memory_space<vmem>>, vector<1x16xf32>,
      %get3A_1775 = vector.shape_cast %get3A_1774 : vector<1x16xf32> to vector<16xf32>
      %get3A_1776 = arith.index_cast %add3A_1680 : i32 to index
      %get3A_1777 = arith.constant 48 : index
      %get3A_1778 = tpu.vector_load %arg13[%get3A_1776, %get3A_1777] {strides = array<i32>} : memref<128x128xf32, #tpu.memory_space<vmem>>, vector<1x16xf32>,
      %get3A_1779 = vector.shape_cast %get3A_1778 : vector<1x16xf32> to vector<16xf32>
      %select_n3A_1780 = arith.select %eq3A_1771, %get3A_1775, %get3A_1779 : vector<16xf32>
      %mul3A_1781 = arith.mulf %select_n3A_1769, %select_n3A_1780 : vector<16xf32>
      %add3A_1782 = arith.addf %add3A_1758, %mul3A_1781 : vector<16xf32>
      %reshape3A_1783 = vector.shape_cast %xor3A_14 : vector<16xi32> to vector<16x1xi32>
      %gather3A_1784 = vector.shape_cast %reshape3A_1783 : vector<16x1xi32> to vector<16xi32>
      %gather3A_1785 = tpu.dynamic_gather %add3A_1782[%gather3A_1784] in [0] : vector<16xf32>, vector<16xi32> -> vector<16xf32>
      %add3A_1786 = arith.addf %add3A_1782, %gather3A_1785 : vector<16xf32>
      %reshape3A_1787 = vector.shape_cast %xor3A_17 : vector<16xi32> to vector<16x1xi32>
      %gather3A_1788 = vector.shape_cast %reshape3A_1787 : vector<16x1xi32> to vector<16xi32>
      %gather3A_1789 = tpu.dynamic_gather %add3A_1786[%gather3A_1788] in [0] : vector<16xf32>, vector<16xi32> -> vector<16xf32>
      %add3A_1790 = arith.addf %add3A_1786, %gather3A_1789 : vector<16xf32>
      %reshape3A_1791 = vector.shape_cast %xor3A_20 : vector<16xi32> to vector<16x1xi32>
      %gather3A_1792 = vector.shape_cast %reshape3A_1791 : vector<16x1xi32> to vector<16xi32>
      %gather3A_1793 = tpu.dynamic_gather %add3A_1790[%gather3A_1792] in [0] : vector<16xf32>, vector<16xi32> -> vector<16xf32>
      %add3A_1794 = arith.addf %add3A_1790, %gather3A_1793 : vector<16xf32>
      %reshape3A_1795 = vector.shape_cast %xor3A_23 : vector<16xi32> to vector<16x1xi32>
      %gather3A_1796 = vector.shape_cast %reshape3A_1795 : vector<16x1xi32> to vector<16xi32>
      %gather3A_1797 = tpu.dynamic_gather %add3A_1794[%gather3A_1796] in [0] : vector<16xf32>, vector<16xi32> -> vector<16xf32>
      %add3A_1798 = arith.addf %add3A_1794, %gather3A_1797 : vector<16xf32>
      %eq3A_1799 = arith.constant 13 : i32
      %eq3A_1800 = vector.broadcast %eq3A_1799 : i32 to vector<16xi32>
      %eq3A_1801 = arith.cmpi eq, %iota3A, %eq3A_1800 : vector<16xi32>
      %select_n3A_1802 = arith.select %eq3A_1801, %add3A_1798, %select_n3A_1676 : vector<16xi1>, vector<16xf32>
      %mul3A_1803 = arith.constant 16 : i32
      %mul3A_1804 = arith.muli %scan3A_29, %mul3A_1803 : i32
      %add3A_1805 = arith.constant 14 : i32
      %add3A_1806 = arith.addi %mul3A_1804, %add3A_1805 : i32
      %slice3A_1807 = vector.extract_strided_slice %and3A_36 {offsets = [14], sizes = [1], strides = [1]} : vector<16xi32> to vector<1xi32>
      %squeeze3A_1808 = vector.extract %slice3A_1807[0] : i32 from vector<1xi32>
      %slice3A_1809 = vector.extract_strided_slice %and3A_44 {offsets = [14], sizes = [1], strides = [1]} : vector<16xi32> to vector<1xi32>
      %squeeze3A_1810 = vector.extract %slice3A_1809[0] : i32 from vector<1xi32>
      %broadcast_in_dim3A_1811 = arith.constant 0.000000e+00 : f32
      %broadcast_in_dim3A_1812 = vector.broadcast %broadcast_in_dim3A_1811 : f32 to vector<16xf32>
      %eq3A_1813 = arith.constant 1 : i32
      %eq3A_1814 = arith.cmpi eq, %squeeze3A_1808, %eq3A_1813 : i32
      %get3A_1815 = arith.index_cast %add3A_1806 : i32 to index
      %get3A_1816 = arith.constant 64 : index
      %get3A_1817 = tpu.vector_load %arg12[%get3A_1815, %get3A_1816] {strides = array<i32>} : memref<128x128xf32, #tpu.memory_space<vmem>>, vector<1x16xf32>,
      %get3A_1818 = vector.shape_cast %get3A_1817 : vector<1x16xf32> to vector<16xf32>
      %get3A_1819 = arith.index_cast %add3A_1806 : i32 to index
      %get3A_1820 = arith.constant 0 : index
      %get3A_1821 = tpu.vector_load %arg12[%get3A_1819, %get3A_1820] {strides = array<i32>} : memref<128x128xf32, #tpu.memory_space<vmem>>, vector<1x16xf32>,
      %get3A_1822 = vector.shape_cast %get3A_1821 : vector<1x16xf32> to vector<16xf32>
      %select_n3A_1823 = arith.select %eq3A_1814, %get3A_1818, %get3A_1822 : vector<16xf32>
      %eq3A_1824 = arith.constant 1 : i32
      %eq3A_1825 = arith.cmpi eq, %squeeze3A_1810, %eq3A_1824 : i32
      %get3A_1826 = arith.index_cast %add3A_1806 : i32 to index
      %get3A_1827 = arith.constant 64 : index
      %get3A_1828 = tpu.vector_load %arg13[%get3A_1826, %get3A_1827] {strides = array<i32>} : memref<128x128xf32, #tpu.memory_space<vmem>>, vector<1x16xf32>,
      %get3A_1829 = vector.shape_cast %get3A_1828 : vector<1x16xf32> to vector<16xf32>
      %get3A_1830 = arith.index_cast %add3A_1806 : i32 to index
      %get3A_1831 = arith.constant 0 : index
      %get3A_1832 = tpu.vector_load %arg13[%get3A_1830, %get3A_1831] {strides = array<i32>} : memref<128x128xf32, #tpu.memory_space<vmem>>, vector<1x16xf32>,
      %get3A_1833 = vector.shape_cast %get3A_1832 : vector<1x16xf32> to vector<16xf32>
      %select_n3A_1834 = arith.select %eq3A_1825, %get3A_1829, %get3A_1833 : vector<16xf32>
      %mul3A_1835 = arith.mulf %select_n3A_1823, %select_n3A_1834 : vector<16xf32>
      %add3A_1836 = arith.addf %broadcast_in_dim3A_1812, %mul3A_1835 : vector<16xf32>
      %eq3A_1837 = arith.constant 1 : i32
      %eq3A_1838 = arith.cmpi eq, %squeeze3A_1808, %eq3A_1837 : i32
      %get3A_1839 = arith.index_cast %add3A_1806 : i32 to index
      %get3A_1840 = arith.constant 80 : index
      %get3A_1841 = tpu.vector_load %arg12[%get3A_1839, %get3A_1840] {strides = array<i32>} : memref<128x128xf32, #tpu.memory_space<vmem>>, vector<1x16xf32>,
      %get3A_1842 = vector.shape_cast %get3A_1841 : vector<1x16xf32> to vector<16xf32>
      %get3A_1843 = arith.index_cast %add3A_1806 : i32 to index
      %get3A_1844 = arith.constant 16 : index
      %get3A_1845 = tpu.vector_load %arg12[%get3A_1843, %get3A_1844] {strides = array<i32>} : memref<128x128xf32, #tpu.memory_space<vmem>>, vector<1x16xf32>,
      %get3A_1846 = vector.shape_cast %get3A_1845 : vector<1x16xf32> to vector<16xf32>
      %select_n3A_1847 = arith.select %eq3A_1838, %get3A_1842, %get3A_1846 : vector<16xf32>
      %eq3A_1848 = arith.constant 1 : i32
      %eq3A_1849 = arith.cmpi eq, %squeeze3A_1810, %eq3A_1848 : i32
      %get3A_1850 = arith.index_cast %add3A_1806 : i32 to index
      %get3A_1851 = arith.constant 80 : index
      %get3A_1852 = tpu.vector_load %arg13[%get3A_1850, %get3A_1851] {strides = array<i32>} : memref<128x128xf32, #tpu.memory_space<vmem>>, vector<1x16xf32>,
      %get3A_1853 = vector.shape_cast %get3A_1852 : vector<1x16xf32> to vector<16xf32>
      %get3A_1854 = arith.index_cast %add3A_1806 : i32 to index
      %get3A_1855 = arith.constant 16 : index
      %get3A_1856 = tpu.vector_load %arg13[%get3A_1854, %get3A_1855] {strides = array<i32>} : memref<128x128xf32, #tpu.memory_space<vmem>>, vector<1x16xf32>,
      %get3A_1857 = vector.shape_cast %get3A_1856 : vector<1x16xf32> to vector<16xf32>
      %select_n3A_1858 = arith.select %eq3A_1849, %get3A_1853, %get3A_1857 : vector<16xf32>
      %mul3A_1859 = arith.mulf %select_n3A_1847, %select_n3A_1858 : vector<16xf32>
      %add3A_1860 = arith.addf %add3A_1836, %mul3A_1859 : vector<16xf32>
      %eq3A_1861 = arith.constant 1 : i32
      %eq3A_1862 = arith.cmpi eq, %squeeze3A_1808, %eq3A_1861 : i32
      %get3A_1863 = arith.index_cast %add3A_1806 : i32 to index
      %get3A_1864 = arith.constant 96 : index
      %get3A_1865 = tpu.vector_load %arg12[%get3A_1863, %get3A_1864] {strides = array<i32>} : memref<128x128xf32, #tpu.memory_space<vmem>>, vector<1x16xf32>,
      %get3A_1866 = vector.shape_cast %get3A_1865 : vector<1x16xf32> to vector<16xf32>
      %get3A_1867 = arith.index_cast %add3A_1806 : i32 to index
      %get3A_1868 = arith.constant 32 : index
      %get3A_1869 = tpu.vector_load %arg12[%get3A_1867, %get3A_1868] {strides = array<i32>} : memref<128x128xf32, #tpu.memory_space<vmem>>, vector<1x16xf32>,
      %get3A_1870 = vector.shape_cast %get3A_1869 : vector<1x16xf32> to vector<16xf32>
      %select_n3A_1871 = arith.select %eq3A_1862, %get3A_1866, %get3A_1870 : vector<16xf32>
      %eq3A_1872 = arith.constant 1 : i32
      %eq3A_1873 = arith.cmpi eq, %squeeze3A_1810, %eq3A_1872 : i32
      %get3A_1874 = arith.index_cast %add3A_1806 : i32 to index
      %get3A_1875 = arith.constant 96 : index
      %get3A_1876 = tpu.vector_load %arg13[%get3A_1874, %get3A_1875] {strides = array<i32>} : memref<128x128xf32, #tpu.memory_space<vmem>>, vector<1x16xf32>,
      %get3A_1877 = vector.shape_cast %get3A_1876 : vector<1x16xf32> to vector<16xf32>
      %get3A_1878 = arith.index_cast %add3A_1806 : i32 to index
      %get3A_1879 = arith.constant 32 : index
      %get3A_1880 = tpu.vector_load %arg13[%get3A_1878, %get3A_1879] {strides = array<i32>} : memref<128x128xf32, #tpu.memory_space<vmem>>, vector<1x16xf32>,
      %get3A_1881 = vector.shape_cast %get3A_1880 : vector<1x16xf32> to vector<16xf32>
      %select_n3A_1882 = arith.select %eq3A_1873, %get3A_1877, %get3A_1881 : vector<16xf32>
      %mul3A_1883 = arith.mulf %select_n3A_1871, %select_n3A_1882 : vector<16xf32>
      %add3A_1884 = arith.addf %add3A_1860, %mul3A_1883 : vector<16xf32>
      %eq3A_1885 = arith.constant 1 : i32
      %eq3A_1886 = arith.cmpi eq, %squeeze3A_1808, %eq3A_1885 : i32
      %get3A_1887 = arith.index_cast %add3A_1806 : i32 to index
      %get3A_1888 = arith.constant 112 : index
      %get3A_1889 = tpu.vector_load %arg12[%get3A_1887, %get3A_1888] {strides = array<i32>} : memref<128x128xf32, #tpu.memory_space<vmem>>, vector<1x16xf32>,
      %get3A_1890 = vector.shape_cast %get3A_1889 : vector<1x16xf32> to vector<16xf32>
      %get3A_1891 = arith.index_cast %add3A_1806 : i32 to index
      %get3A_1892 = arith.constant 48 : index
      %get3A_1893 = tpu.vector_load %arg12[%get3A_1891, %get3A_1892] {strides = array<i32>} : memref<128x128xf32, #tpu.memory_space<vmem>>, vector<1x16xf32>,
      %get3A_1894 = vector.shape_cast %get3A_1893 : vector<1x16xf32> to vector<16xf32>
      %select_n3A_1895 = arith.select %eq3A_1886, %get3A_1890, %get3A_1894 : vector<16xf32>
      %eq3A_1896 = arith.constant 1 : i32
      %eq3A_1897 = arith.cmpi eq, %squeeze3A_1810, %eq3A_1896 : i32
      %get3A_1898 = arith.index_cast %add3A_1806 : i32 to index
      %get3A_1899 = arith.constant 112 : index
      %get3A_1900 = tpu.vector_load %arg13[%get3A_1898, %get3A_1899] {strides = array<i32>} : memref<128x128xf32, #tpu.memory_space<vmem>>, vector<1x16xf32>,
      %get3A_1901 = vector.shape_cast %get3A_1900 : vector<1x16xf32> to vector<16xf32>
      %get3A_1902 = arith.index_cast %add3A_1806 : i32 to index
      %get3A_1903 = arith.constant 48 : index
      %get3A_1904 = tpu.vector_load %arg13[%get3A_1902, %get3A_1903] {strides = array<i32>} : memref<128x128xf32, #tpu.memory_space<vmem>>, vector<1x16xf32>,
      %get3A_1905 = vector.shape_cast %get3A_1904 : vector<1x16xf32> to vector<16xf32>
      %select_n3A_1906 = arith.select %eq3A_1897, %get3A_1901, %get3A_1905 : vector<16xf32>
      %mul3A_1907 = arith.mulf %select_n3A_1895, %select_n3A_1906 : vector<16xf32>
      %add3A_1908 = arith.addf %add3A_1884, %mul3A_1907 : vector<16xf32>
      %reshape3A_1909 = vector.shape_cast %xor3A_14 : vector<16xi32> to vector<16x1xi32>
      %gather3A_1910 = vector.shape_cast %reshape3A_1909 : vector<16x1xi32> to vector<16xi32>
      %gather3A_1911 = tpu.dynamic_gather %add3A_1908[%gather3A_1910] in [0] : vector<16xf32>, vector<16xi32> -> vector<16xf32>
      %add3A_1912 = arith.addf %add3A_1908, %gather3A_1911 : vector<16xf32>
      %reshape3A_1913 = vector.shape_cast %xor3A_17 : vector<16xi32> to vector<16x1xi32>
      %gather3A_1914 = vector.shape_cast %reshape3A_1913 : vector<16x1xi32> to vector<16xi32>
      %gather3A_1915 = tpu.dynamic_gather %add3A_1912[%gather3A_1914] in [0] : vector<16xf32>, vector<16xi32> -> vector<16xf32>
      %add3A_1916 = arith.addf %add3A_1912, %gather3A_1915 : vector<16xf32>
      %reshape3A_1917 = vector.shape_cast %xor3A_20 : vector<16xi32> to vector<16x1xi32>
      %gather3A_1918 = vector.shape_cast %reshape3A_1917 : vector<16x1xi32> to vector<16xi32>
      %gather3A_1919 = tpu.dynamic_gather %add3A_1916[%gather3A_1918] in [0] : vector<16xf32>, vector<16xi32> -> vector<16xf32>
      %add3A_1920 = arith.addf %add3A_1916, %gather3A_1919 : vector<16xf32>
      %reshape3A_1921 = vector.shape_cast %xor3A_23 : vector<16xi32> to vector<16x1xi32>
      %gather3A_1922 = vector.shape_cast %reshape3A_1921 : vector<16x1xi32> to vector<16xi32>
      %gather3A_1923 = tpu.dynamic_gather %add3A_1920[%gather3A_1922] in [0] : vector<16xf32>, vector<16xi32> -> vector<16xf32>
      %add3A_1924 = arith.addf %add3A_1920, %gather3A_1923 : vector<16xf32>
      %eq3A_1925 = arith.constant 14 : i32
      %eq3A_1926 = vector.broadcast %eq3A_1925 : i32 to vector<16xi32>
      %eq3A_1927 = arith.cmpi eq, %iota3A, %eq3A_1926 : vector<16xi32>
      %select_n3A_1928 = arith.select %eq3A_1927, %add3A_1924, %select_n3A_1802 : vector<16xi1>, vector<16xf32>
      %mul3A_1929 = arith.constant 16 : i32
      %mul3A_1930 = arith.muli %scan3A_29, %mul3A_1929 : i32
      %add3A_1931 = arith.constant 15 : i32
      %add3A_1932 = arith.addi %mul3A_1930, %add3A_1931 : i32
      %slice3A_1933 = vector.extract_strided_slice %and3A_36 {offsets = [15], sizes = [1], strides = [1]} : vector<16xi32> to vector<1xi32>
      %squeeze3A_1934 = vector.extract %slice3A_1933[0] : i32 from vector<1xi32>
      %slice3A_1935 = vector.extract_strided_slice %and3A_44 {offsets = [15], sizes = [1], strides = [1]} : vector<16xi32> to vector<1xi32>
      %squeeze3A_1936 = vector.extract %slice3A_1935[0] : i32 from vector<1xi32>
      %broadcast_in_dim3A_1937 = arith.constant 0.000000e+00 : f32
      %broadcast_in_dim3A_1938 = vector.broadcast %broadcast_in_dim3A_1937 : f32 to vector<16xf32>
      %eq3A_1939 = arith.constant 1 : i32
      %eq3A_1940 = arith.cmpi eq, %squeeze3A_1934, %eq3A_1939 : i32
      %get3A_1941 = arith.index_cast %add3A_1932 : i32 to index
      %get3A_1942 = arith.constant 64 : index
      %get3A_1943 = tpu.vector_load %arg12[%get3A_1941, %get3A_1942] {strides = array<i32>} : memref<128x128xf32, #tpu.memory_space<vmem>>, vector<1x16xf32>,
      %get3A_1944 = vector.shape_cast %get3A_1943 : vector<1x16xf32> to vector<16xf32>
      %get3A_1945 = arith.index_cast %add3A_1932 : i32 to index
      %get3A_1946 = arith.constant 0 : index
      %get3A_1947 = tpu.vector_load %arg12[%get3A_1945, %get3A_1946] {strides = array<i32>} : memref<128x128xf32, #tpu.memory_space<vmem>>, vector<1x16xf32>,
      %get3A_1948 = vector.shape_cast %get3A_1947 : vector<1x16xf32> to vector<16xf32>
      %select_n3A_1949 = arith.select %eq3A_1940, %get3A_1944, %get3A_1948 : vector<16xf32>
      %eq3A_1950 = arith.constant 1 : i32
      %eq3A_1951 = arith.cmpi eq, %squeeze3A_1936, %eq3A_1950 : i32
      %get3A_1952 = arith.index_cast %add3A_1932 : i32 to index
      %get3A_1953 = arith.constant 64 : index
      %get3A_1954 = tpu.vector_load %arg13[%get3A_1952, %get3A_1953] {strides = array<i32>} : memref<128x128xf32, #tpu.memory_space<vmem>>, vector<1x16xf32>,
      %get3A_1955 = vector.shape_cast %get3A_1954 : vector<1x16xf32> to vector<16xf32>
      %get3A_1956 = arith.index_cast %add3A_1932 : i32 to index
      %get3A_1957 = arith.constant 0 : index
      %get3A_1958 = tpu.vector_load %arg13[%get3A_1956, %get3A_1957] {strides = array<i32>} : memref<128x128xf32, #tpu.memory_space<vmem>>, vector<1x16xf32>,
      %get3A_1959 = vector.shape_cast %get3A_1958 : vector<1x16xf32> to vector<16xf32>
      %select_n3A_1960 = arith.select %eq3A_1951, %get3A_1955, %get3A_1959 : vector<16xf32>
      %mul3A_1961 = arith.mulf %select_n3A_1949, %select_n3A_1960 : vector<16xf32>
      %add3A_1962 = arith.addf %broadcast_in_dim3A_1938, %mul3A_1961 : vector<16xf32>
      %eq3A_1963 = arith.constant 1 : i32
      %eq3A_1964 = arith.cmpi eq, %squeeze3A_1934, %eq3A_1963 : i32
      %get3A_1965 = arith.index_cast %add3A_1932 : i32 to index
      %get3A_1966 = arith.constant 80 : index
      %get3A_1967 = tpu.vector_load %arg12[%get3A_1965, %get3A_1966] {strides = array<i32>} : memref<128x128xf32, #tpu.memory_space<vmem>>, vector<1x16xf32>,
      %get3A_1968 = vector.shape_cast %get3A_1967 : vector<1x16xf32> to vector<16xf32>
      %get3A_1969 = arith.index_cast %add3A_1932 : i32 to index
      %get3A_1970 = arith.constant 16 : index
      %get3A_1971 = tpu.vector_load %arg12[%get3A_1969, %get3A_1970] {strides = array<i32>} : memref<128x128xf32, #tpu.memory_space<vmem>>, vector<1x16xf32>,
      %get3A_1972 = vector.shape_cast %get3A_1971 : vector<1x16xf32> to vector<16xf32>
      %select_n3A_1973 = arith.select %eq3A_1964, %get3A_1968, %get3A_1972 : vector<16xf32>
      %eq3A_1974 = arith.constant 1 : i32
      %eq3A_1975 = arith.cmpi eq, %squeeze3A_1936, %eq3A_1974 : i32
      %get3A_1976 = arith.index_cast %add3A_1932 : i32 to index
      %get3A_1977 = arith.constant 80 : index
      %get3A_1978 = tpu.vector_load %arg13[%get3A_1976, %get3A_1977] {strides = array<i32>} : memref<128x128xf32, #tpu.memory_space<vmem>>, vector<1x16xf32>,
      %get3A_1979 = vector.shape_cast %get3A_1978 : vector<1x16xf32> to vector<16xf32>
      %get3A_1980 = arith.index_cast %add3A_1932 : i32 to index
      %get3A_1981 = arith.constant 16 : index
      %get3A_1982 = tpu.vector_load %arg13[%get3A_1980, %get3A_1981] {strides = array<i32>} : memref<128x128xf32, #tpu.memory_space<vmem>>, vector<1x16xf32>,
      %get3A_1983 = vector.shape_cast %get3A_1982 : vector<1x16xf32> to vector<16xf32>
      %select_n3A_1984 = arith.select %eq3A_1975, %get3A_1979, %get3A_1983 : vector<16xf32>
      %mul3A_1985 = arith.mulf %select_n3A_1973, %select_n3A_1984 : vector<16xf32>
      %add3A_1986 = arith.addf %add3A_1962, %mul3A_1985 : vector<16xf32>
      %eq3A_1987 = arith.constant 1 : i32
      %eq3A_1988 = arith.cmpi eq, %squeeze3A_1934, %eq3A_1987 : i32
      %get3A_1989 = arith.index_cast %add3A_1932 : i32 to index
      %get3A_1990 = arith.constant 96 : index
      %get3A_1991 = tpu.vector_load %arg12[%get3A_1989, %get3A_1990] {strides = array<i32>} : memref<128x128xf32, #tpu.memory_space<vmem>>, vector<1x16xf32>,
      %get3A_1992 = vector.shape_cast %get3A_1991 : vector<1x16xf32> to vector<16xf32>
      %get3A_1993 = arith.index_cast %add3A_1932 : i32 to index
      %get3A_1994 = arith.constant 32 : index
      %get3A_1995 = tpu.vector_load %arg12[%get3A_1993, %get3A_1994] {strides = array<i32>} : memref<128x128xf32, #tpu.memory_space<vmem>>, vector<1x16xf32>,
      %get3A_1996 = vector.shape_cast %get3A_1995 : vector<1x16xf32> to vector<16xf32>
      %select_n3A_1997 = arith.select %eq3A_1988, %get3A_1992, %get3A_1996 : vector<16xf32>
      %eq3A_1998 = arith.constant 1 : i32
      %eq3A_1999 = arith.cmpi eq, %squeeze3A_1936, %eq3A_1998 : i32
      %get3A_2000 = arith.index_cast %add3A_1932 : i32 to index
      %get3A_2001 = arith.constant 96 : index
      %get3A_2002 = tpu.vector_load %arg13[%get3A_2000, %get3A_2001] {strides = array<i32>} : memref<128x128xf32, #tpu.memory_space<vmem>>, vector<1x16xf32>,
      %get3A_2003 = vector.shape_cast %get3A_2002 : vector<1x16xf32> to vector<16xf32>
      %get3A_2004 = arith.index_cast %add3A_1932 : i32 to index
      %get3A_2005 = arith.constant 32 : index
      %get3A_2006 = tpu.vector_load %arg13[%get3A_2004, %get3A_2005] {strides = array<i32>} : memref<128x128xf32, #tpu.memory_space<vmem>>, vector<1x16xf32>,
      %get3A_2007 = vector.shape_cast %get3A_2006 : vector<1x16xf32> to vector<16xf32>
      %select_n3A_2008 = arith.select %eq3A_1999, %get3A_2003, %get3A_2007 : vector<16xf32>
      %mul3A_2009 = arith.mulf %select_n3A_1997, %select_n3A_2008 : vector<16xf32>
      %add3A_2010 = arith.addf %add3A_1986, %mul3A_2009 : vector<16xf32>
      %eq3A_2011 = arith.constant 1 : i32
      %eq3A_2012 = arith.cmpi eq, %squeeze3A_1934, %eq3A_2011 : i32
      %get3A_2013 = arith.index_cast %add3A_1932 : i32 to index
      %get3A_2014 = arith.constant 112 : index
      %get3A_2015 = tpu.vector_load %arg12[%get3A_2013, %get3A_2014] {strides = array<i32>} : memref<128x128xf32, #tpu.memory_space<vmem>>, vector<1x16xf32>,
      %get3A_2016 = vector.shape_cast %get3A_2015 : vector<1x16xf32> to vector<16xf32>
      %get3A_2017 = arith.index_cast %add3A_1932 : i32 to index
      %get3A_2018 = arith.constant 48 : index
      %get3A_2019 = tpu.vector_load %arg12[%get3A_2017, %get3A_2018] {strides = array<i32>} : memref<128x128xf32, #tpu.memory_space<vmem>>, vector<1x16xf32>,
      %get3A_2020 = vector.shape_cast %get3A_2019 : vector<1x16xf32> to vector<16xf32>
      %select_n3A_2021 = arith.select %eq3A_2012, %get3A_2016, %get3A_2020 : vector<16xf32>
      %eq3A_2022 = arith.constant 1 : i32
      %eq3A_2023 = arith.cmpi eq, %squeeze3A_1936, %eq3A_2022 : i32
      %get3A_2024 = arith.index_cast %add3A_1932 : i32 to index
      %get3A_2025 = arith.constant 112 : index
      %get3A_2026 = tpu.vector_load %arg13[%get3A_2024, %get3A_2025] {strides = array<i32>} : memref<128x128xf32, #tpu.memory_space<vmem>>, vector<1x16xf32>,
      %get3A_2027 = vector.shape_cast %get3A_2026 : vector<1x16xf32> to vector<16xf32>
      %get3A_2028 = arith.index_cast %add3A_1932 : i32 to index
      %get3A_2029 = arith.constant 48 : index
      %get3A_2030 = tpu.vector_load %arg13[%get3A_2028, %get3A_2029] {strides = array<i32>} : memref<128x128xf32, #tpu.memory_space<vmem>>, vector<1x16xf32>,
      %get3A_2031 = vector.shape_cast %get3A_2030 : vector<1x16xf32> to vector<16xf32>
      %select_n3A_2032 = arith.select %eq3A_2023, %get3A_2027, %get3A_2031 : vector<16xf32>
      %mul3A_2033 = arith.mulf %select_n3A_2021, %select_n3A_2032 : vector<16xf32>
      %add3A_2034 = arith.addf %add3A_2010, %mul3A_2033 : vector<16xf32>
      %reshape3A_2035 = vector.shape_cast %xor3A_14 : vector<16xi32> to vector<16x1xi32>
      %gather3A_2036 = vector.shape_cast %reshape3A_2035 : vector<16x1xi32> to vector<16xi32>
      %gather3A_2037 = tpu.dynamic_gather %add3A_2034[%gather3A_2036] in [0] : vector<16xf32>, vector<16xi32> -> vector<16xf32>
      %add3A_2038 = arith.addf %add3A_2034, %gather3A_2037 : vector<16xf32>
      %reshape3A_2039 = vector.shape_cast %xor3A_17 : vector<16xi32> to vector<16x1xi32>
      %gather3A_2040 = vector.shape_cast %reshape3A_2039 : vector<16x1xi32> to vector<16xi32>
      %gather3A_2041 = tpu.dynamic_gather %add3A_2038[%gather3A_2040] in [0] : vector<16xf32>, vector<16xi32> -> vector<16xf32>
      %add3A_2042 = arith.addf %add3A_2038, %gather3A_2041 : vector<16xf32>
      %reshape3A_2043 = vector.shape_cast %xor3A_20 : vector<16xi32> to vector<16x1xi32>
      %gather3A_2044 = vector.shape_cast %reshape3A_2043 : vector<16x1xi32> to vector<16xi32>
      %gather3A_2045 = tpu.dynamic_gather %add3A_2042[%gather3A_2044] in [0] : vector<16xf32>, vector<16xi32> -> vector<16xf32>
      %add3A_2046 = arith.addf %add3A_2042, %gather3A_2045 : vector<16xf32>
      %reshape3A_2047 = vector.shape_cast %xor3A_23 : vector<16xi32> to vector<16x1xi32>
      %gather3A_2048 = vector.shape_cast %reshape3A_2047 : vector<16x1xi32> to vector<16xi32>
      %gather3A_2049 = tpu.dynamic_gather %add3A_2046[%gather3A_2048] in [0] : vector<16xf32>, vector<16xi32> -> vector<16xf32>
      %add3A_2050 = arith.addf %add3A_2046, %gather3A_2049 : vector<16xf32>
      %eq3A_2051 = arith.constant 15 : i32
      %eq3A_2052 = vector.broadcast %eq3A_2051 : i32 to vector<16xi32>
      %eq3A_2053 = arith.cmpi eq, %iota3A, %eq3A_2052 : vector<16xi32>
      %select_n3A_2054 = arith.select %eq3A_2053, %add3A_2050, %select_n3A_1928 : vector<16xi1>, vector<16xf32>
      %mul3A_2055 = arith.constant 16 : i32
      %mul3A_2056 = arith.muli %scan3A_29, %mul3A_2055 : i32
      %swap3A = arith.index_cast %mul3A_2056 : i32 to index
      %swap3A_2057 = tpu.vector_load %arg14[%swap3A] {strides = array<i32>} : memref<128xf32, #tpu.memory_space<vmem>>, vector<16xf32>,
      %swap3A_2058 = vector.shape_cast %swap3A_2057 : vector<16xf32> to vector<16xf32>
      %swap3A_2059 = vector.shape_cast %select_n3A_2054 : vector<16xf32> to vector<16xf32>
      tpu.vector_store %arg14[%swap3A], %swap3A_2059 {strides = array<i32>} : memref<128xf32, #tpu.memory_space<vmem>>, vector<16xf32>,
    }
    %scan3A_28 = arith.constant 8 : i32
    "tpu.region"() ({
      %run_scoped3A = tpu.sem_alloc : memref<!tpu.dma_semaphore, #tpu.memory_space<semaphore_mem>>
      %dma_start3A_29 = tpu.memref_slice %arg7[%mul3A_2] : memref<4096xf32, #tpu.memory_space<hbm>> -> memref<128xf32, #tpu.memory_space<hbm>>
      %dma_start3A_30 = tpu.memref_slice %arg7[%mul3A_2] : memref<4096xf32, #tpu.memory_space<hbm>> -> memref<128xf32, #tpu.memory_space<hbm>>
      tpu.enqueue_dma source(%arg14 : memref<128xf32, #tpu.memory_space<vmem>>) target(%dma_start3A_30 : memref<128xf32, #tpu.memory_space<hbm>>) target_semaphore(%run_scoped3A : memref<!tpu.dma_semaphore, #tpu.memory_space<semaphore_mem>>)
      %dma_wait3A_31 = tpu.memref_slice %arg7[%mul3A_2] : memref<4096xf32, #tpu.memory_space<hbm>> -> memref<128xf32, #tpu.memory_space<hbm>>
      %dma_wait3A_32 = tpu.memref_slice %arg7[%mul3A_2] : memref<4096xf32, #tpu.memory_space<hbm>> -> memref<128xf32, #tpu.memory_space<hbm>>
      tpu.wait_dma2 semaphore(%run_scoped3A : memref<!tpu.dma_semaphore, #tpu.memory_space<semaphore_mem>>) src(%arg14 : memref<128xf32, #tpu.memory_space<vmem>>) dst(%dma_wait3A_32 : memref<128xf32, #tpu.memory_space<hbm>>)
      tpu.yield
    }) : () -> ()
    return
  }
}

</mosaic_0001>

<sc_bundles>
// kernel: kernel.3.cloned.1.call-start
scs
__scs_entry_jumppad:
0x0: {  	(pc) =	sbr.rel $0x88, $3  }
0x1: {  	(tag) =	ssettag $0x0;
	lr =	simm.s32 $0x1  }
0x2: {  	[smem:$0x3F9D] =	sst lr;
	_ =	strace $0xD0000000  }
0x3: {  	_ = 	snop  }
0x4: {  	_ = 	snop  }
0x5: {  	_ = 	snop  }
0x6: {  	_ = 	snop  }
0x7: {  	_ = 	snop  }
__scs_overlays_trampoline_lowered:
0x8: {  	[smem:$0x3FAC] =	sst s0  }
0x9: {  	[smem:$0x3FAD] =	sst s1  }
0xa: {  	[smem:$0x3FAE] =	sst s2  }
0xb: {  	[smem:$0x3FAF] =	sst s3  }
0xc: {  	[smem:$0x3FB0] =	sst s4  }
0xd: {  	[smem:$0x3FB1] =	sst s5  }
0xe: {  	[smem:$0x3FB2] =	sst s6  }
0xf: {  	[smem:$0x3FB3] =	sst s7  }
0x10: {  	[smem:$0x3FB4] =	sst s8  }
0x11: {  	[smem:$0x3FB5] =	sst s9;
	s0 =	simm.s32 @!p0 $0x0  }
0x12: {  	s1 =	sld [smem:$0x3F9B];
	s0 =	simm.s32 @p0 $0x1  }
0x13: {  	[smem:$0x3FB6] =	sst s0;
	s0 =	simm.s32 @!p1 $0x0  }
0x14: {  	s2 =	sld [smem:$0x3F9A];
	s0 =	simm.s32 @p1 $0x1  }
0x15: {  	[smem:$0x3FB7] =	sst s0;
	s0 =	simm.s32 @!p2 $0x0  }
0x16: {  	s3 =	sld [smem:$0x3FDB];
	s0 =	simm.s32 @p2 $0x1  }
0x17: {  	s4 =	simm.s32 $0x1BF5;
	[smem:$0x3FB9] =	sst s0  }
0x18: {  	s0 =	sld [smem:$0x3F9C];
	_ =	swait.ge [sflag:s4], $0x0  }
0x19: {  	s7 =	sld [smem:$0x3F9D]  }
0x1a: {  	s8 =	sadd.s32 $0xFFFFE003, lr  }
0x1b: {  	s9 =	sadd.s32 $0xFFFFFEF7, lr;
	s5 =	simm.s32 $0xFFFFFFFF;
	p2 =	slt.u32 s8, $0xFFFFF086  }
0x1c: {  	p1 =	slt.u32 s9, $0xF7A;
	s5 =	simm.s32 @!p2 $0x0  }
0x1d: {  	s5 =	simm.s32 @p1 $0x1;
	p0 =	seq.s32 s7, s2  }
0x1e: {  	s7 =	smul.u32 @!p0 $0xF7A, s2;
	p2 =	seq.s32 @!p0 s5, $0x0  }
0x1f: {  	s9 =	smul.u32 $0xF7A, s1;
	s8 =	simm.s32 @!p0 $0x1BF5;
	p2 =	por !p2, p0  }
0x20: {  	[sflag:s8] =	ssyncset.s32 @!p0 $0xFFFFF086;
	s6 =	sadd.s32 @!p0 s3, s7;
	s7 =	simm.s32 @!p0 $0x108  }
0x21: {  	s3 =	sadd.s32 s3, s9;
	s6 =	sadd.s32 @!p0 $0x88, s6;
	s7 =	simm.s32 @p2 $0x1082  }
0x22: {  	[simem:s7], [sflag:s8] =	dma.local @!p0 [hbm:s6], $0xF7A  }
0x23: {  	s9 =	sor.u32 $0xD0000000, s2;
	s6 =	simm.s32 $0x108;
	_ =	swait.ge @!p0 [sflag:s8], $0x0  }
0x24: {  	s3 =	sadd.s32 $0x88, s3;
	s6 =	simm.s32 @!p1 $0x1082;
	[sflag:s4] =	ssyncset.s32 $0xFFFFF086  }
0x25: {  	[simem:s6], [sflag:s4] =	dma.local [hbm:s3], $0xF7A  }
0x26: {  	[smem:$0x3F9D] =	sst s1;
	(tag) =	ssettag s2;
	_ =	strace s9  }
0x27: {  	s1 =	sld [smem:$0x3FAD]  }
0x28: {  	s2 =	sld [smem:$0x3FAE]  }
0x29: {  	s4 =	sld [smem:$0x3FB0]  }
0x2a: {  	p0 =	seq.s32 s5, $0x0;
	s5 =	sld [smem:$0x3FB1]  }
0x2b: {  	s6 =	sld [smem:$0x3FB2]  }
0x2c: {  	s7 =	sld [smem:$0x3FB3]  }
0x2d: {  	s3 =	simm.s32 $0x108;
	s8 =	sld [smem:$0x3FB4]  }
0x2e: {  	s3 =	simm.s32 @!p0 $0x1082;
	s9 =	sld [smem:$0x3FB5]  }
0x2f: {  	lr =	sadd.s32 s0, s3;
	s0 =	sld [smem:$0x3FAC]  }
0x30: {  	s3 =	sld [smem:$0x3FAF]  }
0x31: {  	[smem:$0x3FB8] =	sst s10  }
0x32: {  	s10 =	sld [smem:$0x3FB6];
	_ =	sdelay $0x3  }
0x33: {  	p0 =	seq.s32 s10, $0x1;
	s10 =	sld [smem:$0x3FB8];
	_ =	sdelay $0x3  }
0x34: {  	[smem:$0x3FB8] =	sst s10  }
0x35: {  	s10 =	sld [smem:$0x3FB7];
	_ =	sdelay $0x3  }
0x36: {  	p1 =	seq.s32 s10, $0x1;
	s10 =	sld [smem:$0x3FB8];
	_ =	sdelay $0x3  }
0x37: {  	[smem:$0x3FB8] =	sst s10  }
0x38: {  	s10 =	sld [smem:$0x3FB9]  }
0x39: {  	_ = 	snop;
	(pc) =	sbr.ind lr, $3  }
0x3a: {  	_ = 	snop  }
0x3b: {  	_ = 	snop  }
0x3c: {  	p2 =	seq.s32 s10, $0x1;
	s10 =	sld [smem:$0x3FB8]  }
0x3d: {  	_ =	shalt  }
0x3e: {  	_ =	shalt  }
0x3f: {  	_ =	shalt  }
0x40: {  	_ =	shalt  }
0x41: {  	_ =	shalt  }
0x42: {  	_ =	shalt  }
0x43: {  	_ =	shalt  }
0x44: {  	_ =	shalt  }
0x45: {  	_ =	shalt  }
0x46: {  	_ =	shalt  }
0x47: {  	_ =	shalt  }
0x48: {  	_ =	shalt  }
0x49: {  	_ =	shalt  }
0x4a: {  	_ =	shalt  }
0x4b: {  	_ =	shalt  }
0x4c: {  	_ =	shalt  }
0x4d: {  	_ =	shalt  }
0x4e: {  	_ =	shalt  }
0x4f: {  	_ =	shalt  }
0x50: {  	_ =	shalt  }
0x51: {  	_ =	shalt  }
0x52: {  	_ =	shalt  }
0x53: {  	_ =	shalt  }
0x54: {  	_ =	shalt  }
0x55: {  	_ =	shalt  }
0x56: {  	_ =	shalt  }
0x57: {  	_ =	shalt  }
0x58: {  	_ =	shalt  }
0x59: {  	_ =	shalt  }
0x5a: {  	_ =	shalt  }
0x5b: {  	_ =	shalt  }
0x5c: {  	_ =	shalt  }
0x5d: {  	_ =	shalt  }
0x5e: {  	_ =	shalt  }
0x5f: {  	_ =	shalt  }
0x60: {  	_ =	shalt  }
0x61: {  	_ =	shalt  }
0x62: {  	_ =	shalt  }
0x63: {  	_ =	shalt  }
0x64: {  	_ =	shalt  }
0x65: {  	_ =	shalt  }
0x66: {  	_ =	shalt  }
0x67: {  	_ =	shalt  }
0x68: {  	_ =	shalt  }
0x69: {  	_ =	shalt  }
0x6a: {  	_ =	shalt  }
0x6b: {  	_ =	shalt  }
0x6c: {  	_ =	shalt  }
0x6d: {  	_ =	shalt  }
0x6e: {  	_ =	shalt  }
0x6f: {  	_ =	shalt  }
0x70: {  	_ =	shalt  }
0x71: {  	_ =	shalt  }
0x72: {  	_ =	shalt  }
0x73: {  	_ =	shalt  }
0x74: {  	_ =	shalt  }
0x75: {  	_ =	shalt  }
0x76: {  	_ =	shalt  }
0x77: {  	_ =	shalt  }
0x78: {  	_ =	shalt  }
0x79: {  	_ =	shalt  }
0x7a: {  	_ =	shalt  }
0x7b: {  	_ =	shalt  }
0x7c: {  	_ =	shalt  }
0x7d: {  	_ =	shalt  }
0x7e: {  	_ =	shalt  }
0x7f: {  	_ =	shalt  }
0x80: {  	_ =	shalt  }
0x81: {  	_ =	shalt  }
0x82: {  	_ =	shalt  }
0x83: {  	_ =	shalt  }
0x84: {  	_ =	shalt  }
0x85: {  	_ =	shalt  }
0x86: {  	_ =	shalt  }
0x87: {  	_ =	shalt  }
.Lfunc_end0:
.L_simem_size_0:
called_computation_lowered:
.L_overlay_start_0:
0x88: {  	s2 =	sld [smem:$0x3FD9]  }
0x89: {  	s3 =	sld [smem:$0x3FFE];
	_ =	sdelay $0x1  }
0x8a: {  	s1 =	srdreg.scid  }
0x8b: {  	s0 =	sand.u32 $0x1, s1  }
0x8c: {  	s17 =	sshll.u32 s0, $0xA;
	s2 =	sadd.s32 s3, s2  }
0x8d: {  	s2 =	sadd.s32 s2, s17  }
0x8e: {  	[smem:$0x3FC4] =	sst s2  }
0x8f: {  	_ = 	snop  }
0x90: {  	s2 =	sld [smem:$0x3FC7]  }
0x91: {  	s18 =	sld [smem:$0x3FC6]  }
0x92: {  	s4 =	sld [smem:$0x3FD0];
	(tm) =	ssettm $0x1  }
0x93: {  	s5 =	sld [smem:$0x3FFB];
	_ =	sdelay $0x3  }
0x94: {  	_ =	strace s5  }
0x95: {  	s5 =	sld [smem:$0x3FFC];
	_ =	sdelay $0x3  }
0x96: {  	_ =	strace s5  }
0x97: {  	s5 =	sld [smem:$0x3FFD];
	_ =	sdelay $0x3  }
0x98: {  	_ =	strace s5  }
0x99: {  	_ =	strace $0x8FFFFFFF  }
0x9a: {  	s19 =	sld [smem:$0x3FDB];
	_ =	sdelay $0x1  }
0x9b: {  	s6 =	simm.s32 $_scs_section_size  }
0x9c: {  	s7 =	simm.s32 $_size__tile_overlayer_lowered;
	s8 =	simm.s32 $_tile_overlayer_lowered  }
0x9d: {  	s22 =	simm.s32 $0x1BFF;
	s21 =	sshll.u32 s8, $0x1;
	s5 =	sadd.s32 s6, s19  }
0x9e: {  	s9 =	simm.s32 $0x0;
	s20 =	sshll.u32 s7, $0x1;
	s7 =	sadd.s32 s21, s5  }
0x9f: {  	[timem:s9], [sflag:s22] =	dma.local [hbm:s7], s20  }
0xa0: {  	_ =	swait.ge [sflag:s22], s20  }
0xa1: {  	s6 =	ssub.s32 $0x0, s20;
	[sflag:s22] =	ssyncset.done $0x0  }
0xa2: {  	[sflag:s22] =	ssyncadd.s32 s6;
	_ =	sdelay $0x1  }
0xa3: {  	s23 =	simm.s32 $0x1B8B  }
0xa4: {  	_ =	swait.ge [sflag:s23], $0x1  }
0xa5: {  	[sflag:s23] =	ssyncset.done $0x0  }
0xa6: {  	s25 =	simm.s32 $0x1B8E;
	s24 =	sld [smem:$0x3FFE];
	[sflag:s23] =	ssyncadd.s32 $0xFFFFFFFF  }
0xa7: {  	s26 =	simm.s32 $execute0_lowered;
	[smem:$0x3FD2] =	sst s25  }
0xa8: {  	s7 =	sshll.u32 s26, $0x1;
	_ =	strace $0x80000046;
	[dreg:$0x1] =	wrdreg $0xFFFFFFFF  }
0xa9: {  	s28 =	simm.s32 $_size_execute0_lowered;
	s5 =	sadd.s32 s5, s7;
	[dreg:$0x0] =	wrdreg $0x0  }
0xaa: {  	s7 =	sshll.u32 s28, $0x1;
	[dreg:$0x2] =	wrdreg s5  }
0xab: {  	[dreg:$0x3] =	wrdreg s7  }
0xac: {  	[dreg:$0x4] =	wrdreg $0xC0  }
0xad: {  	_ =	task [dreg:s9], $0x5FFFF  }
0xae: {  	[dreg:$0x1] =	wrdreg $0xFFFFFFFF  }
0xaf: {  	[dreg:$0x0] =	wrdreg $0x60  }
0xb0: {  	[dreg:$0x2] =	wrdreg s24  }
0xb1: {  	[dreg:$0x3] =	wrdreg s2  }
0xb2: {  	[dreg:$0x4] =	wrdreg s18  }
0xb3: {  	[dreg:$0x5] =	wrdreg s4  }
0xb4: {  	[dreg:$0x6] =	wrdreg $0x9  }
0xb5: {  	_ =	task.clear_ibuf [dreg:s9], $0x7FFFF;
	_ =	strace $0x90000046  }
0xb6: {  	s29 =	simm.s32 $0x9;
	_ =	strace $0x80000048  }
0xb7: {  	_ =	swait.ge [sflag:s29], $0x1  }
0xb8: {  	[sflag:s29] =	ssyncadd.s32 $0xFFFFFFFF  }
0xb9: {  	_ =	strace $0x90000048  }
0xba: {  	_ =	sfence  }
0xbb: {  	s30 =	sld [smem:$0x0];
	_ =	sdelay $0x2  }
0xbc: {  	s31 =	sshll.u32 s1, $0xD;
	s1 =	sshrl.u32 s1, $0x2  }
0xbd: {  	s3 =	sand.u32 $0x4000, s31;
	s1 =	sadd.s32 s1, s30  }
0xbe: {  	s0 =	sor.u32 s3, s0;
	s1 =	sshll.u32 s1, $0x11  }
0xbf: {  	s0 =	sor.u32 s1, s0  }
0xc0: {  	s0 =	sadd.s32 $0x8F2B, s0  }
0xc1: {  	[sflag:s0] =	ssyncadd.remote.s32 $0x1  }
0xc2: {  	_ =	sfence.sel $0xFFFF  }
0xc3: {  	[dreg:$0x0] =	wrdreg $0xFFFFFFFF;
	(pc) =	sbr.abs _section_cstart, $3  }
0xc4: {  	[dreg:$0x1] =	wrdreg $0xFFFFFFFF  }
0xc5: {  	_ =	task.clear_ibuf [dreg:s9], $0x2FFFF;
	_ =	strace $0x9FFFFFFF  }
0xc6: {  	(tm) =	ssettm $0x7FFFFFFF  }
0xc7: {  	_ =	shalt  }
tec
execute0_lowered:
.L_overlay_start_1:
0x0: {  	(tag) =	ssettag $0x1  }
0x1: {  	v0 =	vimm.s32 $0xEFCDAB89;
	v1 =	vimm.s32 $0x67452301  }
0x2: {  	v2 =	vimm.s32 $0xDCFE98BA;
	v3 =	vimm.s32 $0x54761032;
	v4 =	vimm.s32 $0xBA98FEDC  }
0x3: {  	v5 =	vimm.s32 $0x32107654;
	v6 =	vimm.s32 $0xFEDCBA98;
	v7 =	vimm.s32 $0x76543210  }
0x4: {  	vm0 =	vmmov $0x1;
	vm1 =	vmmov $0x3;
	vm2 =	vmmov $0x7  }
0x5: {  	s0 =	rddreg [dreg:$0x0];
	s4 =	srdreg.scid;
	vm3 =	vmmov $0xf;
	vm4 =	vmmov $0x1f;
	vm5 =	vmmov $0x3f  }
0x6: {  	s1 =	rddreg [dreg:$0x1];
	s5 =	stileid.u32;
	vm6 =	vmmov $0x7f;
	vm7 =	vmmov $0xff;
	vm8 =	vmmov $0x1ff;
	s4 =	sand.u32 $0x1, s4  }
0x7: {  	s2 =	rddreg [dreg:$0x2];
	vm9 =	vmmov $0x3ff;
	vm10 =	vmmov $0x7ff;
	vm11 =	vmmov $0xfff;
	s5 =	sshll.u32 s5, $0x5;
	s6 =	sshll.u32 s4, $0x4  }
0x8: {  	s3 =	rddreg [dreg:$0x3];
	s8 =	simm.s32 $0x0;
	vm12 =	vmmov $0x1fff;
	v0 =	vunpack.c.l.s4.s8 v0;
	v1 =	vunpack.c.l.s4.s8 v1;
	s5 =	sor.u32 s6, s5  }
0x9: {  	v2 =	vunpack.c.l.s4.s8 v2;
	v3 =	vunpack.c.l.s4.s8 v3;
	v4 =	vunpack.c.l.s4.s8 v4;
	[smem:$0x7FF] =	sst s8;
	s6 =	sadd.s32 s5, s0;
	s0 =	sadd.s32 $0xA00, s0  }
0xa: {  	v5 =	vunpack.c.l.s4.s8 v5;
	v6 =	vunpack.c.l.s4.s8 v6;
	v7 =	vunpack.c.l.s4.s8 v7;
	_ =	strace $0x80000047;
	s1 =	sadd.s32 s1, s5;
	[smem:$0x7F7] =	sst s0  }
0xb: {  	v0 =	vunpack.c.0.s8.s32 v0;
	v1 =	vunpack.c.0.s8.s32 v1;
	v2 =	vunpack.c.0.s8.s32 v2;
	s30 =	sadd.s32 s2, s5;
	[smem:$0x7FA] =	sst s1  }
0xc: {  	s4 =	ssub.s32 $0x2, s4;
	v3 =	vunpack.c.0.s8.s32 v3;
	v4 =	vunpack.c.0.s8.s32 v4;
	v5 =	vunpack.c.0.s8.s32 v5;
	s31 =	sadd.s32 s3, s5;
	[smem:$0x7FB] =	sst s30  }
0xd: {  	vm13 =	vmmov $0x3fff;
	s7 =	sshrl.u32 s4, $0x1;
	v0 =	vcombine.low v1, v0;
	v1 =	vunpack.c.0.s8.s32 v6;
	s28 =	sadd.s32 $0x187600, s6;
	[smem:$0x7FC] =	sst s31  }
0xe: {  	s26 =	ssub.s32 s4, s7;
	v2 =	vcombine.low v3, v2;
	v3 =	vcombine.low v5, v4;
	v4 =	vunpack.c.0.s8.s32 v7;
	s29 =	sadd.s32 $0x187400, s6;
	[smem:$0x7F8] =	sst s28  }
0xf: {  	vm14 =	vmmov $0x7fff;
	s0 =	smax.u32 s26, $0x1;
	[smem:$0x7F9] =	sst s29;
	v0 =	vand.u32 $0xF, v0;
	v5 =	vand.u32 $0xF, v1  }
0x10: {  	s2 =	simm.s32 $0x0;
	s1 =	simm.s32 $0x3;
	[smem:$0x7FD] =	sst s0;
	v1 =	vand.u32 $0xF, v2;
	v2 =	vand.u32 $0xF, v3;
	v3 =	vcombine.low v5, v4  }
.LBB2_1:
0x11: {  	s0 =	sld [smem:$0x7F8];
	_ =	sdelay $0x1  }
0x12: {  	[smem:$0x7E9] =	sst s2  }
0x13: {  	[tilespmem:s8], [sflag:$0x3] =	stream.linear.gather [hbm4b:s0+s8], $0x80, $0x38;
	[tilespmem:$0x8280] =	vst v63  }
0x14: {  	_ =	swait.ge [sflag:s1], $0x80  }
0x15: {  	s13 =	sld [smem:$0x7F9]  }
0x16: {  	[sflag:s1] =	ssyncset.done $0x0  }
0x17: {  	s14 =	simm.s32 $0x80;
	[sflag:s1] =	ssyncadd.s32 $0xFFFFFF80  }
0x18: {  	[tilespmem:s14], [sflag:$0x3] =	stream.linear.gather [hbm4b:s13+s8], $0x80, $0x38;
	[tilespmem:$0x8280] =	vst v63  }
0x19: {  	_ =	swait.ge [sflag:s1], $0x80  }
0x1a: {  	s15 =	sld [smem:$0x7FA]  }
0x1b: {  	[sflag:s1] =	ssyncset.done $0x0  }
0x1c: {  	s3 =	simm.s32 $0x100;
	[sflag:s1] =	ssyncadd.s32 $0xFFFFFF80  }
0x1d: {  	[tilespmem:s3], [sflag:$0x3] =	stream.linear.gather [hbm4b:s15+s8], $0x80, $0x38;
	[tilespmem:$0x8280] =	vst v63  }
0x1e: {  	_ =	swait.ge [sflag:s1], $0x80  }
0x1f: {  	s16 =	sld [smem:$0x7FB]  }
0x20: {  	[sflag:s1] =	ssyncset.done $0x0  }
0x21: {  	s17 =	simm.s32 $0x180;
	[sflag:s1] =	ssyncadd.s32 $0xFFFFFF80  }
0x22: {  	[tilespmem:s17], [sflag:$0x3] =	stream.linear.gather [hbm4b:s16+s8], $0x80, $0x38;
	[tilespmem:$0x8280] =	vst v63  }
0x23: {  	_ =	swait.ge [sflag:s1], $0x80  }
0x24: {  	s18 =	sld [smem:$0x7F7]  }
0x25: {  	[sflag:s1] =	ssyncset.done $0x0  }
0x26: {  	s19 =	simm.s32 $0x200;
	[sflag:s1] =	ssyncadd.s32 $0xFFFFFF80  }
0x27: {  	[tilespmem:s19], [sflag:$0x1] =	stream.indirect.gather [hbm4b:s18+s14], $0x80, s8, s14, $0xb8;
	[tilespmem:$0x8280] =	vst v63  }
0x28: {  	s20 =	simm.s32 $0x4200;
	s21 =	simm.s32 $0x1  }
0x29: {  	[tilespmem:s20], [sflag:$0x2] =	stream.indirect.gather [hbm4b:s18+s14], $0x80, s14, s14, $0xb8;
	[tilespmem:$0x8280] =	vst v63  }
0x2a: {  	_ =	swait.ge [sflag:s21], $0x4000  }
0x2b: {  	[sflag:s21] =	ssyncset.done $0x0  }
0x2c: {  	s22 =	simm.s32 $0x2;
	[sflag:s21] =	ssyncadd.s32 $0xFFFFC000  }
0x2d: {  	_ =	swait.ge [sflag:s22], $0x4000  }
0x2e: {  	[sflag:s22] =	ssyncset.done $0x0  }
0x2f: {  	[sflag:s22] =	ssyncadd.s32 $0xFFFFC000;
	s22 =	simm.s32 $0x0  }
0x30: {  	v4 =	vld [tilespmem:s22+$0x100]  }
0x31: {  	v6 =	vld [tilespmem:s22+$0x180];
	_ =	sdelay $0x3  }
0x32: {  	v5 =	vand.u32 $0x1, v4  }
0x33: {  	v6 =	vand.u32 $0x1, v6;
	(v2sf) =	vpush v5, $0xF  }
0x34: {  	(v2sf) =	vpush v6, $0xF  }
0x35: {  	(v2sf) =	vpush v5, $0xE  }
0x36: {  	(v2sf) =	vpush v6, $0xE;
	_ =	sdelay $0x4  }
0x37: {  	(v2sf) =	vpush v5, $0xD  }
0x38: {  	(v2sf) =	vpush v6, $0xD;
	_ =	sdelay $0x1  }
0x39: {  	s2 =	simm.s32 $0x970;
	s12 =	simm.s32 $0x49F0;
	s6 =	simm.s32 $0x49B0  }
0x3a: {  	s11 =	simm.s32 $0x930;
	s7 =	simm.s32 $0x4970;
	s5 =	simm.s32 $0x8F0;
	(v2sf) =	vpush v5, $0xC  }
0x3b: {  	s4 =	simm.s32 $0x48F0;
	s9 =	simm.s32 $0x9E0;
	s10 =	simm.s32 $0x49E0  }
0x3c: {  	s13 =	simm.s32 $0x9F0;
	s3 =	simm.s32 $0x9B0;
	s15 =	simm.s32 $0x8B0  }
0x3d: {  	s16 =	simm.s32 $0x48B0;
	s17 =	simm.s32 $0x9A0;
	(v2sf) =	vpush v6, $0xC;
	s23 =	spop (v2sf)  }
0x3e: {  	s1 =	simm.s32 $0x4870;
	s8 =	simm.s32 $0x960;
	s24 =	spop (v2sf)  }
0x3f: {  	s14 =	simm.s32 $0x4930;
	s18 =	simm.s32 $0x49A0;
	s25 =	spop (v2sf);
	(v2sf) =	vpush v5, $0xB  }
0x40: {  	s20 =	simm.s32 $0x4830;
	p3 =	seq.s32 s23, $0x0;
	s26 =	spop (v2sf);
	(v2sf) =	vpush v6, $0xB  }
0x41: {  	p5 =	seq.s32 s24, $0x0;
	s13 =	smov.u32 @p3 s3;
	s3 =	simm.s32 $0x920  }
0x42: {  	s9 =	smov.u32 @p3 s17;
	s17 =	simm.s32 $0x9D0;
	p6 =	seq.s32 s25, $0x0  }
0x43: {  	s12 =	smov.u32 @p5 s6;
	s6 =	simm.s32 $0x8E0;
	s10 =	smov.u32 @p5 s18  }
0x44: {  	p0 =	seq.s32 s26, $0x0;
	s2 =	smov.u32 @p6 s11;
	s11 =	simm.s32 $0x4960  }
0x45: {  	s31 =	spop (v2sf);
	s8 =	smov.u32 @p6 s3;
	s3 =	simm.s32 $0x9C0  }
0x46: {  	s7 =	smov.u32 @p0 s14;
	p4 =	seq.s32 s31, $0x0;
	s18 =	spop (v2sf)  }
0x47: {  	s14 =	simm.s32 $0x4920;
	p1 =	seq.s32 s18, $0x0;
	s5 =	smov.u32 @p4 s15  }
0x48: {  	s15 =	simm.s32 $0x990;
	s18 =	simm.s32 $0x49D0;
	s11 =	smov.u32 @p0 s14  }
0x49: {  	s21 =	spop (v2sf);
	s4 =	smov.u32 @p1 s16;
	s16 =	simm.s32 $0x4990  }
0x4a: {  	s14 =	simm.s32 $0x980;
	s18 =	smov.u32 @p5 s16;
	s16 =	simm.s32 $0x8A0  }
0x4b: {  	s17 =	smov.u32 @p3 s15;
	s6 =	smov.u32 @p4 s16;
	s16 =	simm.s32 @!p1 $0x0  }
0x4c: {  	s3 =	smov.u32 @p3 s14;
	s23 =	spop (v2sf);
	s16 =	simm.s32 @p1 $0x1  }
0x4d: {  	s15 =	simm.s32 $0x950;
	p3 =	seq.s32 s23, $0x0;
	[smem:$0x7EA] =	sst s16  }
0x4e: {  	s1 =	smov.u32 @p3 s20;
	s20 =	simm.s32 $0x910;
	v22 =	vld [tilespmem:s12+$0x0];
	s24 =	spop (v2sf)  }
0x4f: {  	v23 =	vld [tilespmem:s2+$0x0];
	s2 =	simm.s32 $0x940;
	s12 =	simm.s32 $0x900;
	s25 =	spop (v2sf)  }
0x50: {  	s15 =	smov.u32 @p6 s20;
	s2 =	smov.u32 @p6 s12;
	p6 =	seq.s32 s25, $0x0  }
0x51: {  	(v2sf) =	vpush v5, $0xA;
	v39 =	vld [tilespmem:s9+$0x0];
	s9 =	simm.s32 @!p6 $0x0  }
0x52: {  	(v2sf) =	vpush v6, $0xA;
	v33 =	vld [tilespmem:s13+$0x0];
	s9 =	simm.s32 @p6 $0x1  }
0x53: {  	v36 =	vld [tilespmem:s7+$0x0];
	[smem:$0x7EC] =	sst s9  }
0x54: {  	v7 =	vld [tilespmem:s5+$0x0];
	_ =	sdelay $0x4  }
0x55: {  	s0 =	simm.s32 $0x870;
	s19 =	simm.s32 $0x830;
	p2 =	seq.s32 s21, $0x0;
	v4 =	vld [tilespmem:s10+$0x0];
	[tilespmem:$0x1FF90] =	vst v7  }
0x56: {  	s14 =	simm.s32 $0x48E0;
	s0 =	smov.u32 @p2 s19;
	s19 =	simm.s32 $0x48A0;
	v7 =	vld [tilespmem:s4+$0x0]  }
0x57: {  	s21 =	simm.s32 $0x0;
	s14 =	smov.u32 @p1 s19  }
0x58: {  	s19 =	simm.s32 $0x4910;
	s16 =	simm.s32 $0x4950;
	s13 =	simm.s32 $0x49C0  }
0x59: {  	s16 =	smov.u32 @p0 s19;
	s19 =	simm.s32 $0x4980;
	s7 =	sor.u32 $0x7F0, s21  }
0x5a: {  	s13 =	smov.u32 @p5 s19;
	s19 =	sor.u32 $0x7B0, s21;
	p5 =	seq.s32 s24, $0x0  }
0x5b: {  	s7 =	smov.u32 @p5 s19;
	s19 =	simm.s32 $0x8D0;
	[tilespmem:$0x1FFA0] =	vst v7  }
0x5c: {  	s26 =	spop (v2sf);
	s10 =	simm.s32 $0x860;
	s5 =	simm.s32 $0x820;
	v7 =	vld [tilespmem:s0+$0x0]  }
0x5d: {  	s31 =	spop (v2sf);
	s10 =	smov.u32 @p2 s5;
	s5 =	simm.s32 $0x890  }
0x5e: {  	s19 =	smov.u32 @p4 s5;
	s5 =	simm.s32 $0x4940;
	v45 =	vld [tilespmem:s11+$0x0];
	s11 =	simm.s32 $0x4900  }
0x5f: {  	v38 =	vld [tilespmem:s8+$0x0];
	s5 =	smov.u32 @p0 s11;
	p0 =	seq.s32 s31, $0x0  }
0x60: {  	(v2sf) =	vpush v5, $0x9;
	v28 =	vld [tilespmem:s17+$0x0];
	s0 =	simm.s32 @!p0 $0x0  }
0x61: {  	v50 =	vld [tilespmem:s18+$0x0];
	s0 =	simm.s32 @p0 $0x1;
	[tilespmem:$0x1FFB0] =	vst v7  }
0x62: {  	(v2sf) =	vpush v6, $0x9;
	v34 =	vld [tilespmem:s1+$0x0];
	[smem:$0x7EB] =	sst s0  }
0x63: {  	v47 =	vld [tilespmem:s6+$0x0]  }
0x64: {  	v7 =	vld [tilespmem:s7+$0x0]  }
0x65: {  	v53 =	vld [tilespmem:s14+$0x0]  }
0x66: {  	s12 =	simm.s32 $0x47B0;
	s9 =	simm.s32 $0x47F0;
	v56 =	vld [tilespmem:s15+$0x0]  }
0x67: {  	s9 =	smov.u32 @p6 s12;
	s12 =	simm.s32 $0x4860;
	s4 =	simm.s32 $0x4820;
	v58 =	vld [tilespmem:s16+$0x0]  }
0x68: {  	s20 =	simm.s32 $0x4850;
	p6 =	seq.s32 s26, $0x0;
	s12 =	smov.u32 @p3 s4;
	v20 =	vld [tilespmem:s3+$0x0]  }
0x69: {  	s4 =	simm.s32 $0x4890;
	s8 =	simm.s32 $0x48D0;
	s17 =	simm.s32 $0x880;
	v13 =	vld [tilespmem:s13+$0x0];
	[tilespmem:$0x1FFC0] =	vst v7  }
0x6a: {  	s18 =	simm.s32 $0x4770;
	s8 =	smov.u32 @p1 s4;
	s4 =	simm.s32 $0x8C0;
	v7 =	vld [tilespmem:s9+$0x0]  }
0x6b: {  	s4 =	smov.u32 @p4 s17;
	s17 =	sor.u32 $0x770, s21;
	s0 =	sor.u32 $0x730, s21  }
0x6c: {  	s11 =	simm.s32 $0x48C0;
	s1 =	simm.s32 $0x800;
	s17 =	smov.u32 @p6 s0  }
0x6d: {  	(v2sf) =	vpush v5, $0x8;
	s0 =	simm.s32 $0x4730;
	s14 =	sor.u32 $0x7E0, s21;
	s6 =	sld [smem:$0x7EC]  }
0x6e: {  	s15 =	simm.s32 $0x47E0;
	s16 =	simm.s32 $0x850;
	s7 =	sld [smem:$0x7EA]  }
0x6f: {  	(v2sf) =	vpush v6, $0x8;
	s13 =	spop (v2sf);
	s3 =	sor.u32 $0x6B0, s21;
	s24 =	sld [smem:$0x7EB];
	[tilespmem:$0x1FFD0] =	vst v7  }
0x70: {  	s18 =	smov.u32 @p0 s0;
	s0 =	sor.u32 $0x7A0, s21;
	p4 =	seq.s32 s13, $0x0;
	v55 =	vld [tilespmem:s10+$0x0]  }
0x71: {  	s23 =	spop (v2sf);
	s13 =	simm.s32 $0x4840;
	s14 =	smov.u32 @p5 s0;
	v7 =	vld [tilespmem:s17+$0x0]  }
0x72: {  	s0 =	simm.s32 $0x47A0;
	p1 =	seq.s32 s6, $0x1;
	s6 =	sor.u32 $0x6F0, s21;
	v57 =	vld [tilespmem:s12+$0x0]  }
0x73: {  	p0 =	seq.s32 s7, $0x1;
	s15 =	smov.u32 @p1 s0;
	s0 =	simm.s32 $0x810;
	v61 =	vld [tilespmem:s19+$0x0]  }
0x74: {  	s7 =	simm.s32 $0x46F0;
	s16 =	smov.u32 @p2 s0;
	s0 =	simm.s32 $0x4810;
	v62 =	vld [tilespmem:s8+$0x0]  }
0x75: {  	(v2sf) =	vpush v5, $0x7;
	s6 =	smov.u32 @p4 s3;
	s20 =	smov.u32 @p3 s0;
	s0 =	simm.s32 $0x4880;
	v25 =	vld [tilespmem:s2+$0x0]  }
0x76: {  	(v2sf) =	vpush v6, $0x7;
	s3 =	sor.u32 $0x720, s21;
	s11 =	smov.u32 @p0 s0;
	s0 =	simm.s32 $0x840;
	v10 =	vld [tilespmem:s5+$0x0];
	[tilespmem:$0x1FFE0] =	vst v7  }
0x77: {  	s9 =	simm.s32 $0x46B0;
	s0 =	smov.u32 @p2 s1;
	p2 =	seq.s32 s23, $0x0;
	v7 =	vld [tilespmem:s18+$0x0]  }
0x78: {  	p0 =	seq.s32 s24, $0x1;
	s7 =	smov.u32 @p2 s9;
	s8 =	sor.u32 $0x760, s21  }
0x79: {  	s2 =	simm.s32 $0x4760;
	s8 =	smov.u32 @p6 s3;
	s3 =	simm.s32 $0x4720  }
0x7a: {  	s9 =	sor.u32 $0x7D0, s21;
	s2 =	smov.u32 @p0 s3;
	s3 =	sor.u32 $0x790, s21  }
0x7b: {  	s12 =	simm.s32 $0x47D0;
	s9 =	smov.u32 @p5 s3;
	s3 =	simm.s32 $0x4790  }
0x7c: {  	s25 =	spop (v2sf);
	s12 =	smov.u32 @p1 s3;
	s3 =	simm.s32 $0x4800;
	[tilespmem:$0x1FFF0] =	vst v7  }
0x7d: {  	s5 =	sor.u32 $0x780, s21;
	s13 =	smov.u32 @p3 s3;
	s3 =	sor.u32 $0x7C0, s21;
	v41 =	vld [tilespmem:s14+$0x0]  }
0x7e: {  	s26 =	spop (v2sf);
	s3 =	smov.u32 @p5 s5;
	v48 =	vld [tilespmem:s15+$0x0]  }
0x7f: {  	p5 =	seq.s32 s26, $0x0;
	s14 =	simm.s32 $0x4670;
	v21 =	vld [tilespmem:s16+$0x0];
	s15 =	simm.s32 $0x4630  }
0x80: {  	v54 =	vld [tilespmem:s20+$0x0];
	s14 =	smov.u32 @p5 s15;
	s15 =	simm.s32 @!p5 $0x0  }
0x81: {  	s31 =	sld [smem:$0x7EC];
	s17 =	simm.s32 $0x4750;
	v9 =	vld [tilespmem:s4+$0x0];
	s15 =	simm.s32 @p5 $0x1  }
0x82: {  	v42 =	vld [tilespmem:s11+$0x0];
	s11 =	sor.u32 $0x6E0, s21;
	[smem:$0x7EE] =	sst s15;
	s15 =	sor.u32 $0x6A0, s21  }
0x83: {  	v46 =	vld [tilespmem:s6+$0x0];
	s6 =	simm.s32 $0x46E0;
	s11 =	smov.u32 @p4 s15;
	s15 =	simm.s32 $0x46A0  }
0x84: {  	s18 =	spop (v2sf);
	s6 =	smov.u32 @p2 s15;
	s15 =	simm.s32 @!p2 $0x0  }
0x85: {  	p3 =	por p0, p0;
	s19 =	spop (v2sf);
	s15 =	simm.s32 @p2 $0x1  }
0x86: {  	v51 =	vld [tilespmem:s7+$0x0];
	s7 =	sor.u32 $0x750, s21;
	[smem:$0x7EF] =	sst s15;
	s15 =	sor.u32 $0x710, s21  }
0x87: {  	(v2sf) =	vpush v5, $0x6;
	v49 =	vld [tilespmem:s8+$0x0];
	s7 =	smov.u32 @p6 s15;
	s8 =	simm.s32 $0x4710;
	s15 =	simm.s32 $0x47C0  }
0x88: {  	(v2sf) =	vpush v6, $0x6;
	s17 =	smov.u32 @p0 s8;
	s8 =	simm.s32 $0x4780;
	p0 =	seq.s32 s31, $0x1  }
0x89: {  	v59 =	vld [tilespmem:s9+$0x0];
	s9 =	sor.u32 $0x740, s21;
	s15 =	smov.u32 @p0 s8;
	s8 =	sor.u32 $0x700, s21  }
0x8a: {  	v52 =	vld [tilespmem:s2+$0x0];
	s9 =	smov.u32 @p6 s8;
	p6 =	seq.s32 s19, $0x0  }
0x8b: {  	s1 =	sor.u32 $0x670, s21;
	v8 =	vld [tilespmem:s0+$0x0];
	s0 =	simm.s32 @!p6 $0x0  }
0x8c: {  	s10 =	sor.u32 $0x630, s21;
	p1 =	seq.s32 s25, $0x0;
	v60 =	vld [tilespmem:s12+$0x0];
	s0 =	simm.s32 @p6 $0x1  }
0x8d: {  	s1 =	smov.u32 @p1 s10;
	v7 =	vld [tilespmem:s13+$0x0];
	[smem:$0x7ED] =	sst s0  }
0x8e: {  	v14 =	vld [tilespmem:s1+$0x0]  }
0x8f: {  	s5 =	sor.u32 $0x5F0, s21;
	s16 =	sor.u32 $0x5B0, s21;
	p0 =	seq.s32 s18, $0x0;
	v17 =	vld [tilespmem:s14+$0x0]  }
0x90: {  	s5 =	smov.u32 @p0 s16;
	v16 =	vld [tilespmem:s11+$0x0]  }
0x91: {  	v12 =	vld [tilespmem:s5+$0x0]  }
0x92: {  	v19 =	vld [tilespmem:s6+$0x0]  }
0x93: {  	(v2sf) =	vpush v5, $0x5;
	v24 =	vld [tilespmem:s7+$0x0]  }
0x94: {  	v26 =	vld [tilespmem:s17+$0x0]  }
0x95: {  	s10 =	simm.s32 $0x45B0;
	s4 =	simm.s32 $0x45F0;
	v30 =	vld [tilespmem:s3+$0x0]  }
0x96: {  	s20 =	spop (v2sf);
	s4 =	smov.u32 @p6 s10;
	v11 =	vld [tilespmem:s15+$0x0];
	[tilespmem:$0x1FF30] =	vst v12  }
0x97: {  	s23 =	spop (v2sf);
	v12 =	vld [tilespmem:s4+$0x0]  }
0x98: {  	s2 =	sor.u32 $0x570, s21;
	s12 =	sor.u32 $0x6C0, s21;
	s18 =	sor.u32 $0x530, s21  }
0x99: {  	s19 =	sor.u32 $0x660, s21;
	s10 =	simm.s32 $0x4620;
	s1 =	sor.u32 $0x620, s21  }
0x9a: {  	s11 =	sor.u32 $0x6D0, s21;
	s6 =	sor.u32 $0x690, s21;
	s3 =	sor.u32 $0x680, s21  }
0x9b: {  	s11 =	smov.u32 @p4 s6;
	s12 =	smov.u32 @p4 s3;
	p4 =	seq.s32 s23, $0x0  }
0x9c: {  	s14 =	simm.s32 $0x4660;
	s19 =	smov.u32 @p1 s1;
	s4 =	simm.s32 @!p4 $0x0;
	[tilespmem:$0x1FF40] =	vst v12  }
0x9d: {  	(v2sf) =	vpush v6, $0x5;
	p6 =	seq.s32 s20, $0x0;
	s14 =	smov.u32 @p5 s10;
	s4 =	simm.s32 @p4 $0x1;
	v15 =	vld [tilespmem:s19+$0x0]  }
0x9e: {  	s2 =	smov.u32 @p6 s18;
	v18 =	vld [tilespmem:s14+$0x0];
	[smem:$0x7F0] =	sst s4  }
0x9f: {  	s29 =	simm.s32 $0x4230;
	s28 =	sor.u32 $0x2B0, s21;
	v12 =	vld [tilespmem:s2+$0x0]  }
0xa0: {  	s30 =	sor.u32 $0x360, s21;
	s10 =	simm.s32 $0x46D0;
	s6 =	simm.s32 $0x4690  }
0xa1: {  	s25 =	sld [smem:$0x7EE];
	s13 =	simm.s32 $0x4530;
	s10 =	smov.u32 @p2 s6;
	v31 =	vld [tilespmem:s11+$0x0]  }
0xa2: {  	s26 =	spop (v2sf);
	s16 =	simm.s32 $0x4740;
	s6 =	simm.s32 $0x4700;
	v32 =	vld [tilespmem:s10+$0x0]  }
0xa3: {  	s31 =	sld [smem:$0x7EF];
	s8 =	simm.s32 $0x4570;
	s16 =	smov.u32 @p3 s6;
	v63 =	vld [tilespmem:s9+$0x0]  }
0xa4: {  	s0 =	sor.u32 $0x4F0, s21;
	s18 =	simm.s32 $0x45A0;
	s8 =	smov.u32 @p4 s13;
	v44 =	vld [tilespmem:s16+$0x0];
	[tilespmem:$0x1FF50] =	vst v12  }
0xa5: {  	(v2sf) =	vpush v5, $0x4;
	s7 =	simm.s32 $0x44F0;
	s15 =	sor.u32 $0x5E0, s21;
	s17 =	sor.u32 $0x5A0, s21;
	v12 =	vld [tilespmem:s8+$0x0]  }
0xa6: {  	(v2sf) =	vpush v6, $0x4;
	s24 =	sld [smem:$0x7ED];
	s1 =	sor.u32 $0x4B0, s21;
	s15 =	smov.u32 @p0 s17  }
0xa7: {  	p5 =	por p0, p0;
	s17 =	simm.s32 $0x46C0;
	p0 =	seq.s32 s25, $0x1  }
0xa8: {  	s13 =	sor.u32 $0x650, s21;
	p2 =	seq.s32 s31, $0x1;
	s10 =	sor.u32 $0x610, s21  }
0xa9: {  	p3 =	seq.s32 s24, $0x1;
	s13 =	smov.u32 @p1 s10;
	s10 =	simm.s32 $0x4680  }
0xaa: {  	s19 =	simm.s32 $0x45E0;
	s17 =	smov.u32 @p2 s10;
	p2 =	seq.s32 s26, $0x0;
	[tilespmem:$0x1FF60] =	vst v12  }
0xab: {  	s14 =	simm.s32 $0x4650;
	s9 =	simm.s32 $0x4610;
	s0 =	smov.u32 @p2 s1;
	v27 =	vld [tilespmem:s15+$0x0]  }
0xac: {  	s19 =	smov.u32 @p3 s18;
	s14 =	smov.u32 @p0 s9;
	s9 =	spop (v2sf);
	(v2sf) =	vpush v5, $0x3;
	v12 =	vld [tilespmem:s0+$0x0]  }
0xad: {  	s5 =	simm.s32 $0x44B0;
	s3 =	sor.u32 $0x470, s21;
	s23 =	sor.u32 $0x270, s21;
	(v2sf) =	vpush v6, $0x3;
	v29 =	vld [tilespmem:s19+$0x0]  }
0xae: {  	s25 =	simm.s32 $0x4270;
	s2 =	sor.u32 $0x600, s21;
	s10 =	sor.u32 $0x640, s21;
	v35 =	vld [tilespmem:s13+$0x0]  }
0xaf: {  	s6 =	sor.u32 $0x430, s21;
	s10 =	smov.u32 @p1 s2;
	p1 =	seq.s32 s9, $0x0;
	(v2sf) =	vpush v5, $0x2;
	v37 =	vld [tilespmem:s14+$0x0]  }
0xb0: {  	v7 =	vmul.f32 v7, v8;
	s2 =	sor.u32 $0x560, s21;
	s7 =	smov.u32 @p1 s5;
	s8 =	sor.u32 $0x520, s21;
	v40 =	vld [tilespmem:s12+$0x0]  }
0xb1: {  	v13 =	vmul.f32 v13, v20;
	v9 =	vmul.f32 v42, v9;
	s2 =	smov.u32 @p6 s8;
	s8 =	sor.u32 $0x5D0, s21;
	s13 =	sor.u32 $0x590, s21;
	v43 =	vld [tilespmem:s17+$0x0];
	[tilespmem:$0x1FF70] =	vst v12  }
0xb2: {  	v54 =	vmul.f32 v54, v21;
	v7 =	vadd.f32 $0.0e+00, v7;
	s12 =	simm.s32 $0x45D0;
	s8 =	smov.u32 @p5 s13;
	s13 =	simm.s32 $0x4590;
	v12 =	vld [tilespmem:s7+$0x0]  }
0xb3: {  	v13 =	vadd.f32 $0.0e+00, v13;
	v9 =	vadd.f32 $0.0e+00, v9;
	v8 =	vmul.f32 v62, v61;
	s14 =	simm.s32 $0x4600;
	s12 =	smov.u32 @p3 s13;
	s13 =	simm.s32 $0x4640  }
0xb4: {  	v61 =	vmul.f32 v57, v55;
	v7 =	vadd.f32 v54, v7;
	s24 =	sor.u32 $0x2F0, s21;
	s13 =	smov.u32 @p0 s14;
	s14 =	spop (v2sf);
	(v2sf) =	vpush v5, $0x0  }
0xb5: {  	v20 =	vmul.f32 v50, v28;
	v8 =	vadd.f32 v8, v9;
	v9 =	vld [tilespmem:$0x1FF90];
	s4 =	simm.s32 $0x4470;
	s11 =	simm.s32 $0x4430;
	s17 =	spop (v2sf);
	(v2sf) =	vpush v6, $0x0  }
0xb6: {  	v10 =	vmul.f32 v10, v25;
	s16 =	simm.s32 $0x4520;
	s18 =	sld [smem:$0x7F0];
	s15 =	simm.s32 $0x4560;
	(v2sf) =	vpush v5, $0x1;
	v5 =	vadd.f32 v61, v7;
	v7 =	vld [tilespmem:$0x1FFB0]  }
0xb7: {  	v4 =	vmul.f32 v4, v39;
	s9 =	sor.u32 $0x4E0, s21;
	s15 =	smov.u32 @p4 s16;
	s16 =	sor.u32 $0x4A0, s21;
	[tilespmem:$0x1FF80] =	vst v12;
	v12 =	vld [tilespmem:$0x1FFA0]  }
0xb8: {  	v58 =	vmul.f32 v58, v56;
	v13 =	vadd.f32 v20, v13;
	v10 =	vadd.f32 $0.0e+00, v10;
	s1 =	sor.u32 $0x3F0, s21;
	s9 =	smov.u32 @p2 s16;
	s16 =	simm.s32 @!p1 $0x0;
	v25 =	vld [tilespmem:s2+$0x0]  }
0xb9: {  	v22 =	vmul.f32 v22, v33;
	v33 =	vmul.f32 v36, v23;
	s5 =	sor.u32 $0x3B0, s21;
	s0 =	sor.u32 $0x580, s21;
	s16 =	simm.s32 @p1 $0x1;
	v28 =	vld [tilespmem:s15+$0x0]  }
0xba: {  	v23 =	vmul.f32 v45, v38;
	v4 =	vadd.f32 v4, v13;
	v10 =	vadd.f32 v58, v10;
	p0 =	por p6, p6;
	p4 =	seq.s32 s14, $0x0;
	s14 =	simm.s32 $0x44E0;
	v39 =	vld [tilespmem:s8+$0x0]  }
0xbb: {  	v13 =	vmul.f32 v53, v47;
	s3 =	smov.u32 @p4 s6;
	s19 =	spop (v2sf);
	s7 =	sor.u32 $0x5C0, s21;
	v42 =	vld [tilespmem:s12+$0x0]  }
0xbc: {  	v4 =	vadd.f32 v22, v4;
	v10 =	vadd.f32 v23, v10;
	s6 =	simm.s32 $0x4460;
	s20 =	spop (v2sf);
	s7 =	smov.u32 @p5 s0;
	v50 =	vld [tilespmem:s10+$0x0]  }
0xbd: {  	v8 =	vadd.f32 v13, v8;
	p5 =	seq.s32 s17, $0x0;
	s0 =	sor.u32 $0x370, s21;
	v56 =	vld [tilespmem:s13+$0x0];
	[smem:$0x7F6] =	sst s16;
	v9 =	vmul.f32 v12, v9  }
0xbe: {  	v58 =	vperm.xlane v4, v0;
	v10 =	vadd.f32 v33, v10;
	s26 =	spop (v2sf);
	s4 =	smov.u32 @p5 s11;
	s11 =	sor.u32 $0x550, s21;
	v20 =	vld [tilespmem:s3+$0x0]  }
0xbf: {  	v7 =	vmul.f32 v34, v7;
	s15 =	simm.s32 $0x44A0;
	s2 =	sor.u32 $0x330, s21;
	s8 =	sor.u32 $0x460, s21;
	v22 =	vld [tilespmem:s4+$0x0];
	v8 =	vadd.f32 v9, v8  }
0xc0: {  	v4 =	vadd.f32 v4, v58;
	v13 =	vperm.xlane v10, v0;
	s12 =	sor.u32 $0x420, s21;
	s10 =	simm.s32 $0x4420;
	s13 =	sor.u32 $0x510, s21;
	v21 =	vld [tilespmem:s9+$0x0]  }
0xc1: {  	v11 =	vmul.f32 v11, v30;
	s16 =	sor.u32 $0x230, s21;
	v5 =	vadd.f32 v7, v5;
	s14 =	smov.u32 @p1 s15;
	s15 =	simm.s32 $0x4550;
	v55 =	vld [tilespmem:s7+$0x0];
	v7 =	vperm.xlane v8, v0  }
0xc2: {  	(v2sf) =	vpush v6, $0x2;
	s3 =	simm.s32 $0x4510;
	s11 =	smov.u32 @p6 s13;
	p6 =	seq.s32 s18, $0x1;
	v23 =	vld [tilespmem:s14+$0x0];
	v9 =	vadd.f32 v10, v13;
	v10 =	vperm.xlane v4, v1  }
0xc3: {  	(v2sf) =	vpush v6, $0x1;
	s4 =	simm.s32 $0x4580;
	s15 =	smov.u32 @p6 s3;
	s3 =	simm.s32 $0x45C0;
	v45 =	vld [tilespmem:s11+$0x0];
	v6 =	vadd.f32 v8, v7;
	v7 =	vperm.xlane v5, v0  }
0xc4: {  	s8 =	smov.u32 @p4 s12;
	s3 =	smov.u32 @p3 s4;
	p3 =	seq.s32 s19, $0x0;
	v47 =	vld [tilespmem:s15+$0x0];
	v4 =	vadd.f32 v4, v10;
	v10 =	vmul.f32 v60, v59;
	v8 =	vadd.f32 $0.0e+00, v11  }
0xc5: {  	s6 =	smov.u32 @p5 s10;
	s9 =	simm.s32 @!p2 $0x0;
	s1 =	smov.u32 @p3 s5;
	v58 =	vld [tilespmem:s3+$0x0];
	v7 =	vadd.f32 v5, v7;
	v5 =	vperm.xlane v6, v1  }
0xc6: {  	s7 =	simm.s32 $0x44D0;
	s31 =	sld [smem:$0x7F6];
	s9 =	simm.s32 @p2 $0x1;
	v13 =	vld [tilespmem:s1+$0x0];
	v8 =	vadd.f32 v10, v8;
	v10 =	vmul.f32 v48, v41  }
0xc7: {  	s4 =	sor.u32 $0x4D0, s21;
	s5 =	sor.u32 $0x3E0, s21;
	s3 =	sor.u32 $0x490, s21;
	v30 =	vperm.xlane v9, v1;
	v6 =	vadd.f32 v6, v5;
	v5 =	vld [tilespmem:$0x1FFC0]  }
0xc8: {  	s4 =	smov.u32 @p2 s3;
	s3 =	simm.s32 $0x4490;
	[smem:$0x7F1] =	sst s9;
	v8 =	vadd.f32 v10, v8;
	v10 =	vld [tilespmem:$0x1FFD0]  }
0xc9: {  	p2 =	por p4, p4;
	s7 =	smov.u32 @p1 s3;
	s3 =	sor.u32 $0x500, s21;
	v33 =	vld [tilespmem:s8+$0x0];
	v9 =	vadd.f32 v9, v30  }
0xca: {  	s9 =	simm.s32 $0x43A0;
	p1 =	seq.s32 s20, $0x0;
	s1 =	simm.s32 @!p3 $0x0;
	v36 =	vld [tilespmem:s6+$0x0]  }
0xcb: {  	s8 =	sor.u32 $0x540, s21;
	s6 =	sor.u32 $0x3A0, s21;
	v34 =	vld [tilespmem:s4+$0x0];
	s4 =	simm.s32 $0x4540;
	v30 =	vperm.xlane v9, v2  }
0xcc: {  	v38 =	vld [tilespmem:s7+$0x0];
	s8 =	smov.u32 @p0 s3;
	p0 =	seq.s32 s26, $0x0;
	s3 =	simm.s32 $0x4500  }
0xcd: {  	s7 =	simm.s32 $0x43E0;
	s4 =	smov.u32 @p6 s3;
	s3 =	simm.s32 @!p0 $0x0;
	v62 =	vmul.f32 v10, v5;
	v5 =	vadd.f32 v9, v30;
	v9 =	vld [tilespmem:$0x1FFE0]  }
0xce: {  	s1 =	simm.s32 @p3 $0x1;
	s5 =	smov.u32 @p3 s6;
	s3 =	simm.s32 @p0 $0x1;
	v10 =	vld [tilespmem:$0x1FFF0]  }
0xcf: {  	s6 =	sor.u32 $0x410, s21;
	s7 =	smov.u32 @p1 s9;
	v57 =	vld [tilespmem:s8+$0x0];
	[smem:$0x7F2] =	sst s3  }
0xd0: {  	s0 =	smov.u32 @p0 s2;
	s2 =	sor.u32 $0x320, s21;
	s8 =	simm.s32 $0x4410;
	v11 =	vperm.xlane v4, v2;
	v59 =	vld [tilespmem:s4+$0x0]  }
0xd1: {  	s3 =	spop (v2sf);
	v30 =	vld [tilespmem:s0+$0x0];
	[smem:$0x7F3] =	sst s1;
	s1 =	simm.s32 @!p1 $0x0  }
0xd2: {  	s4 =	spop (v2sf);
	v4 =	vadd.f32 v4, v11;
	v11 =	vperm.xlane v7, v1;
	s0 =	sor.u32 $0x450, s21;
	s1 =	simm.s32 @p1 $0x1  }
0xd3: {  	v41 =	vld [tilespmem:s5+$0x0];
	s0 =	smov.u32 @p4 s6;
	s5 =	sor.u32 $0x4C0, s21;
	[smem:$0x7F4] =	sst s1;
	v53 =	vmul.f32 v10, v9;
	v9 =	vperm.xlane v6, v2  }
0xd4: {  	v11 =	vadd.f32 v7, v11;
	s6 =	sor.u32 $0x480, s21;
	s1 =	simm.s32 $0x4450;
	v10 =	vmul.f32 v51, v46;
	v51 =	vmul.f32 v44, v63;
	v44 =	vld [tilespmem:s0+$0x0];
	s0 =	simm.s32 @!p5 $0x0  }
0xd5: {  	v7 =	vmul.f32 v52, v49;
	s1 =	smov.u32 @p5 s8;
	v46 =	vld [tilespmem:s7+$0x0];
	s7 =	simm.s32 $0x1;
	s0 =	simm.s32 @p5 $0x1  }
0xd6: {  	v49 =	vperm.xlane v11, v2;
	v8 =	vadd.f32 v62, v8;
	p5 =	seq.s32 s31, $0x1;
	[smem:$0x7F5] =	sst s0;
	s0 =	simm.s32 $0x44C0;
	v6 =	vadd.f32 v6, v9  }
.LBB2_2:
0xd7: {  	[dreg:$0x5] =	wrdreg s7;
	p3 =	sne.s32 s7, $0x7  }
0xd8: {  	s18 =	sld [smem:$0x7F1];
	v52 =	vperm.xlane v8, v0;
	s7 =	simm.s32 @!p3 $0x0  }
0xd9: {  	s26 =	sld [smem:$0x7F4];
	v12 =	vld [tilespmem:$0x1FF30];
	s7 =	simm.s32 @p3 $0x1  }
0xda: {  	v60 =	vmul.f32 v26, v24;
	s19 =	spop (v2sf);
	p3 =	seq.s32 s3, $0x0;
	v62 =	vadd.f32 v8, v52;
	v52 =	vmul.f32 v59, v57;
	v59 =	vld [tilespmem:$0x1FF60];
	[smem:$0x7E8] =	sst s7  }
0xdb: {  	v54 =	vmul.f32 v17, v14;
	v40 =	vmul.f32 v43, v40;
	s31 =	sld [smem:$0x7F5];
	v9 =	vadd.f32 $0.0e+00, v51;
	p4 =	seq.s32 s19, $0x0;
	s23 =	smov.u32 @p3 s16;
	v48 =	vld [tilespmem:s1+$0x0]  }
0xdc: {  	v61 =	vmul.f32 v19, v16;
	v63 =	vmul.f32 v58, v55;
	v14 =	vadd.f32 v11, v49;
	s24 =	smov.u32 @p4 s28;
	p1 =	seq.s32 s18, $0x1;
	s1 =	sadd.s32 $0x4480, s21;
	v17 =	vld [tilespmem:s23+$0x0]  }
0xdd: {  	v31 =	vmul.f32 v32, v31;
	v19 =	vadd.f32 $0.0e+00, v40;
	v9 =	vadd.f32 v60, v9;
	s5 =	smov.u32 @p1 s6;
	v16 =	vld [tilespmem:s24+$0x0];
	s0 =	smov.u32 @p5 s1;
	p5 =	seq.s32 s4, $0x0  }
0xde: {  	s8 =	sadd.s32 $0x4220, s21;
	v51 =	vmul.f32 v42, v39;
	v8 =	vmul.f32 v56, v50;
	v32 =	vadd.f32 $0.0e+00, v63;
	s23 =	sld [smem:$0x7F2];
	v24 =	vld [tilespmem:s5+$0x0];
	s25 =	smov.u32 @p5 s29  }
0xdf: {  	v35 =	vmul.f32 v37, v35;
	s3 =	sor.u32 $0x260, s21;
	s7 =	sadd.s32 $0x4260, s21;
	v31 =	vadd.f32 v31, v19;
	v7 =	vadd.f32 v7, v9;
	v11 =	vld [tilespmem:s25+$0x0];
	s25 =	sld [smem:$0x7F3]  }
0xe0: {  	v27 =	vmul.f32 v29, v27;
	v50 =	vadd.f32 $0.0e+00, v8;
	s6 =	sadd.s32 $0x4390, s21;
	v32 =	vadd.f32 v51, v32;
	s4 =	sor.u32 $0x220, s21;
	s5 =	sor.u32 $0x3D0, s21;
	v26 =	vld [tilespmem:s0+$0x0]  }
0xe1: {  	v15 =	vmul.f32 v18, v15;
	v18 =	vadd.f32 v61, v31;
	s3 =	smov.u32 @p3 s4;
	s7 =	smov.u32 @p5 s8;
	p0 =	seq.s32 s23, $0x1;
	v7 =	vadd.f32 v53, v7;
	v53 =	vld [tilespmem:$0x1FF40]  }
0xe2: {  	v27 =	vadd.f32 v27, v32;
	v32 =	vld [tilespmem:s3+$0x0];
	s30 =	smov.u32 @p0 s2;
	s2 =	sor.u32 $0x390, s21;
	p6 =	seq.s32 s25, $0x1  }
0xe3: {  	p1 =	seq.s32 s26, $0x1;
	v35 =	vadd.f32 v35, v50;
	v40 =	vld [tilespmem:s7+$0x0];
	v10 =	vadd.f32 v10, v18;
	v18 =	vperm.xlane v7, v0;
	s5 =	smov.u32 @p6 s2;
	s2 =	sadd.s32 $0x43D0, s21  }
0xe4: {  	v37 =	vadd.f32 $0.0e+00, v52;
	v19 =	vld [tilespmem:s5+$0x0];
	s2 =	smov.u32 @p1 s6;
	s5 =	sor.u32 $0x440, s21;
	s6 =	sor.u32 $0x400, s21  }
0xe5: {  	v55 =	vmul.f32 v47, v45;
	v15 =	vadd.f32 v15, v35;
	v8 =	vld [tilespmem:s30+$0x0];
	v7 =	vadd.f32 v7, v18;
	s5 =	smov.u32 @p2 s6  }
0xe6: {  	v25 =	vmul.f32 v28, v25;
	v12 =	vmul.f32 v53, v12;
	v31 =	vld [tilespmem:s2+$0x0];
	s2 =	sadd.s32 $0x4440, s21;
	s6 =	sadd.s32 $0x4400, s21;
	p2 =	seq.s32 s31, $0x1  }
0xe7: {  	v37 =	vadd.f32 v55, v37;
	v15 =	vadd.f32 v54, v15;
	v57 =	vperm.xlane v7, v1;
	v29 =	vld [tilespmem:s5+$0x0];
	s2 =	smov.u32 @p2 s6  }
0xe8: {  	s4 =	sor.u32 $0x2E0, s21;
	s5 =	sor.u32 $0x2A0, s21;
	v12 =	vadd.f32 v12, v27;
	v35 =	vld [tilespmem:s2+$0x0]  }
0xe9: {  	s3 =	sor.u32 $0x310, s21;
	v56 =	vperm.xlane v15, v0;
	s2 =	sor.u32 $0x350, s21;
	s4 =	smov.u32 @p4 s5;
	v39 =	vadd.f32 v7, v57;
	v7 =	vadd.f32 v25, v37;
	v25 =	vld [tilespmem:$0x1FF50]  }
0xea: {  	s7 =	sadd.s32 $0x4210, s21;
	s5 =	sadd.s32 $0x4250, s21;
	v18 =	vld [tilespmem:s4+$0x0];
	s2 =	smov.u32 @p0 s3  }
0xeb: {  	v15 =	vadd.f32 v15, v56;
	s3 =	sor.u32 $0x3C0, s21;
	s4 =	sor.u32 $0x380, s21;
	v28 =	vperm.xlane v12, v0;
	s5 =	smov.u32 @p5 s7;
	v27 =	vld [tilespmem:s2+$0x0]  }
0xec: {  	v9 =	vperm.xlane v62, v1;
	s8 =	sor.u32 $0x210, s21;
	v54 =	vperm.xlane v10, v0;
	s6 =	sor.u32 $0x250, s21;
	s3 =	smov.u32 @p6 s4;
	v47 =	vld [tilespmem:s5+$0x0]  }
0xed: {  	s6 =	smov.u32 @p3 s8;
	v60 =	vperm.xlane v15, v1;
	v42 =	vld [tilespmem:s3+$0x0];
	v12 =	vadd.f32 v12, v28  }
0xee: {  	v22 =	vmul.f32 v22, v20;
	s20 =	spop (v2sf);
	v9 =	vadd.f32 v62, v9;
	v10 =	vadd.f32 v10, v54;
	s2 =	sadd.s32 $0x43C0, s21;
	s4 =	sadd.s32 $0x4380, s21;
	v28 =	vld [tilespmem:s6+$0x0]  }
0xef: {  	s24 =	spop (v2sf);
	s1 =	sadd.s32 $0x4280, s21;
	s2 =	smov.u32 @p1 s4;
	v15 =	vadd.f32 v15, v60;
	v60 =	vld [tilespmem:$0x1FF80];
	v25 =	vmul.f32 v59, v25;
	v62 =	vperm.xlane v12, v1  }
0xf0: {  	v21 =	vmul.f32 v23, v21;
	v34 =	vmul.f32 v38, v34;
	s0 =	sadd.s32 $0x4300, s21;
	s3 =	sor.u32 $0x2D0, s21;
	s4 =	sor.u32 $0x290, s21;
	v45 =	vld [tilespmem:s2+$0x0]  }
0xf1: {  	v58 =	vperm.xlane v10, v1;
	s8 =	sadd.s32 $0x4200, s21;
	s5 =	sadd.s32 $0x4240, s21;
	s3 =	smov.u32 @p4 s4;
	v25 =	vadd.f32 v25, v7;
	v49 =	vadd.f32 v12, v62;
	v12 =	vld [tilespmem:$0x1FF70]  }
0xf2: {  	v41 =	vmul.f32 v46, v41;
	v24 =	vmul.f32 v26, v24;
	s6 =	sor.u32 $0x300, s21;
	s5 =	smov.u32 @p5 s8;
	s2 =	sor.u32 $0x340, s21;
	v51 =	vld [tilespmem:s3+$0x0]  }
0xf3: {  	v61 =	vperm.xlane v9, v2;
	v10 =	vadd.f32 v10, v58;
	s7 =	sor.u32 $0x240, s21;
	s2 =	smov.u32 @p0 s6;
	s3 =	sor.u32 $0x200, s21;
	v59 =	vld [tilespmem:s5+$0x0];
	v58 =	vperm.xlane v25, v0  }
0xf4: {  	v48 =	vmul.f32 v48, v44;
	v26 =	vmul.f32 v36, v33;
	v24 =	vadd.f32 $0.0e+00, v24;
	s6 =	sor.u32 $0x2C0, s21;
	v57 =	vld [tilespmem:s2+$0x0];
	s7 =	smov.u32 @p3 s3;
	s2 =	sor.u32 $0x280, s21  }
0xf5: {  	p2 =	seq.s32 s24, $0x0;
	s3 =	sadd.s32 $0x42C0, s21;
	v7 =	vadd.f32 v9, v61;
	v61 =	vld [tilespmem:s7+$0x0];
	s6 =	smov.u32 @p4 s2;
	v20 =	vadd.f32 v25, v58;
	v25 =	vperm.xlane v49, v2  }
0xf6: {  	s4 =	sadd.s32 $0x4340, s21;
	p0 =	seq.s32 s20, $0x0;
	s3 =	smov.u32 @p2 s1;
	v62 =	vld [tilespmem:s6+$0x0];
	v50 =	vmul.f32 v60, v12;
	v12 =	vperm.xlane v15, v2  }
0xf7: {  	v11 =	vmul.f32 v11, v17;
	v24 =	vadd.f32 v34, v24;
	v56 =	vperm.xlane v10, v2;
	s4 =	smov.u32 @p0 s0;
	s1 =	sadd.s32 $0x42D0, s21;
	s2 =	sadd.s32 $0x4290, s21;
	v23 =	vld [tilespmem:s3+$0x0]  }
0xf8: {  	v29 =	vmul.f32 v35, v29;
	s0 =	sadd.s32 $0x4350, s21;
	s1 =	smov.u32 @p2 s2;
	s2 =	sadd.s32 $0x4310, s21;
	v12 =	vadd.f32 v15, v12;
	v15 =	vadd.f32 v49, v25;
	v25 =	vld [tilespmem:s4+$0x0]  }
0xf9: {  	v63 =	vperm.xlane v39, v2;
	v21 =	vadd.f32 v21, v24;
	v19 =	vmul.f32 v31, v19;
	s3 =	sadd.s32 $0x42A0, s21;
	v46 =	vld [tilespmem:s1+$0x0];
	s1 =	sadd.s32 $0x42E0, s21;
	s0 =	smov.u32 @p0 s2  }
0xfa: {  	v31 =	vmul.f32 v40, v32;
	v10 =	vadd.f32 v10, v56;
	v29 =	vadd.f32 $0.0e+00, v29;
	s2 =	sadd.s32 $0x4320, s21;
	s1 =	smov.u32 @p2 s3;
	v17 =	vld [tilespmem:s0+$0x0];
	s0 =	sadd.s32 $0x4360, s21  }
0xfb: {  	v9 =	vadd.f32 v39, v63;
	v24 =	vmul.f32 v47, v28;
	s3 =	sadd.s32 $0x42B0, s21;
	s0 =	smov.u32 @p0 s2;
	v54 =	vmul.f32 v59, v61;
	v49 =	vld [tilespmem:s1+$0x0];
	s1 =	sadd.s32 $0x42F0, s21  }
0xfc: {  	v53 =	vmul.f32 v45, v42;
	v29 =	vadd.f32 v48, v29;
	s2 =	sadd.s32 $0x4330, s21;
	v55 =	vld [tilespmem:s0+$0x0];
	s0 =	sadd.s32 $0x4370, s21;
	v23 =	vmul.f32 v23, v62;
	s1 =	smov.u32 @p2 s3  }
0xfd: {  	v63 =	vperm.xlane v20, v1;
	s0 =	smov.u32 @p0 s2;
	s2 =	sadd.s32 $0x43B0, s21;
	v34 =	vadd.f32 $0.0e+00, v54;
	v28 =	vld [tilespmem:s1+$0x0];
	s1 =	sadd.s32 $0x43F0, s21;
	v25 =	vmul.f32 v25, v57  }
0xfe: {  	v56 =	vmul.f32 v46, v51;
	v21 =	vadd.f32 v50, v21;
	v23 =	vadd.f32 $0.0e+00, v23;
	s1 =	smov.u32 @p1 s2;
	v57 =	vld [tilespmem:s0+$0x0]  }
0xff: {  	v17 =	vmul.f32 v17, v27;
	v24 =	vadd.f32 v24, v34;
	v58 =	vld [tilespmem:s1+$0x0];
	v25 =	vadd.f32 $0.0e+00, v25  }
0x100: {  	v27 =	vadd.f32 $0.0e+00, v53;
	v23 =	vadd.f32 v56, v23;
	v18 =	vmul.f32 v49, v18  }
0x101: {  	v8 =	vmul.f32 v55, v8;
	v24 =	vadd.f32 v31, v24;
	v17 =	vadd.f32 v17, v25  }
0x102: {  	v19 =	vadd.f32 v19, v27;
	v18 =	vadd.f32 v18, v23;
	v16 =	vmul.f32 v28, v16  }
0x103: {  	v11 =	vadd.f32 v11, v24;
	v8 =	vadd.f32 v8, v17;
	v17 =	vmul.f32 v57, v30  }
0x104: {  	v19 =	vadd.f32 v41, v19;
	v16 =	vadd.f32 v16, v18;
	v13 =	vmul.f32 v58, v13  }
0x105: {  	v23 =	vperm.xlane v11, v0;
	v8 =	vadd.f32 v17, v8;
	v17 =	vadd.f32 v26, v29  }
0x106: {  	v20 =	vadd.f32 v20, v63;
	v24 =	vperm.xlane v16, v0;
	v13 =	vadd.f32 v13, v19  }
0x107: {  	v11 =	vadd.f32 v11, v23;
	v19 =	vperm.xlane v8, v0;
	v17 =	vadd.f32 v22, v17  }
0x108: {  	v18 =	vperm.xlane v20, v2;
	v16 =	vadd.f32 v16, v24;
	v22 =	vperm.xlane v13, v0  }
0x109: {  	v24 =	vperm.xlane v11, v1;
	v8 =	vadd.f32 v8, v19;
	v19 =	vperm.xlane v17, v0  }
0x10a: {  	v23 =	vperm.xlane v21, v0;
	v25 =	vperm.xlane v16, v1;
	v13 =	vadd.f32 v13, v22  }
0x10b: {  	v11 =	vadd.f32 v11, v24;
	v22 =	vperm.xlane v8, v1;
	v17 =	vadd.f32 v17, v19  }
0x10c: {  	v16 =	vadd.f32 v16, v25;
	v19 =	vadd.f32 v21, v23;
	v21 =	vperm.xlane v13, v1  }
0x10d: {  	v24 =	vperm.xlane v11, v2;
	v8 =	vadd.f32 v8, v22;
	v22 =	vperm.xlane v17, v1  }
0x10e: {  	v25 =	vperm.xlane v16, v2;
	v23 =	vperm.xlane v19, v1;
	v13 =	vadd.f32 v13, v21  }
0x10f: {  	v11 =	vadd.f32 v11, v24;
	v21 =	vperm.xlane v8, v2;
	v17 =	vadd.f32 v17, v22  }
0x110: {  	v16 =	vadd.f32 v16, v25;
	v19 =	vadd.f32 v19, v23;
	v22 =	vperm.xlane v13, v2  }
0x111: {  	v24 =	vperm.xlane v11, v3;
	v8 =	vadd.f32 v8, v21;
	v21 =	vperm.xlane v17, v2  }
0x112: {  	v25 =	vperm.xlane v16, v3;
	v23 =	vperm.xlane v19, v2;
	v13 =	vadd.f32 v13, v22  }
0x113: {  	v11 =	vadd.f32 v11, v24;
	v22 =	vperm.xlane v8, v3;
	v17 =	vadd.f32 v17, v21  }
0x114: {  	v16 =	vadd.f32 v16, v25;
	v19 =	vadd.f32 v19, v23;
	v21 =	vperm.xlane v13, v3  }
0x115: {  	v18 =	vadd.f32 v20, v18;
	v8 =	vadd.f32 v8, v22;
	v22 =	vperm.xlane v17, v3  }
0x116: {  	v11 =	vsel vm0, v11, v16;
	v13 =	vadd.f32 v13, v21;
	v16 =	vperm.xlane v19, v3  }
0x117: {  	v8 =	vsel vm1, v11, v8;
	v11 =	vadd.f32 v17, v22;
	v17 =	vperm.xlane v18, v3  }
0x118: {  	v8 =	vsel vm2, v8, v13;
	v13 =	vadd.f32 v19, v16;
	v16 =	vperm.xlane v15, v3  }
0x119: {  	v8 =	vsel vm3, v8, v11;
	v11 =	vadd.f32 v18, v17;
	v17 =	vperm.xlane v12, v3  }
0x11a: {  	v8 =	vsel vm4, v8, v13;
	v13 =	vadd.f32 v15, v16;
	v15 =	vperm.xlane v10, v3  }
0x11b: {  	s8 =	rddreg [dreg:$0x5];
	v8 =	vsel vm5, v8, v11;
	v11 =	vadd.f32 v12, v17;
	v12 =	vperm.xlane v9, v3  }
0x11c: {  	s9 =	sshll.u32 s8, $0x4;
	v8 =	vsel vm6, v8, v13;
	v10 =	vadd.f32 v10, v15;
	v13 =	vperm.xlane v7, v3  }
0x11d: {  	v15 =	vld [tilespmem:s9+$0x100];
	v8 =	vsel vm7, v8, v11;
	v9 =	vadd.f32 v9, v12;
	v11 =	vperm.xlane v14, v3  }
0x11e: {  	v12 =	vld [tilespmem:s9+$0x180];
	v8 =	vsel vm8, v8, v10;
	v7 =	vadd.f32 v7, v13;
	v10 =	vperm.xlane v6, v3  }
0x11f: {  	s10 =	rddreg [dreg:$0x5];
	v8 =	vsel vm9, v8, v9;
	v9 =	vadd.f32 v14, v11  }
0x120: {  	s21 =	sshll.u32 s10, $0xB;
	v11 =	vperm.xlane v5, v3;
	v7 =	vsel vm10, v8, v7;
	v6 =	vadd.f32 v6, v10  }
0x121: {  	[dreg:$0x6] =	wrdreg s9;
	s26 =	sor.u32 $0x7B0, s21;
	v8 =	vperm.xlane v4, v3;
	v7 =	vsel vm11, v7, v9  }
0x122: {  	s1 =	sadd.s32 $0x9B0, s21;
	[dreg:$0x1f] =	wrdreg s26;
	v9 =	vadd.f32 v5, v11;
	v5 =	vand.u32 $0x1, v15;
	v6 =	vsel vm12, v7, v6  }
0x123: {  	s11 =	sadd.s32 $0x49B0, s21;
	[smem:$0x7B9] =	sst s1;
	v7 =	vadd.f32 v4, v8;
	v4 =	vand.u32 $0x1, v12;
	(v2sf) =	vpush v5, $0xF  }
0x124: {  	s12 =	sadd.s32 $0x930, s21;
	[smem:$0x7BA] =	sst s11;
	(v2sf) =	vpush v4, $0xF  }
0x125: {  	s13 =	sadd.s32 $0x4930, s21;
	[smem:$0x7BB] =	sst s12  }
0x126: {  	s14 =	sadd.s32 $0x8B0, s21;
	[smem:$0x7BC] =	sst s13  }
0x127: {  	s15 =	sadd.s32 $0x48B0, s21;
	[smem:$0x7BF] =	sst s14  }
0x128: {  	s18 =	sadd.s32 $0x9A0, s21;
	[smem:$0x7C0] =	sst s15;
	(v2sf) =	vpush v5, $0xE  }
0x129: {  	s20 =	sadd.s32 $0x49A0, s21;
	[smem:$0x7BD] =	sst s18  }
0x12a: {  	s4 =	smov.u32 s22;
	s22 =	sadd.s32 $0x830, s21;
	[smem:$0x7BE] =	sst s20  }
0x12b: {  	s23 =	sadd.s32 $0x4830, s21;
	[smem:$0x7C5] =	sst s22  }
0x12c: {  	s25 =	sadd.s32 $0x920, s21;
	[smem:$0x7C6] =	sst s23;
	(v2sf) =	vpush v4, $0xE  }
0x12d: {  	s31 =	sadd.s32 $0x4920, s21;
	[smem:$0x7C1] =	sst s25  }
0x12e: {  	s2 =	sadd.s32 $0x8A0, s21;
	[smem:$0x7C2] =	sst s31  }
0x12f: {  	s3 =	sadd.s32 $0x48A0, s21;
	[smem:$0x7C7] =	sst s2  }
0x130: {  	s26 =	sadd.s32 $0x820, s21;
	[smem:$0x7C8] =	sst s3  }
0x131: {  	[smem:$0x7CD] =	sst s26;
	s0 =	sadd.s32 $0x4980, s21  }
0x132: {  	s14 =	sadd.s32 $0x4990, s21;
	[smem:$0x7CC] =	sst s0;
	s0 =	spop (v2sf)  }
0x133: {  	[smem:$0x7C4] =	sst s14;
	p5 =	seq.s32 s0, $0x0;
	s0 =	spop (v2sf)  }
0x134: {  	s31 =	sadd.s32 $0x4820, s21;
	p3 =	seq.s32 s0, $0x0;
	s0 =	sld [smem:$0x7B9]  }
0x135: {  	s2 =	sadd.s32 $0x910, s21;
	[smem:$0x7CE] =	sst s31  }
0x136: {  	s24 =	sadd.s32 $0x9F0, s21;
	[smem:$0x7C9] =	sst s2;
	s14 =	sadd.s32 $0x4910, s21;
	(v2sf) =	vpush v5, $0xD  }
0x137: {  	[smem:$0x7CA] =	sst s14;
	(v2sf) =	vpush v4, $0xD;
	s24 =	smov.u32 @p5 s0;
	s0 =	spop (v2sf)  }
0x138: {  	s2 =	sadd.s32 $0x46B0, s21;
	p4 =	seq.s32 s0, $0x0;
	s0 =	sld [smem:$0x7BA]  }
0x139: {  	[dreg:$0xc] =	wrdreg s2;
	s14 =	sadd.s32 $0x890, s21  }
0x13a: {  	s2 =	sadd.s32 $0x4890, s21;
	[smem:$0x7D0] =	sst s14;
	s9 =	sadd.s32 $0x49F0, s21;
	v6 =	vsel vm13, v6, v9  }
0x13b: {  	[smem:$0x7D1] =	sst s2;
	v6 =	vsel vm14, v6, v7;
	s9 =	smov.u32 @p3 s0;
	s0 =	spop (v2sf)  }
0x13c: {  	[tilespmem:s4+$0x8200] =	vst v6;
	s4 =	sadd.s32 $0x990, s21;
	p2 =	seq.s32 s0, $0x0;
	s0 =	sld [smem:$0x7BB]  }
0x13d: {  	[smem:$0x7C3] =	sst s4;
	s4 =	sor.u32 $0x6F0, s21  }
0x13e: {  	s16 =	sadd.s32 $0x970, s21;
	[dreg:$0xd] =	wrdreg s4  }
0x13f: {  	s4 =	sor.u32 $0x7A0, s21;
	s16 =	smov.u32 @p4 s0;
	s0 =	sld [smem:$0x7BC]  }
0x140: {  	[dreg:$0x1a] =	wrdreg s4;
	s4 =	sadd.s32 $0x980, s21  }
0x141: {  	s17 =	sadd.s32 $0x4970, s21;
	[smem:$0x7CB] =	sst s4  }
0x142: {  	s17 =	smov.u32 @p2 s0;
	s0 =	sld [smem:$0x7BD]  }
0x143: {  	v23 =	vld [tilespmem:s9+$0x0];
	s9 =	sadd.s32 $0x4630, s21  }
0x144: {  	s11 =	sadd.s32 $0x9E0, s21;
	[dreg:$0xb] =	wrdreg s9  }
0x145: {  	s9 =	spop (v2sf);
	s11 =	smov.u32 @p5 s0;
	s0 =	sld [smem:$0x7BE]  }
0x146: {  	v42 =	vld [tilespmem:s11+$0x0];
	s11 =	spop (v2sf)  }
0x147: {  	s5 =	sadd.s32 $0x49E0, s21;
	p1 =	seq.s32 s11, $0x0  }
0x148: {  	v21 =	vld [tilespmem:s24+$0x0];
	s5 =	smov.u32 @p3 s0;
	s0 =	simm.s32 @!p1 $0x0  }
0x149: {  	(v2sf) =	vpush v5, $0xC;
	v20 =	vld [tilespmem:s16+$0x0];
	s0 =	simm.s32 @p1 $0x1  }
0x14a: {  	v22 =	vld [tilespmem:s17+$0x0];
	[smem:$0x7D3] =	sst s0  }
0x14b: {  	s0 =	sld [smem:$0x7BF]  }
0x14c: {  	s16 =	sor.u32 $0x720, s21  }
0x14d: {  	s10 =	sadd.s32 $0x8F0, s21;
	p6 =	seq.s32 s9, $0x0;
	[smem:$0x7D4] =	sst s16  }
0x14e: {  	s17 =	sadd.s32 $0x4720, s21;
	s10 =	smov.u32 @p6 s0;
	s0 =	sld [smem:$0x7C0]  }
0x14f: {  	(v2sf) =	vpush v4, $0xC;
	v45 =	vld [tilespmem:s5+$0x0];
	[smem:$0x7D5] =	sst s17  }
0x150: {  	s19 =	sadd.s32 $0x48F0, s21;
	v6 =	vld [tilespmem:s10+$0x0]  }
0x151: {  	s19 =	smov.u32 @p1 s0;
	s0 =	sld [smem:$0x7C1];
	_ =	sdelay $0x1  }
0x152: {  	s6 =	sadd.s32 $0x960, s21  }
0x153: {  	s6 =	smov.u32 @p4 s0;
	s0 =	sld [smem:$0x7C2]  }
0x154: {  	s5 =	sadd.s32 $0x4810, s21;
	[tilespmem:$0x1FEC0] =	vst v6  }
0x155: {  	s7 =	sadd.s32 $0x4960, s21;
	v33 =	vld [tilespmem:s19+$0x0];
	[smem:$0x7D2] =	sst s5  }
0x156: {  	s7 =	smov.u32 @p2 s0;
	s0 =	sld [smem:$0x7C3]  }
0x157: {  	s1 =	sadd.s32 $0x47B0, s21;
	v36 =	vld [tilespmem:s6+$0x0];
	s6 =	spop (v2sf)  }
0x158: {  	[dreg:$0x1e] =	wrdreg s1;
	s1 =	sadd.s32 $0x9D0, s21;
	p0 =	seq.s32 s6, $0x0  }
0x159: {  	s1 =	smov.u32 @p5 s0;
	s0 =	simm.s32 @!p0 $0x0  }
0x15a: {  	s0 =	simm.s32 @p0 $0x1  }
0x15b: {  	v38 =	vld [tilespmem:s7+$0x0];
	[smem:$0x7D7] =	sst s0  }
0x15c: {  	s0 =	sld [smem:$0x7C4]  }
0x15d: {  	s7 =	spop (v2sf)  }
0x15e: {  	s3 =	sadd.s32 $0x49D0, s21;
	p1 =	seq.s32 s7, $0x0  }
0x15f: {  	s3 =	smov.u32 @p3 s0;
	s0 =	simm.s32 @!p1 $0x0  }
0x160: {  	s0 =	simm.s32 @p1 $0x1  }
0x161: {  	v39 =	vld [tilespmem:s1+$0x0];
	[smem:$0x7CF] =	sst s0  }
0x162: {  	(v2sf) =	vpush v5, $0xB;
	s0 =	sld [smem:$0x7C5]  }
0x163: {  	s1 =	sld [smem:$0x7C7]  }
0x164: {  	s18 =	sadd.s32 $0x870, s21;
	(v2sf) =	vpush v4, $0xB;
	s7 =	sld [smem:$0x7D3]  }
0x165: {  	s12 =	sadd.s32 $0x8E0, s21;
	s18 =	smov.u32 @p0 s0;
	s0 =	sld [smem:$0x7C6]  }
0x166: {  	s12 =	smov.u32 @p6 s1;
	s1 =	sld [smem:$0x7C8]  }
0x167: {  	s15 =	sadd.s32 $0x4870, s21  }
0x168: {  	s22 =	sadd.s32 $0x48E0, s21;
	s15 =	smov.u32 @p1 s0;
	p1 =	seq.s32 s7, $0x1  }
0x169: {  	s22 =	smov.u32 @p1 s1;
	s1 =	sld [smem:$0x7C9]  }
0x16a: {  	s8 =	sor.u32 $0x770, s21  }
0x16b: {  	[dreg:$0x15] =	wrdreg s8;
	s8 =	sadd.s32 $0x950, s21  }
0x16c: {  	s8 =	smov.u32 @p4 s1;
	s1 =	sld [smem:$0x7CA]  }
0x16d: {  	s20 =	sadd.s32 $0x4770, s21  }
0x16e: {  	[dreg:$0x13] =	wrdreg s20;
	s20 =	sadd.s32 $0x4950, s21  }
0x16f: {  	s20 =	smov.u32 @p2 s1;
	s1 =	sld [smem:$0x7CB]  }
0x170: {  	s9 =	sor.u32 $0x5F0, s21;
	v50 =	vld [tilespmem:s3+$0x0]  }
0x171: {  	s2 =	sadd.s32 $0x9C0, s21;
	[dreg:$0x11] =	wrdreg s9;
	v47 =	vld [tilespmem:s12+$0x0];
	s12 =	spop (v2sf)  }
0x172: {  	v13 =	vld [tilespmem:s18+$0x0];
	s18 =	sor.u32 $0x5B0, s21;
	s2 =	smov.u32 @p5 s1;
	s1 =	sld [smem:$0x7CC]  }
0x173: {  	s9 =	sadd.s32 $0x46A0, s21;
	[dreg:$0x12] =	wrdreg s18;
	s18 =	spop (v2sf);
	v34 =	vld [tilespmem:s15+$0x0]  }
0x174: {  	s4 =	sadd.s32 $0x49C0, s21;
	p0 =	seq.s32 s18, $0x0;
	v55 =	vld [tilespmem:s22+$0x0];
	[smem:$0x7D8] =	sst s9  }
0x175: {  	v56 =	vld [tilespmem:s8+$0x0];
	s4 =	smov.u32 @p3 s1;
	s1 =	simm.s32 @!p0 $0x0  }
0x176: {  	v59 =	vld [tilespmem:s20+$0x0];
	s1 =	simm.s32 @p0 $0x1  }
0x177: {  	(v2sf) =	vpush v5, $0xA;
	v25 =	vld [tilespmem:s2+$0x0];
	[smem:$0x7DB] =	sst s1  }
0x178: {  	s30 =	sor.u32 $0x7F0, s21;
	(v2sf) =	vpush v4, $0xA;
	p5 =	seq.s32 s12, $0x0;
	s1 =	rddreg [dreg:$0x1f]  }
0x179: {  	s13 =	sor.u32 $0x730, s21;
	s30 =	smov.u32 @p5 s1  }
0x17a: {  	s23 =	sadd.s32 $0x4730, s21;
	[dreg:$0x16] =	wrdreg s13;
	v6 =	vld [tilespmem:s30+$0x0]  }
0x17b: {  	[dreg:$0x14] =	wrdreg s23;
	s13 =	sor.u32 $0x6B0, s21  }
0x17c: {  	[dreg:$0xe] =	wrdreg s13;
	s13 =	sadd.s32 $0x47A0, s21  }
0x17d: {  	[dreg:$0x19] =	wrdreg s13  }
0x17e: {  	s25 =	sadd.s32 $0x47F0, s21;
	s19 =	sadd.s32 $0x45F0, s21;
	s1 =	rddreg [dreg:$0x1e]  }
0x17f: {  	[dreg:$0xf] =	wrdreg s19;
	v28 =	vld [tilespmem:s4+$0x0];
	s25 =	smov.u32 @p0 s1;
	[tilespmem:$0x1FED0] =	vst v6  }
0x180: {  	s26 =	sadd.s32 $0x4860, s21;
	s19 =	sld [smem:$0x7D7];
	v6 =	vld [tilespmem:s25+$0x0]  }
0x181: {  	s23 =	sadd.s32 $0x860, s21;
	s13 =	sadd.s32 $0x8D0, s21;
	s1 =	sld [smem:$0x7CD]  }
0x182: {  	s14 =	sadd.s32 $0x48D0, s21;
	s16 =	sadd.s32 $0x4900, s21;
	s7 =	sld [smem:$0x7D0]  }
0x183: {  	s5 =	sadd.s32 $0x940, s21;
	s20 =	sld [smem:$0x7CF];
	p0 =	seq.s32 s19, $0x1  }
0x184: {  	s6 =	sadd.s32 $0x900, s21;
	s23 =	smov.u32 @p0 s1;
	s1 =	sld [smem:$0x7CE]  }
0x185: {  	s0 =	sadd.s32 $0x4940, s21;
	s13 =	smov.u32 @p6 s7;
	s7 =	sld [smem:$0x7D1];
	[tilespmem:$0x1FEE0] =	vst v6  }
0x186: {  	p3 =	seq.s32 s20, $0x1;
	s20 =	spop (v2sf);
	v57 =	vld [tilespmem:s23+$0x0];
	s23 =	sor.u32 $0x530, s21  }
0x187: {  	s26 =	smov.u32 @p3 s1;
	[dreg:$0x17] =	wrdreg s23;
	s23 =	spop (v2sf)  }
0x188: {  	s5 =	smov.u32 @p4 s6;
	s0 =	smov.u32 @p2 s16;
	v58 =	vld [tilespmem:s26+$0x0];
	p2 =	seq.s32 s23, $0x0  }
0x189: {  	s6 =	rddreg [dreg:$0x16];
	s26 =	sadd.s32 $0x4530, s21;
	v51 =	vld [tilespmem:s5+$0x0];
	s5 =	simm.s32 @!p2 $0x0  }
0x18a: {  	s14 =	smov.u32 @p1 s7;
	v61 =	vld [tilespmem:s13+$0x0];
	[dreg:$0x18] =	wrdreg s26;
	s5 =	simm.s32 @p2 $0x1  }
0x18b: {  	v63 =	vld [tilespmem:s14+$0x0];
	[smem:$0x7D6] =	sst s5  }
0x18c: {  	(v2sf) =	vpush v5, $0x9;
	p1 =	seq.s32 s20, $0x0;
	s5 =	rddreg [dreg:$0x15]  }
0x18d: {  	(v2sf) =	vpush v4, $0x9;
	s26 =	sor.u32 $0x620, s21;
	s5 =	smov.u32 @p1 s6;
	s6 =	simm.s32 @!p1 $0x0  }
0x18e: {  	[smem:$0x7DC] =	sst s26;
	s6 =	simm.s32 @p1 $0x1  }
0x18f: {  	s13 =	sadd.s32 $0x4620, s21;
	[smem:$0x7DE] =	sst s6  }
0x190: {  	v52 =	vld [tilespmem:s0+$0x0];
	[smem:$0x7DD] =	sst s13  }
0x191: {  	v6 =	vld [tilespmem:s5+$0x0]  }
0x192: {  	s31 =	sadd.s32 $0x46F0, s21  }
0x193: {  	[dreg:$0x8] =	wrdreg s31  }
0x194: {  	s29 =	sor.u32 $0x7E0, s21;
	s0 =	rddreg [dreg:$0x13]  }
0x195: {  	s31 =	sadd.s32 $0x47E0, s21;
	s11 =	sadd.s32 $0x850, s21;
	s5 =	rddreg [dreg:$0x14]  }
0x196: {  	s17 =	sadd.s32 $0x810, s21;
	s2 =	sadd.s32 $0x4880, s21;
	s0 =	smov.u32 @p2 s5;
	[tilespmem:$0x1FEF0] =	vst v6  }
0x197: {  	p4 =	por p5, p5;
	s4 =	sadd.s32 $0x880, s21;
	v46 =	vld [tilespmem:s0+$0x0];
	s0 =	rddreg [dreg:$0x1a]  }
0x198: {  	s14 =	sld [smem:$0x7DB];
	s29 =	smov.u32 @p5 s0;
	s0 =	simm.s32 @!p5 $0x0  }
0x199: {  	s11 =	smov.u32 @p0 s17;
	s17 =	sld [smem:$0x7D3];
	s0 =	simm.s32 @p5 $0x1  }
0x19a: {  	s25 =	sadd.s32 $0x8C0, s21;
	s1 =	sadd.s32 $0x48C0, s21;
	[smem:$0x7DA] =	sst s0  }
0x19b: {  	s25 =	smov.u32 @p6 s4;
	s16 =	spop (v2sf);
	p2 =	seq.s32 s14, $0x1;
	v6 =	vld [tilespmem:s11+$0x0]  }
0x19c: {  	p5 =	seq.s32 s17, $0x1;
	s11 =	sld [smem:$0x7D2];
	v54 =	vld [tilespmem:s25+$0x0];
	s25 =	spop (v2sf)  }
0x19d: {  	s0 =	rddreg [dreg:$0x19];
	s1 =	smov.u32 @p5 s2;
	p5 =	seq.s32 s25, $0x0  }
0x19e: {  	s10 =	sadd.s32 $0x4850, s21;
	v41 =	vld [tilespmem:s29+$0x0];
	s31 =	smov.u32 @p2 s0;
	s2 =	simm.s32 @!p5 $0x0  }
0x19f: {  	s4 =	rddreg [dreg:$0xe];
	v30 =	vld [tilespmem:s31+$0x0];
	s10 =	smov.u32 @p3 s11;
	s2 =	simm.s32 @p5 $0x1  }
0x1a0: {  	v7 =	vld [tilespmem:s10+$0x0];
	[smem:$0x7D9] =	sst s2  }
0x1a1: {  	s10 =	sor.u32 $0x4B0, s21;
	s2 =	rddreg [dreg:$0xd]  }
0x1a2: {  	p6 =	seq.s32 s16, $0x0;
	s11 =	sadd.s32 $0x44B0, s21;
	[smem:$0x7E0] =	sst s10  }
0x1a3: {  	s2 =	smov.u32 @p6 s4;
	v9 =	vld [tilespmem:s1+$0x0];
	[smem:$0x7E1] =	sst s11  }
0x1a4: {  	v8 =	vld [tilespmem:s2+$0x0]  }
0x1a5: {  	s24 =	sor.u32 $0x630, s21  }
0x1a6: {  	[dreg:$0xa] =	wrdreg s24  }
0x1a7: {  	s1 =	rddreg [dreg:$0x8]  }
0x1a8: {  	s24 =	sadd.s32 $0x4670, s21;
	s2 =	rddreg [dreg:$0xc]  }
0x1a9: {  	[dreg:$0x9] =	wrdreg s24;
	s1 =	smov.u32 @p5 s2;
	[tilespmem:$0x1FF00] =	vst v8  }
0x1aa: {  	s24 =	sor.u32 $0x760, s21;
	v44 =	vld [tilespmem:s1+$0x0];
	s1 =	sld [smem:$0x7D4]  }
0x1ab: {  	[dreg:$0x1b] =	wrdreg s24;
	(v2sf) =	vpush v5, $0x8  }
0x1ac: {  	s4 =	rddreg [dreg:$0x1b]  }
0x1ad: {  	(v2sf) =	vpush v4, $0x8;
	s4 =	smov.u32 @p1 s1  }
0x1ae: {  	v8 =	vld [tilespmem:s4+$0x0]  }
0x1af: {  	s16 =	sld [smem:$0x7D6]  }
0x1b0: {  	s4 =	sld [smem:$0x7D5];
	_ =	sdelay $0x1  }
0x1b1: {  	s24 =	sadd.s32 $0x4760, s21;
	p1 =	seq.s32 s16, $0x1  }
0x1b2: {  	s28 =	sor.u32 $0x670, s21;
	s24 =	smov.u32 @p1 s4;
	[tilespmem:$0x1FF10] =	vst v8  }
0x1b3: {  	[dreg:$0x7] =	wrdreg s28;
	s3 =	sadd.s32 $0x45B0, s21;
	v8 =	vld [tilespmem:s24+$0x0]  }
0x1b4: {  	[dreg:$0x10] =	wrdreg s3  }
0x1b5: {  	s3 =	sor.u32 $0x7D0, s21;
	s9 =	sadd.s32 $0x47D0, s21;
	s8 =	sor.u32 $0x790, s21;
	(v2sf) =	vpush v5, $0x7  }
0x1b6: {  	s12 =	sadd.s32 $0x4790, s21;
	s3 =	smov.u32 @p4 s8;
	s11 =	sld [smem:$0x7D7]  }
0x1b7: {  	s23 =	sadd.s32 $0x4840, s21;
	s14 =	sadd.s32 $0x840, s21;
	s5 =	sadd.s32 $0x4800, s21  }
0x1b8: {  	s9 =	smov.u32 @p2 s12;
	s23 =	smov.u32 @p3 s5;
	s5 =	rddreg [dreg:$0x7];
	[tilespmem:$0x1FF20] =	vst v8  }
0x1b9: {  	s0 =	sadd.s32 $0x800, s21;
	s12 =	spop (v2sf);
	p0 =	seq.s32 s11, $0x1;
	v60 =	vld [tilespmem:s3+$0x0]  }
0x1ba: {  	(v2sf) =	vpush v4, $0x7;
	p5 =	seq.s32 s12, $0x0;
	s14 =	smov.u32 @p0 s0;
	s0 =	rddreg [dreg:$0xa];
	v62 =	vld [tilespmem:s9+$0x0]  }
0x1bb: {  	s5 =	smov.u32 @p5 s0;
	v10 =	vld [tilespmem:s14+$0x0];
	s14 =	spop (v2sf);
	s9 =	rddreg [dreg:$0x9]  }
0x1bc: {  	s24 =	sor.u32 $0x430, s21;
	v14 =	vld [tilespmem:s5+$0x0];
	s5 =	rddreg [dreg:$0xb];
	p3 =	seq.s32 s14, $0x0  }
0x1bd: {  	s28 =	sor.u32 $0x6E0, s21;
	v11 =	vld [tilespmem:s23+$0x0];
	[smem:$0x7E4] =	sst s24;
	s9 =	smov.u32 @p3 s5  }
0x1be: {  	s26 =	sadd.s32 $0x4710, s21;
	s11 =	sld [smem:$0x7DE];
	v17 =	vld [tilespmem:s9+$0x0];
	s9 =	simm.s32 @!p6 $0x0  }
0x1bf: {  	s13 =	sadd.s32 $0x4750, s21;
	s24 =	sld [smem:$0x7D9];
	s9 =	simm.s32 @p6 $0x1  }
0x1c0: {  	s15 =	sor.u32 $0x6A0, s21;
	s13 =	smov.u32 @p1 s26;
	[smem:$0x7DF] =	sst s9  }
0x1c1: {  	s20 =	sor.u32 $0x750, s21;
	s30 =	sor.u32 $0x710, s21;
	v26 =	vld [tilespmem:s13+$0x0];
	s13 =	sld [smem:$0x7DA]  }
0x1c2: {  	s28 =	smov.u32 @p6 s15;
	s0 =	sor.u32 $0x780, s21;
	p0 =	seq.s32 s11, $0x1  }
0x1c3: {  	s20 =	smov.u32 @p0 s30;
	s3 =	sor.u32 $0x7C0, s21;
	p4 =	seq.s32 s24, $0x1  }
0x1c4: {  	s24 =	spop (v2sf);
	s9 =	sld [smem:$0x7D8];
	p0 =	seq.s32 s13, $0x1  }
0x1c5: {  	s26 =	sld [smem:$0x7DB];
	s3 =	smov.u32 @p0 s0;
	p0 =	seq.s32 s24, $0x0  }
0x1c6: {  	s22 =	sadd.s32 $0x46E0, s21;
	v16 =	vld [tilespmem:s28+$0x0];
	s0 =	simm.s32 @!p0 $0x0  }
0x1c7: {  	v24 =	vld [tilespmem:s20+$0x0];
	s22 =	smov.u32 @p4 s9;
	s0 =	simm.s32 @p0 $0x1  }
0x1c8: {  	p2 =	seq.s32 s26, $0x1;
	s14 =	sadd.s32 $0x4780, s21;
	v19 =	vld [tilespmem:s22+$0x0];
	[smem:$0x7E5] =	sst s0  }
0x1c9: {  	s5 =	sadd.s32 $0x47C0, s21;
	s0 =	rddreg [dreg:$0x11];
	v53 =	vld [tilespmem:s3+$0x0];
	s3 =	spop (v2sf)  }
0x1ca: {  	s5 =	smov.u32 @p2 s14;
	p2 =	seq.s32 s3, $0x0;
	s3 =	rddreg [dreg:$0x12]  }
0x1cb: {  	s0 =	smov.u32 @p0 s3  }
0x1cc: {  	v12 =	vld [tilespmem:s0+$0x0];
	_ =	sdelay $0x2  }
0x1cd: {  	s3 =	rddreg [dreg:$0x10]  }
0x1ce: {  	s0 =	rddreg [dreg:$0xf]  }
0x1cf: {  	v8 =	vld [tilespmem:s5+$0x0];
	s0 =	smov.u32 @p2 s3;
	[tilespmem:$0x1FF30] =	vst v12  }
0x1d0: {  	(v2sf) =	vpush v5, $0x6;
	v12 =	vld [tilespmem:s0+$0x0];
	s0 =	sld [smem:$0x7DC];
	_ =	sdelay $0x1  }
0x1d1: {  	s7 =	sor.u32 $0x660, s21  }
0x1d2: {  	s7 =	smov.u32 @p5 s0;
	s0 =	simm.s32 @!p5 $0x0  }
0x1d3: {  	s0 =	simm.s32 @p5 $0x1  }
0x1d4: {  	[smem:$0x7E2] =	sst s0  }
0x1d5: {  	s0 =	sld [smem:$0x7DD];
	_ =	sdelay $0x1  }
0x1d6: {  	s6 =	sadd.s32 $0x4660, s21;
	(v2sf) =	vpush v4, $0x6  }
0x1d7: {  	s6 =	smov.u32 @p3 s0;
	s0 =	simm.s32 @!p3 $0x0  }
0x1d8: {  	s8 =	sadd.s32 $0x46D0, s21;
	s10 =	sadd.s32 $0x4690, s21;
	[tilespmem:$0x1FF40] =	vst v12;
	s0 =	simm.s32 @p3 $0x1  }
0x1d9: {  	s8 =	smov.u32 @p4 s10;
	v15 =	vld [tilespmem:s7+$0x0];
	[smem:$0x7E3] =	sst s0  }
0x1da: {  	v32 =	vld [tilespmem:s8+$0x0];
	s8 =	sld [smem:$0x7DE]  }
0x1db: {  	s18 =	sor.u32 $0x570, s21  }
0x1dc: {  	s30 =	sor.u32 $0x700, s21;
	s16 =	sor.u32 $0x690, s21;
	s4 =	sor.u32 $0x6D0, s21  }
0x1dd: {  	s24 =	sor.u32 $0x740, s21;
	s10 =	spop (v2sf);
	p0 =	seq.s32 s8, $0x1  }
0x1de: {  	s4 =	smov.u32 @p6 s16;
	s24 =	smov.u32 @p0 s30;
	p0 =	seq.s32 s10, $0x0  }
0x1df: {  	s3 =	sadd.s32 $0x4740, s21;
	s0 =	sadd.s32 $0x4700, s21;
	v31 =	vld [tilespmem:s4+$0x0];
	s4 =	simm.s32 @!p0 $0x0  }
0x1e0: {  	s3 =	smov.u32 @p1 s0;
	s0 =	rddreg [dreg:$0x17];
	s4 =	simm.s32 @p0 $0x1  }
0x1e1: {  	(v2sf) =	vpush v5, $0x5;
	v18 =	vld [tilespmem:s6+$0x0];
	s18 =	smov.u32 @p0 s0;
	[smem:$0x7E7] =	sst s4  }
0x1e2: {  	v12 =	vld [tilespmem:s18+$0x0];
	_ =	sdelay $0x1  }
0x1e3: {  	s19 =	sadd.s32 $0x4570, s21;
	s15 =	sadd.s32 $0x4470, s21;
	s17 =	sadd.s32 $0x44F0, s21  }
0x1e4: {  	s29 =	sor.u32 $0x5A0, s21;
	s31 =	sor.u32 $0x4F0, s21;
	s16 =	spop (v2sf)  }
0x1e5: {  	s25 =	sadd.s32 $0x45A0, s21;
	p1 =	seq.s32 s16, $0x0;
	s0 =	rddreg [dreg:$0x18];
	v48 =	vld [tilespmem:s24+$0x0]  }
0x1e6: {  	s2 =	sor.u32 $0x5E0, s21;
	s23 =	sadd.s32 $0x4430, s21;
	(v2sf) =	vpush v4, $0x5;
	s19 =	smov.u32 @p1 s0;
	v49 =	vld [tilespmem:s3+$0x0];
	[tilespmem:$0x1FF50] =	vst v12  }
0x1e7: {  	s12 =	sor.u32 $0x470, s21;
	s11 =	sor.u32 $0x610, s21;
	[dreg:$0x1d] =	wrdreg s23;
	v12 =	vld [tilespmem:s19+$0x0]  }
0x1e8: {  	s1 =	sadd.s32 $0x45E0, s21;
	s26 =	sor.u32 $0x3F0, s21;
	s19 =	sld [smem:$0x7E5]  }
0x1e9: {  	s23 =	sor.u32 $0x560, s21;
	s14 =	sadd.s32 $0x4610, s21;
	s28 =	sor.u32 $0x520, s21  }
0x1ea: {  	s20 =	sor.u32 $0x650, s21;
	s1 =	smov.u32 @p2 s25;
	s25 =	sld [smem:$0x7DF]  }
0x1eb: {  	s20 =	smov.u32 @p5 s11;
	s11 =	sadd.s32 $0x46C0, s21;
	p6 =	seq.s32 s19, $0x1  }
0x1ec: {  	s9 =	sadd.s32 $0x4560, s21;
	s22 =	sadd.s32 $0x4520, s21;
	s2 =	smov.u32 @p6 s29;
	[tilespmem:$0x1FF60] =	vst v12  }
0x1ed: {  	s8 =	sor.u32 $0x680, s21;
	p0 =	seq.s32 s25, $0x1;
	v27 =	vld [tilespmem:s2+$0x0];
	s2 =	sor.u32 $0x6C0, s21  }
0x1ee: {  	s13 =	sadd.s32 $0x4650, s21;
	s2 =	smov.u32 @p0 s8;
	s8 =	sld [smem:$0x7E0]  }
0x1ef: {  	s13 =	smov.u32 @p3 s14;
	s14 =	spop (v2sf);
	s0 =	simm.s32 @!p2 $0x0  }
0x1f0: {  	s5 =	sadd.s32 $0x44E0, s21;
	(v2sf) =	vpush v5, $0x4;
	p3 =	seq.s32 s14, $0x0;
	s0 =	simm.s32 @p2 $0x1  }
0x1f1: {  	s7 =	sor.u32 $0x3B0, s21;
	[smem:$0x7E6] =	sst s0;
	s31 =	smov.u32 @p3 s8  }
0x1f2: {  	[dreg:$0x1c] =	wrdreg s7;
	s7 =	sor.u32 $0x4E0, s21;
	s18 =	sadd.s32 $0x4680, s21;
	v12 =	vld [tilespmem:s31+$0x0]  }
0x1f3: {  	s14 =	sor.u32 $0x550, s21;
	s6 =	sor.u32 $0x4A0, s21;
	s11 =	smov.u32 @p4 s18;
	v29 =	vld [tilespmem:s1+$0x0]  }
0x1f4: {  	s16 =	sadd.s32 $0x4590, s21;
	s9 =	smov.u32 @p1 s22;
	v43 =	vld [tilespmem:s11+$0x0];
	s11 =	sld [smem:$0x7E1]  }
0x1f5: {  	s22 =	rddreg [dreg:$0x6];
	s7 =	smov.u32 @p3 s6;
	s18 =	spop (v2sf);
	v35 =	vld [tilespmem:s20+$0x0]  }
0x1f6: {  	s6 =	sadd.s32 $0x45C0, s21;
	s25 =	sld [smem:$0x7E2];
	v37 =	vld [tilespmem:s13+$0x0];
	p0 =	seq.s32 s18, $0x0  }
0x1f7: {  	(v2sf) =	vpush v4, $0x4;
	s30 =	sadd.s32 $0x44A0, s21;
	s10 =	sor.u32 $0x5D0, s21;
	v40 =	vld [tilespmem:s2+$0x0];
	s17 =	smov.u32 @p0 s11;
	[tilespmem:$0x1FF70] =	vst v12  }
0x1f8: {  	v9 =	vmul.f32 v9, v54;
	s4 =	sor.u32 $0x460, s21;
	s3 =	sor.u32 $0x590, s21;
	s24 =	sadd.s32 $0x45D0, s21;
	v12 =	vld [tilespmem:s17+$0x0]  }
0x1f9: {  	s24 =	smov.u32 @p2 s16;
	p2 =	seq.s32 s25, $0x1;
	s19 =	sld [smem:$0x7E7]  }
0x1fa: {  	v9 =	vadd.f32 $0.0e+00, v9;
	s16 =	sor.u32 $0x230, s21;
	s25 =	sadd.s32 $0x4270, s21;
	s10 =	smov.u32 @p6 s3  }
0x1fb: {  	v10 =	vmul.f32 v11, v10;
	v11 =	vmul.f32 v63, v61;
	(v2sf) =	vpush v5, $0x3;
	s3 =	sor.u32 $0x640, s21;
	s29 =	sadd.s32 $0x4230, s21;
	s0 =	sor.u32 $0x370, s21  }
0x1fc: {  	v51 =	vmul.f32 v52, v51;
	v6 =	vmul.f32 v7, v6;
	p5 =	seq.s32 s19, $0x1;
	s1 =	sor.u32 $0x330, s21;
	s20 =	sadd.s32 $0x4420, s21  }
0x1fd: {  	v7 =	vadd.f32 v11, v9;
	v9 =	vld [tilespmem:$0x1FEC0];
	(v2sf) =	vpush v4, $0x3;
	s18 =	sor.u32 $0x510, s21;
	s23 =	smov.u32 @p5 s28;
	s13 =	sadd.s32 $0x4550, s21;
	[tilespmem:$0x1FF80] =	vst v12;
	v12 =	vmul.f32 v28, v25  }
0x1fe: {  	v21 =	vmul.f32 v23, v21;
	v23 =	vadd.f32 $0.0e+00, v51;
	v51 =	vmul.f32 v59, v56;
	s28 =	sor.u32 $0x2B0, s21;
	s2 =	sor.u32 $0x420, s21;
	s5 =	smov.u32 @p0 s30;
	v25 =	vld [tilespmem:s23+$0x0]  }
0x1ff: {  	v50 =	vmul.f32 v50, v39;
	s14 =	smov.u32 @p5 s18;
	p5 =	por p0, p0;
	s31 =	spop (v2sf);
	v28 =	vld [tilespmem:s9+$0x0];
	v12 =	vadd.f32 $0.0e+00, v12  }
0x200: {  	v36 =	vmul.f32 v38, v36;
	v23 =	vadd.f32 v51, v23;
	s30 =	sor.u32 $0x360, s21;
	s8 =	sadd.s32 $0x4460, s21;
	p4 =	seq.s32 s31, $0x0;
	v39 =	vld [tilespmem:s10+$0x0]  }
0x201: {  	v45 =	vmul.f32 v45, v42;
	(v2sf) =	vpush v5, $0x2;
	s31 =	sld [smem:$0x7E8];
	s17 =	sadd.s32 $0x4510, s21;
	s9 =	sor.u32 $0x600, s21;
	v42 =	vld [tilespmem:s24+$0x0];
	v12 =	vadd.f32 v50, v12  }
0x202: {  	v52 =	vmul.f32 v22, v20;
	v36 =	vadd.f32 v36, v23;
	s13 =	smov.u32 @p1 s17;
	v23 =	vld [tilespmem:s5+$0x0];
	s3 =	smov.u32 @p2 s9;
	s9 =	sld [smem:$0x7E3]  }
0x203: {  	v59 =	vmul.f32 v55, v47;
	v10 =	vadd.f32 $0.0e+00, v10;
	s11 =	sadd.s32 $0x4600, s21;
	s4 =	smov.u32 @p4 s2;
	s17 =	sld [smem:$0x7E6];
	v47 =	vld [tilespmem:s13+$0x0];
	v12 =	vadd.f32 v45, v12  }
0x204: {  	v11 =	vadd.f32 v52, v36;
	s2 =	sadd.s32 $0x44D0, s21;
	s10 =	sadd.s32 $0x4640, s21;
	v50 =	vld [tilespmem:s3+$0x0];
	s3 =	sld [smem:$0x7E4]  }
0x205: {  	v6 =	vadd.f32 v6, v10;
	v9 =	vmul.f32 v33, v9;
	s5 =	sor.u32 $0x580, s21;
	v33 =	vld [tilespmem:s4+$0x0];
	s4 =	sadd.s32 $0x4490, s21;
	p2 =	seq.s32 s9, $0x1;
	v12 =	vadd.f32 v21, v12  }
0x206: {  	v10 =	vmul.f32 v58, v57;
	v7 =	vadd.f32 v59, v7;
	(v2sf) =	vpush v5, $0x0;
	s10 =	smov.u32 @p2 s11;
	s11 =	spop (v2sf);
	v45 =	vld [tilespmem:s14+$0x0];
	s14 =	sld [smem:$0x7E5]  }
0x207: {  	v36 =	vperm.xlane v11, v0;
	(v2sf) =	vpush v4, $0x0;
	p6 =	seq.s32 s11, $0x0;
	s12 =	smov.u32 @p4 s3;
	v56 =	vld [tilespmem:s10+$0x0];
	s3 =	rddreg [dreg:$0x1d];
	v61 =	vperm.xlane v12, v0  }
0x208: {  	s2 =	smov.u32 @p5 s4;
	(v2sf) =	vpush v5, $0x1;
	v5 =	vadd.f32 v10, v6;
	v6 =	vmul.f32 v34, v13;
	s10 =	sadd.s32 $0x4580, s21;
	v20 =	vld [tilespmem:s12+$0x0];
	s15 =	smov.u32 @p6 s3  }
0x209: {  	v7 =	vadd.f32 v9, v7;
	s3 =	sor.u32 $0x5C0, s21;
	s8 =	smov.u32 @p6 s20;
	s20 =	sld [smem:$0x7E7];
	v22 =	vld [tilespmem:s15+$0x0];
	v12 =	vadd.f32 v12, v61  }
0x20a: {  	v9 =	vadd.f32 v11, v36;
	v5 =	vadd.f32 v6, v5;
	p2 =	seq.s32 s14, $0x1;
	s15 =	spop (v2sf);
	v36 =	vld [tilespmem:s8+$0x0];
	s8 =	simm.s32 @!p3 $0x0  }
0x20b: {  	v21 =	vld [tilespmem:s7+$0x0];
	v6 =	vperm.xlane v7, v0;
	(v2sf) =	vpush v4, $0x2;
	s3 =	smov.u32 @p2 s5;
	p0 =	seq.s32 s15, $0x0;
	p2 =	seq.s32 s17, $0x1;
	v10 =	vperm.xlane v12, v1  }
0x20c: {  	v11 =	vperm.xlane v9, v1;
	v8 =	vmul.f32 v8, v53;
	s18 =	spop (v2sf);
	(v2sf) =	vpush v4, $0x1;
	v55 =	vld [tilespmem:s3+$0x0];
	s6 =	smov.u32 @p2 s10;
	s3 =	rddreg [dreg:$0x1c]  }
0x20d: {  	s4 =	sor.u32 $0x500, s21;
	s8 =	simm.s32 @p3 $0x1;
	v4 =	vperm.xlane v5, v0;
	v6 =	vadd.f32 v7, v6;
	s26 =	smov.u32 @p0 s3;
	v58 =	vld [tilespmem:s6+$0x0];
	v7 =	vadd.f32 v12, v10  }
0x20e: {  	v9 =	vadd.f32 v9, v11;
	v8 =	vadd.f32 $0.0e+00, v8;
	p2 =	seq.s32 s20, $0x1;
	v13 =	vld [tilespmem:s26+$0x0];
	[smem:$0x7F1] =	sst s8;
	s8 =	sor.u32 $0x540, s21;
	v10 =	vmul.f32 v62, v60  }
0x20f: {  	s23 =	sor.u32 $0x270, s21;
	s24 =	sor.u32 $0x2F0, s21;
	v11 =	vadd.f32 v5, v4;
	v4 =	vperm.xlane v6, v1;
	s8 =	smov.u32 @p2 s4;
	v5 =	vperm.xlane v7, v2  }
0x210: {  	s9 =	sor.u32 $0x3E0, s21;
	s11 =	sor.u32 $0x3A0, s21;
	s19 =	spop (v2sf);
	v57 =	vld [tilespmem:s8+$0x0];
	v8 =	vadd.f32 v10, v8;
	v10 =	vmul.f32 v30, v41  }
0x211: {  	s10 =	sor.u32 $0x490, s21;
	s3 =	sor.u32 $0x4D0, s21;
	p2 =	seq.s32 s19, $0x0;
	v6 =	vadd.f32 v6, v4;
	v4 =	vadd.f32 v7, v5;
	v5 =	vld [tilespmem:$0x1FED0]  }
0x212: {  	s7 =	sadd.s32 $0x43E0, s21;
	s3 =	smov.u32 @p3 s10;
	s8 =	simm.s32 @!p2 $0x0;
	v7 =	vadd.f32 v10, v8;
	v8 =	vld [tilespmem:$0x1FEE0]  }
0x213: {  	s5 =	sadd.s32 $0x43A0, s21;
	s9 =	smov.u32 @p0 s11;
	v34 =	vld [tilespmem:s3+$0x0];
	s8 =	simm.s32 @p2 $0x1  }
0x214: {  	s6 =	sor.u32 $0x480, s21;
	v38 =	vld [tilespmem:s2+$0x0];
	s0 =	smov.u32 @p2 s1;
	[smem:$0x7F2] =	sst s8  }
0x215: {  	s10 =	sadd.s32 $0x4540, s21;
	s26 =	rddreg [dreg:$0x5];
	s2 =	sadd.s32 $0x4500, s21;
	v12 =	vperm.xlane v9, v2;
	v30 =	vld [tilespmem:s0+$0x0]  }
0x216: {  	p3 =	seq.s32 s31, $0x1;
	s3 =	spop (v2sf);
	s10 =	smov.u32 @p1 s2;
	v10 =	vld [tilespmem:$0x1FF00]  }
0x217: {  	s4 =	spop (v2sf);
	s2 =	sor.u32 $0x320, s21;
	p2 =	seq.s32 s18, $0x0;
	v8 =	vmul.f32 v8, v5;
	v5 =	vadd.f32 v9, v12;
	v9 =	vld [tilespmem:$0x1FEF0]  }
0x218: {  	s8 =	sor.u32 $0x450, s21;
	s1 =	simm.s32 @!p2 $0x0;
	s0 =	simm.s32 @!p0 $0x0;
	v12 =	vld [tilespmem:$0x1FF20]  }
0x219: {  	s7 =	smov.u32 @p2 s5;
	s5 =	sor.u32 $0x4C0, s21;
	s0 =	simm.s32 @p0 $0x1;
	v8 =	vadd.f32 v8, v7;
	v7 =	vld [tilespmem:$0x1FF10]  }
.Ltmp0:
0x21a: {  	v63 =	vperm.xlane v11, v1;
	v59 =	vld [tilespmem:s10+$0x0];
	s1 =	simm.s32 @p2 $0x1;
	[smem:$0x7F3] =	sst s0;
	(pc) =	sbr.rel @p3 .LBB2_2-.Ltmp0, $4  }
0x21b: {  	s0 =	sor.u32 $0x410, s21;
	v41 =	vld [tilespmem:s9+$0x0];
	[smem:$0x7F4] =	sst s1;
	s1 =	sadd.s32 $0x4450, s21  }
0x21c: {  	v11 =	vadd.f32 v11, v63;
	s9 =	sadd.s32 $0x4410, s21;
	s8 =	smov.u32 @p4 s0;
	s0 =	simm.s32 @!p6 $0x0;
	v53 =	vmul.f32 v46, v9;
	v9 =	vperm.xlane v6, v2  }
0x21d: {  	v51 =	vmul.f32 v49, v48;
	p2 =	por p4, p4;
	s0 =	simm.s32 @p6 $0x1;
	s1 =	smov.u32 @p6 s9;
	v10 =	vmul.f32 v44, v10;
	v44 =	vld [tilespmem:s8+$0x0]  }
0x21e: {  	v49 =	vperm.xlane v11, v2;
	v46 =	vld [tilespmem:s7+$0x0];
	[smem:$0x7F5] =	sst s0;
	s0 =	sadd.s32 $0x44C0, s21;
	s7 =	sadd.s32 $0x1, s26;
	v7 =	vmul.f32 v12, v7;
	v6 =	vadd.f32 v6, v9  }
0x21f: {  	v9 =	vld [tilespmem:s1+$0x0];
	s1 =	sadd.s32 $0x4480, s21  }
0x220: {  	p3 =	seq.s32 s3, $0x0;
	v61 =	vmul.f32 v43, v40;
	v43 =	vld [tilespmem:$0x1FF40];
	s0 =	smov.u32 @p5 s1  }
0x221: {  	v48 =	vmul.f32 v26, v24;
	v60 =	vperm.xlane v8, v0;
	p4 =	seq.s32 s4, $0x0;
	s23 =	smov.u32 @p3 s16;
	v26 =	vld [tilespmem:s0+$0x0]  }
0x222: {  	s17 =	sld [smem:$0x7F1];
	v62 =	vmul.f32 v19, v16;
	v55 =	vmul.f32 v58, v55;
	s25 =	smov.u32 @p4 s29;
	v16 =	vld [tilespmem:s23+$0x0]  }
0x223: {  	v52 =	vmul.f32 v17, v14;
	v31 =	vmul.f32 v32, v31;
	s19 =	sld [smem:$0x7F2];
	v17 =	vld [tilespmem:s25+$0x0]  }
0x224: {  	s18 =	spop (v2sf);
	s3 =	sor.u32 $0x400, s21;
	v63 =	vadd.f32 v8, v60;
	s0 =	sor.u32 $0x440, s21;
	v32 =	vadd.f32 $0.0e+00, v55;
	v60 =	vmul.f32 v42, v39;
	v42 =	vld [tilespmem:$0x1FF30]  }
0x225: {  	v12 =	vadd.f32 $0.0e+00, v51;
	s20 =	sld [smem:$0x7F3];
	v55 =	vld [tilespmem:$0x1FF50];
	p1 =	seq.s32 s17, $0x1;
	s0 =	smov.u32 @p2 s3  }
0x226: {  	s1 =	sor.u32 $0x3D0, s21;
	v54 =	vadd.f32 $0.0e+00, v61;
	p0 =	seq.s32 s19, $0x1;
	s5 =	smov.u32 @p1 s6;
	v61 =	vadd.f32 v60, v32;
	v32 =	vld [tilespmem:s0+$0x0]  }
0x227: {  	v12 =	vadd.f32 v48, v12;
	s23 =	sld [smem:$0x7F4];
	p1 =	seq.s32 s18, $0x0;
	s30 =	smov.u32 @p0 s2;
	v24 =	vld [tilespmem:s5+$0x0]  }
0x228: {  	v51 =	vmul.f32 v56, v50;
	p6 =	seq.s32 s20, $0x1;
	s2 =	sor.u32 $0x390, s21;
	s24 =	smov.u32 @p1 s28;
	v8 =	vld [tilespmem:s30+$0x0]  }
0x229: {  	s4 =	sadd.s32 $0x4390, s21;
	v12 =	vadd.f32 v7, v12;
	v56 =	vperm.xlane v63, v1;
	s1 =	smov.u32 @p6 s2;
	v7 =	vld [tilespmem:s24+$0x0]  }
0x22a: {  	v35 =	vmul.f32 v37, v35;
	v15 =	vmul.f32 v18, v15;
	v58 =	vadd.f32 $0.0e+00, v51;
	s3 =	sadd.s32 $0x43D0, s21;
	p5 =	seq.s32 s23, $0x1;
	s5 =	sor.u32 $0x380, s21;
	v19 =	vld [tilespmem:s1+$0x0]  }
0x22b: {  	v27 =	vmul.f32 v29, v27;
	v31 =	vadd.f32 v31, v54;
	s3 =	smov.u32 @p5 s4;
	s4 =	sor.u32 $0x3C0, s21;
	s24 =	sld [smem:$0x7F5];
	v29 =	vadd.f32 v63, v56;
	v56 =	vld [tilespmem:$0x1FF60]  }
0x22c: {  	s25 =	spop (v2sf);
	v35 =	vadd.f32 v35, v58;
	v12 =	vadd.f32 v53, v12;
	v63 =	vmul.f32 v59, v57;
	s4 =	smov.u32 @p6 s5;
	v18 =	vld [tilespmem:s3+$0x0]  }
0x22d: {  	v50 =	vmul.f32 v47, v45;
	v14 =	vadd.f32 v11, v49;
	s6 =	sadd.s32 $0x4220, s21;
	s2 =	sadd.s32 $0x4440, s21;
	v11 =	vadd.f32 v62, v31;
	s5 =	sadd.s32 $0x4260, s21;
	v37 =	vld [tilespmem:s4+$0x0]  }
0x22e: {  	s1 =	sadd.s32 $0x4400, s21;
	v15 =	vadd.f32 v15, v35;
	v62 =	vperm.xlane v12, v0;
	s5 =	smov.u32 @p4 s6;
	v49 =	vadd.f32 $0.0e+00, v63;
	v63 =	vld [tilespmem:$0x1FF70];
	p2 =	seq.s32 s24, $0x1  }
0x22f: {  	v27 =	vadd.f32 v27, v61;
	s3 =	sor.u32 $0x220, s21;
	v31 =	vmul.f32 v43, v42;
	v10 =	vadd.f32 v10, v11;
	v42 =	vld [tilespmem:s5+$0x0];
	s2 =	smov.u32 @p2 s1;
	s1 =	sor.u32 $0x260, s21  }
0x230: {  	v25 =	vmul.f32 v28, v25;
	s0 =	sor.u32 $0x2E0, s21;
	s6 =	sor.u32 $0x210, s21;
	v11 =	vadd.f32 v12, v62;
	v12 =	vadd.f32 v50, v49;
	s1 =	smov.u32 @p3 s3;
	v35 =	vld [tilespmem:s2+$0x0]  }
0x231: {  	v22 =	vmul.f32 v22, v20;
	v31 =	vadd.f32 v31, v27;
	s5 =	sor.u32 $0x300, s21;
	v48 =	vperm.xlane v10, v0;
	s3 =	sor.u32 $0x2A0, s21;
	s2 =	sor.u32 $0x310, s21;
	v39 =	vld [tilespmem:s1+$0x0]  }
0x232: {  	v21 =	vmul.f32 v23, v21;
	s1 =	sor.u32 $0x350, s21;
	s0 =	smov.u32 @p1 s3;
	s3 =	sor.u32 $0x340, s21;
	v12 =	vadd.f32 v25, v12;
	v25 =	vmul.f32 v56, v55;
	v56 =	vld [tilespmem:$0x1FF80]  }
0x233: {  	v34 =	vmul.f32 v38, v34;
	v53 =	vperm.xlane v31, v0;
	v10 =	vadd.f32 v10, v48;
	s1 =	smov.u32 @p0 s2;
	s3 =	smov.u32 @p0 s5;
	v27 =	vld [tilespmem:s0+$0x0];
	s5 =	sor.u32 $0x250, s21  }
0x234: {  	v9 =	vmul.f32 v9, v44;
	v16 =	vmul.f32 v17, v16;
	v15 =	vadd.f32 v52, v15;
	s2 =	sadd.s32 $0x4380, s21;
	v45 =	vld [tilespmem:s1+$0x0];
	s1 =	sadd.s32 $0x43C0, s21;
	s5 =	smov.u32 @p3 s6  }
0x235: {  	s7 =	sor.u32 $0x2C0, s21;
	s26 =	spop (v2sf);
	v58 =	vperm.xlane v29, v2;
	v28 =	vadd.f32 v31, v53;
	v54 =	vperm.xlane v10, v1;
	s1 =	smov.u32 @p5 s2;
	v31 =	vld [tilespmem:s5+$0x0]  }
0x236: {  	s4 =	sadd.s32 $0x4210, s21;
	v51 =	vperm.xlane v15, v0;
	p2 =	seq.s32 s25, $0x0;
	v52 =	vperm.xlane v11, v1;
	s2 =	sadd.s32 $0x4250, s21;
	v40 =	vld [tilespmem:s1+$0x0]  }
0x237: {  	v24 =	vmul.f32 v26, v24;
	s6 =	sor.u32 $0x290, s21;
	s1 =	sor.u32 $0x2D0, s21;
	s2 =	smov.u32 @p4 s4;
	v43 =	vadd.f32 v10, v54;
	v10 =	vadd.f32 v29, v58;
	v29 =	vld [tilespmem:s3+$0x0]  }
0x238: {  	v26 =	vmul.f32 v36, v33;
	v15 =	vadd.f32 v15, v51;
	v11 =	vadd.f32 v11, v52;
	s4 =	sadd.s32 $0x4200, s21;
	v48 =	vld [tilespmem:s2+$0x0];
	s1 =	smov.u32 @p1 s6;
	s2 =	sadd.s32 $0x4240, s21  }
0x239: {  	v36 =	vmul.f32 v46, v41;
	v24 =	vadd.f32 $0.0e+00, v24;
	v18 =	vmul.f32 v18, v19;
	s5 =	sor.u32 $0x240, s21;
	s6 =	sor.u32 $0x200, s21;
	s2 =	smov.u32 @p4 s4;
	v50 =	vld [tilespmem:s1+$0x0]  }
0x23a: {  	p0 =	seq.s32 s26, $0x0;
	v57 =	vperm.xlane v15, v1;
	v25 =	vadd.f32 v25, v12;
	v60 =	vperm.xlane v11, v2;
	s5 =	smov.u32 @p3 s6;
	v49 =	vld [tilespmem:s2+$0x0];
	s2 =	sor.u32 $0x280, s21  }
0x23b: {  	v51 =	vadd.f32 v34, v24;
	v59 =	vperm.xlane v28, v1;
	s3 =	sadd.s32 $0x42C0, s21;
	v61 =	vperm.xlane v43, v2;
	v58 =	vld [tilespmem:s5+$0x0];
	s7 =	smov.u32 @p1 s2;
	s2 =	sadd.s32 $0x4280, s21  }
0x23c: {  	s0 =	sadd.s32 $0x4300, s21;
	v15 =	vadd.f32 v15, v57;
	v62 =	vperm.xlane v25, v0;
	s1 =	sadd.s32 $0x4340, s21;
	v11 =	vadd.f32 v11, v60;
	v60 =	vld [tilespmem:s7+$0x0];
	s3 =	smov.u32 @p0 s2  }
0x23d: {  	v32 =	vmul.f32 v35, v32;
	v19 =	vadd.f32 v21, v51;
	s1 =	smov.u32 @p2 s0;
	v12 =	vadd.f32 v43, v61;
	s2 =	sadd.s32 $0x42D0, s21;
	v61 =	vld [tilespmem:s3+$0x0];
	s3 =	sadd.s32 $0x4290, s21  }
0x23e: {  	v28 =	vadd.f32 v28, v59;
	v52 =	vmul.f32 v56, v63;
	v57 =	vperm.xlane v15, v2;
	s0 =	sadd.s32 $0x4350, s21;
	v63 =	vld [tilespmem:s1+$0x0];
	s1 =	sadd.s32 $0x4310, s21;
	s2 =	smov.u32 @p0 s3  }
0x23f: {  	v53 =	vmul.f32 v42, v39;
	v25 =	vadd.f32 v25, v62;
	v32 =	vadd.f32 $0.0e+00, v32;
	s0 =	smov.u32 @p2 s1;
	s3 =	sadd.s32 $0x42A0, s21;
	v41 =	vld [tilespmem:s2+$0x0];
	s2 =	sadd.s32 $0x42E0, s21  }
0x240: {  	v59 =	vperm.xlane v28, v2;
	v19 =	vadd.f32 v52, v19;
	v15 =	vadd.f32 v15, v57;
	s1 =	sadd.s32 $0x4320, s21;
	v46 =	vld [tilespmem:s0+$0x0];
	s0 =	sadd.s32 $0x4360, s21;
	s2 =	smov.u32 @p0 s3  }
0x241: {  	v62 =	vperm.xlane v25, v1;
	v9 =	vadd.f32 v9, v32;
	v55 =	vmul.f32 v40, v37;
	s0 =	smov.u32 @p2 s1;
	s3 =	sadd.s32 $0x42B0, s21;
	v54 =	vld [tilespmem:s2+$0x0];
	s2 =	sadd.s32 $0x42F0, s21  }
0x242: {  	v20 =	vadd.f32 v28, v59;
	s1 =	sadd.s32 $0x4330, s21;
	v56 =	vmul.f32 v49, v58;
	v57 =	vld [tilespmem:s0+$0x0];
	s0 =	sadd.s32 $0x4370, s21;
	s2 =	smov.u32 @p0 s3;
	v23 =	vmul.f32 v61, v60  }
0x243: {  	v25 =	vadd.f32 v25, v62;
	v58 =	vmul.f32 v48, v31;
	s0 =	smov.u32 @p2 s1;
	v28 =	vmul.f32 v63, v29;
	s1 =	sadd.s32 $0x43F0, s21;
	v59 =	vld [tilespmem:s2+$0x0];
	s2 =	sadd.s32 $0x43B0, s21  }
0x244: {  	v62 =	vld [tilespmem:s0+$0x0];
	v60 =	vadd.f32 $0.0e+00, v56;
	v23 =	vadd.f32 $0.0e+00, v23;
	v61 =	vmul.f32 v41, v50;
	s1 =	smov.u32 @p5 s2  }
0x245: {  	v34 =	vadd.f32 $0.0e+00, v55;
	v28 =	vadd.f32 $0.0e+00, v28;
	v17 =	vmul.f32 v46, v45;
	v63 =	vld [tilespmem:s1+$0x0]  }
0x246: {  	v21 =	vadd.f32 v58, v60;
	v23 =	vadd.f32 v61, v23;
	v27 =	vmul.f32 v54, v27  }
0x247: {  	v18 =	vadd.f32 v18, v34;
	v17 =	vadd.f32 v17, v28;
	v8 =	vmul.f32 v57, v8  }
0x248: {  	v21 =	vadd.f32 v53, v21;
	v23 =	vadd.f32 v27, v23;
	v7 =	vmul.f32 v59, v7  }
0x249: {  	v18 =	vadd.f32 v36, v18;
	v8 =	vadd.f32 v8, v17;
	v28 =	vmul.f32 v62, v30  }
0x24a: {  	v16 =	vadd.f32 v16, v21;
	v7 =	vadd.f32 v7, v23;
	v13 =	vmul.f32 v63, v13  }
0x24b: {  	v9 =	vadd.f32 v26, v9;
	v8 =	vadd.f32 v28, v8  }
0x24c: {  	v21 =	vperm.xlane v16, v0;
	v23 =	vperm.xlane v7, v0;
	v13 =	vadd.f32 v13, v18  }
0x24d: {  	v33 =	vperm.xlane v19, v0;
	v9 =	vadd.f32 v22, v9;
	v30 =	vperm.xlane v8, v0  }
0x24e: {  	v16 =	vadd.f32 v16, v21;
	v7 =	vadd.f32 v7, v23;
	v31 =	vperm.xlane v13, v0  }
0x24f: {  	v37 =	vadd.f32 v19, v33;
	v32 =	vperm.xlane v9, v0;
	v8 =	vadd.f32 v8, v30  }
0x250: {  	v34 =	vperm.xlane v16, v1;
	v35 =	vperm.xlane v7, v1;
	v13 =	vadd.f32 v13, v31  }
0x251: {  	v29 =	vperm.xlane v25, v2;
	v9 =	vadd.f32 v9, v32;
	v36 =	vperm.xlane v8, v1  }
0x252: {  	v16 =	vadd.f32 v16, v34;
	v7 =	vadd.f32 v7, v35;
	v38 =	vperm.xlane v13, v1  }
0x253: {  	v22 =	vperm.xlane v37, v1;
	v39 =	vperm.xlane v9, v1;
	v8 =	vadd.f32 v8, v36  }
0x254: {  	v23 =	vperm.xlane v16, v2;
	v24 =	vperm.xlane v7, v2;
	v13 =	vadd.f32 v13, v38  }
0x255: {  	v9 =	vadd.f32 v9, v39;
	v18 =	vadd.f32 v37, v22;
	v40 =	vperm.xlane v8, v2  }
0x256: {  	v16 =	vadd.f32 v16, v23;
	v7 =	vadd.f32 v7, v24;
	v41 =	vperm.xlane v13, v2  }
0x257: {  	v42 =	vperm.xlane v9, v2;
	v22 =	vperm.xlane v18, v2;
	v8 =	vadd.f32 v8, v40  }
0x258: {  	v23 =	vperm.xlane v16, v3;
	v24 =	vperm.xlane v7, v3;
	v13 =	vadd.f32 v13, v41  }
0x259: {  	v9 =	vadd.f32 v9, v42;
	v18 =	vadd.f32 v18, v22;
	v43 =	vperm.xlane v8, v3  }
0x25a: {  	v16 =	vadd.f32 v16, v23;
	v7 =	vadd.f32 v7, v24;
	v44 =	vperm.xlane v13, v3  }
0x25b: {  	v17 =	vadd.f32 v25, v29;
	v45 =	vperm.xlane v9, v3;
	v8 =	vadd.f32 v8, v43  }
0x25c: {  	v46 =	vperm.xlane v18, v3;
	v7 =	vsel vm0, v16, v7;
	v13 =	vadd.f32 v13, v44  }
0x25d: {  	v48 =	vperm.xlane v17, v3;
	v47 =	vadd.f32 v9, v45;
	v7 =	vsel vm1, v7, v8  }
0x25e: {  	v50 =	vperm.xlane v20, v3;
	v49 =	vadd.f32 v18, v46;
	v7 =	vsel vm2, v7, v13  }
0x25f: {  	v52 =	vperm.xlane v15, v3;
	v51 =	vadd.f32 v17, v48;
	v7 =	vsel vm3, v7, v47  }
0x260: {  	v53 =	vadd.f32 v20, v50;
	v54 =	vperm.xlane v12, v3;
	v7 =	vsel vm4, v7, v49  }
0x261: {  	v55 =	vadd.f32 v15, v52;
	v56 =	vperm.xlane v11, v3;
	v7 =	vsel vm5, v7, v51  }
0x262: {  	v57 =	vperm.xlane v10, v3;
	v12 =	vadd.f32 v12, v54;
	v7 =	vsel vm6, v7, v53  }
0x263: {  	v58 =	vadd.f32 v11, v56;
	v59 =	vperm.xlane v14, v3;
	v7 =	vsel vm7, v7, v55  }
0x264: {  	v60 =	vperm.xlane v6, v3;
	v10 =	vadd.f32 v10, v57;
	v7 =	vsel vm8, v7, v12  }
0x265: {  	v62 =	vperm.xlane v5, v3;
	v61 =	vadd.f32 v14, v59;
	v7 =	vsel vm9, v7, v58  }
0x266: {  	v6 =	vadd.f32 v6, v60;
	v63 =	vperm.xlane v4, v3;
	v7 =	vsel vm10, v7, v10  }
0x267: {  	v5 =	vadd.f32 v5, v62;
	v7 =	vsel vm11, v7, v61  }
0x268: {  	v4 =	vadd.f32 v4, v63;
	v6 =	vsel vm12, v7, v6  }
0x269: {  	s28 =	sld [smem:$0x7FC];
	v5 =	vsel vm13, v6, v5  }
0x26a: {  	v4 =	vsel vm14, v5, v4  }
0x26b: {  	s8 =	simm.s32 $0x0;
	s29 =	simm.s32 $0x8200;
	s1 =	simm.s32 $0x3;
	[tilespmem:s22+$0x8200] =	vst v4  }
0x26c: {  	[hbm4b:s28+s8] =	stream.linear.scatter [tilespmem:s29], [sflag:$0x3], $0x80, $0x38;
	[tilespmem:$0x8280] =	vst v63  }
0x26d: {  	_ =	swait.ge [sflag:s1], $0x80  }
0x26e: {  	s30 =	sld [smem:$0x7E9]  }
0x26f: {  	s31 =	sld [smem:$0x7FD];
	_ =	sdelay $0x1  }
0x270: {  	s2 =	sadd.s32 $0x1, s30  }
0x271: {  	p0 =	sne.s32 s2, s31  }
.Ltmp1:
0x272: {  	_ = 	snop;
	(pc) =	sbr.rel @p0 .LBB2_1-.Ltmp1, $3  }
0x273: {  	_ =	sdelay $0x1  }
0x274: {  	[sflag:s1] =	ssyncset.done $0x0  }
0x275: {  	[sflag:s1] =	ssyncadd.s32 $0xFFFFFF80  }
0x276: {  	_ =	sfence.sel $0x180000  }
0x277: {  	[bflag:$0x0] =	sbarrier.arrive $0xFFFF  }
0x278: {  	_ =	strace $0x90000047  }
0x279: {  	s0 =	stileid.u32;
	[bflag:$0x2] =	sbarrier.arrive $0xFFFF  }
0x27a: {  	p0 =	sne.s32 s0, $0x0;
	s0 =	rddreg [dreg:$0x4]  }
0x27b: {  	s0 =	sadd.s32 @!p0 $0x100000, s0  }
0x27c: {  	[sflag:s0] =	ssyncadd.tile.s32 @!p0 $0x1;
	_ =	shalt  }
.Lfunc_end2:
_tile_overlayer_lowered:
.L_overlay_start_2:
0x27d: {  	(tag) =	ssettag $0x2  }
0x27e: {  	s0 =	rddreg [dreg:$0x0];
	s2 =	stileid.u32  }
0x27f: {  	s1 =	rddreg [dreg:$0x1];
	p0 =	sne.s32 s2, $0x0  }
0x280: {  	s3 =	rddreg [dreg:$0x2];
	[bflag:$0x3] =	sbarrier.arrive $0xFFFF;
	s2 =	simm.s32 @!p0 $0x1C03  }
0x281: {  	[timem:s3], [sflag:s2] =	dma.local @!p0 [hbm:s0], s1  }
0x282: {  	s0 =	simm.s32 @!p0 $0x3  }
0x283: {  	_ =	swait.ge @!p0 [sflag:s0], s1  }
0x284: {  	s1 =	ssub.s32 @!p0 $0x0, s1;
	[sflag:s0] =	ssyncset.done @!p0 $0x0  }
0x285: {  	[sflag:s0] =	ssyncadd.s32 @!p0 s1  }
0x286: {  	[bflag:$0x3] =	sbarrier.arrive $0xFFFF  }
0x287: {  	_ =	shalt  }

</sc_bundles>
